<compile_context>
chip_gen: v7x
topology: tpu7x:2x2x1
jax: 0.10.2.dev20260603
libtpu: 0.0.44.dev20260713+nightly
codegen_flags: <defaults>
</compile_context>

<pallas_src>
import functools

import jax
import jax.numpy as jnp
from jax import lax
from jax.experimental import pallas as pl
from jax.experimental.pallas import tpu as pltpu
from jax.experimental.pallas import tpu_sc as plsc

NUM_FACTORS = 128
BATCH = 16384
NSPLIT = 2

_SC_INFO = plsc.get_sparse_core_info()
_NC = _SC_INFO.num_cores
_NS = _SC_INFO.num_subcores
_NW = _NC * _NS
_CHUNK = 64


def _make_sc_gather(batch, row_offset):
    b_per_w = batch // _NW
    nchunks = b_per_w // _CHUNK

    def body(uid, iid, p_hbm, q_hbm, u_hbm, v_hbm,
             op, oq, ou, ov,
             idx_u0, idx_i0, bp0, bq0, bu0, bv0,
             idx_u1, idx_i1, bp1, bq1, bu1, bv1,
             gsem0, gsem1, ssem0, ssem1):
        idx_u = (idx_u0, idx_u1)
        idx_i = (idx_i0, idx_i1)
        bp = (bp0, bp1)
        bq = (bq0, bq1)
        bu = (bu0, bu1)
        bv = (bv0, bv1)
        gsem = (gsem0, gsem1)
        ssem = (ssem0, ssem1)

        wid = lax.axis_index("s") * _NC + lax.axis_index("c")
        base = wid * b_per_w
        ibase = row_offset + base

        def issue_gathers(c, d):
            row0 = base + c * _CHUNK
            irow0 = ibase + c * _CHUNK
            pltpu.sync_copy(uid.at[pl.ds(irow0, _CHUNK)], idx_u[d])
            pltpu.sync_copy(iid.at[pl.ds(irow0, _CHUNK)], idx_i[d])
            return (
                pltpu.async_copy(p_hbm.at[idx_u[d]], bp[d], gsem[d]),
                pltpu.async_copy(q_hbm.at[idx_i[d]], bq[d], gsem[d]),
                pltpu.async_copy(u_hbm.at[idx_u[d]], bu[d], gsem[d]),
                pltpu.async_copy(v_hbm.at[idx_i[d]], bv[d], gsem[d]),
            )

        def issue_scatters(c, d):
            row0 = base + c * _CHUNK
            return (
                pltpu.async_copy(bp[d], op.at[pl.ds(row0, _CHUNK)], ssem[d]),
                pltpu.async_copy(bq[d], oq.at[pl.ds(row0, _CHUNK)], ssem[d]),
                pltpu.async_copy(bu[d], ou.at[pl.ds(row0, _CHUNK)], ssem[d]),
                pltpu.async_copy(bv[d], ov.at[pl.ds(row0, _CHUNK)], ssem[d]),
            )

        gcopies = [None, None]
        scopies = [None, None]
        gcopies[0] = issue_gathers(0, 0)
        if nchunks > 1:
            gcopies[1] = issue_gathers(1, 1)
        for c in range(nchunks):
            d = c % 2
            for cp in gcopies[d]:
                cp.wait()
            scopies[d] = issue_scatters(c, d)
            if c + 2 < nchunks:
                for cp in scopies[d]:
                    cp.wait()
                gcopies[d] = issue_gathers(c + 2, d)
        for d in range(min(2, nchunks)):
            for cp in scopies[d]:
                cp.wait()

    row_shape = jax.ShapeDtypeStruct((batch, NUM_FACTORS), jnp.float32)

    def row_bufs():
        return [
            pltpu.VMEM((_CHUNK,), jnp.int32),
            pltpu.VMEM((_CHUNK,), jnp.int32),
            pltpu.VMEM((_CHUNK, NUM_FACTORS), jnp.float32),
            pltpu.VMEM((_CHUNK, NUM_FACTORS), jnp.float32),
            pltpu.VMEM((_CHUNK, NUM_FACTORS), jnp.float32),
            pltpu.VMEM((_CHUNK, NUM_FACTORS), jnp.float32),
        ]

    return functools.partial(
        pl.kernel,
        mesh=plsc.VectorSubcoreMesh(core_axis_name="c", subcore_axis_name="s"),
        out_type=(row_shape, row_shape, row_shape, row_shape),
        scratch_types=row_bufs() + row_bufs() + [
            pltpu.SemaphoreType.DMA,
            pltpu.SemaphoreType.DMA,
            pltpu.SemaphoreType.DMA,
            pltpu.SemaphoreType.DMA,
        ],
    )(body)


_R = 4096


def _tc_mlp_body(pm, qm, um, vm, w1, b1, w2, b2, w3, b3, wo, out):
    bf = jnp.bfloat16
    xu = um[...].astype(bf)
    xv = vm[...].astype(bf)
    w1v = w1[...].astype(bf)
    h1 = jnp.dot(xu, w1v[:NUM_FACTORS], preferred_element_type=jnp.float32)
    h1 += jnp.dot(xv, w1v[NUM_FACTORS:], preferred_element_type=jnp.float32)
    h1 = jnp.maximum(h1 + b1[...][None, :], 0.0).astype(bf)
    h2 = jnp.dot(h1, w2[...].astype(bf), preferred_element_type=jnp.float32)
    h2 = jnp.maximum(h2 + b2[...][None, :], 0.0).astype(bf)
    h3 = jnp.dot(h2, w3[...].astype(bf), preferred_element_type=jnp.float32)
    h3 = jnp.maximum(h3 + b3[...][None, :], 0.0)
    gmf = pm[...] * qm[...]
    wov = wo[...]
    z = jnp.dot(gmf, wov[:NUM_FACTORS], preferred_element_type=jnp.float32)
    z += jnp.dot(h3, wov[NUM_FACTORS:], preferred_element_type=jnp.float32)
    out[...] = jax.nn.sigmoid(z)


def _tc_mlp(pm, qm, um, vm, w1, b1, w2, b2, w3, b3, wo):
    batch = pm.shape[0]
    grid = (batch // _R,)
    row_spec = pl.BlockSpec((_R, NUM_FACTORS), lambda i: (i, 0))
    full = lambda s: pl.BlockSpec(s, lambda i: (0,) * len(s))
    return pl.pallas_call(
        _tc_mlp_body,
        grid=grid,
        in_specs=[
            row_spec, row_spec, row_spec, row_spec,
            full(w1.shape), full(b1.shape),
            full(w2.shape), full(b2.shape),
            full(w3.shape), full(b3.shape),
            full(wo.shape),
        ],
        out_specs=pl.BlockSpec((_R, 1), lambda i: (i, 0)),
        out_shape=jax.ShapeDtypeStruct((batch, 1), jnp.float32),
    )(pm, qm, um, vm, w1, b1, w2, b2, w3, b3, wo)


def kernel(user_ids, item_ids, P, Q, U, V, W1, b1, W2, b2, W3, b3, Wo):
    splits = (12288, 4096)
    gathered = []
    off = 0
    for sz in splits:
        sc = _make_sc_gather(sz, off)
        gathered.append(sc(user_ids, item_ids, P, Q, U, V))
        off += sz
    outs = [
        _tc_mlp(pm, qm, um, vm, W1, b1, W2, b2, W3, b3, Wo)
        for (pm, qm, um, vm) in gathered
    ]
    return jnp.concatenate(outs, axis=0)

# --- scband reference (transcript-rebuilt; emitter-appended) ---
"""Pipeline reference for scband-neu-mf-63428077027482 (READ-ONLY COPY).

The authoritative reference and input builder live on the scoring server;
editing this copy changes nothing except your own understanding.
"""

import jax, jax.numpy as jnp
import numpy as np

NUM_USERS = 100000
NUM_ITEMS = 100000
NUM_FACTORS = 128
HIDDENS = [256, 128, 64]
BATCH = 16384


def setup_inputs(seed: int = 0) -> dict:
    key = jax.random.key(seed)
    ks = jax.random.split(key, 16)
    user_ids = jax.random.randint(ks[0], (BATCH,), 0, NUM_USERS)
    item_ids = jax.random.randint(ks[1], (BATCH,), 0, NUM_ITEMS)
    scale = 0.02
    P = jax.random.normal(ks[2], (NUM_USERS, NUM_FACTORS), dtype=jnp.float32) * scale
    Q = jax.random.normal(ks[3], (NUM_ITEMS, NUM_FACTORS), dtype=jnp.float32) * scale
    U = jax.random.normal(ks[4], (NUM_USERS, NUM_FACTORS), dtype=jnp.float32) * scale
    V = jax.random.normal(ks[5], (NUM_ITEMS, NUM_FACTORS), dtype=jnp.float32) * scale
    # MLP: input dim = 2*NUM_FACTORS = 256 -> 256 -> 128 -> 64
    W1 = jax.random.normal(ks[6], (2 * NUM_FACTORS, HIDDENS[0]), dtype=jnp.float32) * scale
    b1 = jnp.zeros((HIDDENS[0],), dtype=jnp.float32)
    W2 = jax.random.normal(ks[7], (HIDDENS[0], HIDDENS[1]), dtype=jnp.float32) * scale
    b2 = jnp.zeros((HIDDENS[1],), dtype=jnp.float32)
    W3 = jax.random.normal(ks[8], (HIDDENS[1], HIDDENS[2]), dtype=jnp.float32) * scale
    b3 = jnp.zeros((HIDDENS[2],), dtype=jnp.float32)
    # output layer: concat(gmf [128], mlp [64]) -> 1, sigmoid, no bias
    Wo = jax.random.normal(ks[9], (NUM_FACTORS + HIDDENS[2], 1), dtype=jnp.float32) * scale
    return {
        "user_ids": user_ids, "item_ids": item_ids,
        "P": P, "Q": Q, "U": U, "V": V,
        "W1": W1, "b1": b1, "W2": W2, "b2": b2, "W3": W3, "b3": b3,
        "Wo": Wo,
    }


def reference(user_ids, item_ids, P, Q, U, V, W1, b1, W2, b2, W3, b3, Wo):
    # GMF branch: embedding lookups + elementwise product
    p_mf = jnp.take(P, user_ids, axis=0)
    q_mf = jnp.take(Q, item_ids, axis=0)
    gmf = p_mf * q_mf
    # MLP branch: embedding lookups + concat + dense stack
    p_mlp = jnp.take(U, user_ids, axis=0)
    q_mlp = jnp.take(V, item_ids, axis=0)
    h = jnp.concatenate([p_mlp, q_mlp], axis=1)
    h = jax.nn.relu(h @ W1 + b1)
    h = jax.nn.relu(h @ W2 + b2)
    h = jax.nn.relu(h @ W3 + b3)
    # final concat + sigmoid output (no bias)
    out = jax.nn.sigmoid(jnp.concatenate([gmf, h], axis=1) @ Wo)
    return out

if __name__ == "__main__":
    import jax
    _d = setup_inputs()
    print(jax.jit(kernel)(*tuple(_d.values())))

</pallas_src>

<mosaic_0001>
#map = affine_map<(d0, d1) -> (0)>
#map1 = affine_map<(d0, d1) -> (0, 0)>
module attributes {stable_mosaic.version = 14 : i64} {
  func.func @body(%arg0: i32, %arg1: i32, %arg2: memref<16384xi32, #tpu.memory_space<hbm>>, %arg3: memref<16384xi32, #tpu.memory_space<hbm>>, %arg4: memref<100000x128xf32, #tpu.memory_space<hbm>>, %arg5: memref<100000x128xf32, #tpu.memory_space<hbm>>, %arg6: memref<100000x128xf32, #tpu.memory_space<hbm>>, %arg7: memref<100000x128xf32, #tpu.memory_space<hbm>>, %arg8: memref<12288x128xf32, #tpu.memory_space<hbm>>, %arg9: memref<12288x128xf32, #tpu.memory_space<hbm>>, %arg10: memref<12288x128xf32, #tpu.memory_space<hbm>>, %arg11: memref<12288x128xf32, #tpu.memory_space<hbm>>, %arg12: memref<64xi32, #tpu.memory_space<vmem>>, %arg13: memref<64xi32, #tpu.memory_space<vmem>>, %arg14: memref<64x128xf32, #tpu.memory_space<vmem>>, %arg15: memref<64x128xf32, #tpu.memory_space<vmem>>, %arg16: memref<64x128xf32, #tpu.memory_space<vmem>>, %arg17: memref<64x128xf32, #tpu.memory_space<vmem>>, %arg18: memref<64xi32, #tpu.memory_space<vmem>>, %arg19: memref<64xi32, #tpu.memory_space<vmem>>, %arg20: memref<64x128xf32, #tpu.memory_space<vmem>>, %arg21: memref<64x128xf32, #tpu.memory_space<vmem>>, %arg22: memref<64x128xf32, #tpu.memory_space<vmem>>, %arg23: memref<64x128xf32, #tpu.memory_space<vmem>>, %arg24: memref<!tpu.dma_semaphore, #tpu.memory_space<semaphore_mem>>, %arg25: memref<!tpu.dma_semaphore, #tpu.memory_space<semaphore_mem>>, %arg26: memref<!tpu.dma_semaphore, #tpu.memory_space<semaphore_mem>>, %arg27: memref<!tpu.dma_semaphore, #tpu.memory_space<semaphore_mem>>) attributes {dimension_semantics = [#tpu.dimension_semantics<core_parallel>, #tpu.dimension_semantics<subcore_parallel>], iteration_bounds = array<i64: 2, 16>, scalar_prefetch = 0 : i64, scratch_operands = 16 : i64, tpu.core_type = #tpu.core_type<sc_vector_subcore>, window_params = [{transform_indices = #map}, {transform_indices = #map}, {transform_indices = #map1}, {transform_indices = #map1}, {transform_indices = #map1}, {transform_indices = #map1}, {transform_indices = #map1}, {transform_indices = #map1}, {transform_indices = #map1}, {transform_indices = #map1}]} {
    %mul3A = arith.constant 2 : i32
    %mul3A_0 = arith.muli %arg1, %mul3A : i32
    %add3A = arith.addi %mul3A_0, %arg0 : i32
    %mul3A_1 = arith.constant 384 : i32
    %mul3A_2 = arith.muli %add3A, %mul3A_1 : i32
    %add3A_3 = arith.constant 0 : i32
    %add3A_4 = arith.addi %add3A_3, %mul3A_2 : i32
    %add3A_5 = arith.constant 0 : i32
    %add3A_6 = arith.addi %mul3A_2, %add3A_5 : i32
    %add3A_7 = arith.constant 0 : i32
    %add3A_8 = arith.addi %add3A_4, %add3A_7 : i32
    "tpu.region"() ({
      %run_scoped3A = tpu.sem_alloc : memref<!tpu.dma_semaphore, #tpu.memory_space<semaphore_mem>>
      %dma_start3A_375 = tpu.memref_slice %arg2[%add3A_8] : memref<16384xi32, #tpu.memory_space<hbm>> -> memref<64xi32, #tpu.memory_space<hbm>>
      %dma_start3A_376 = tpu.memref_slice %arg2[%add3A_8] : memref<16384xi32, #tpu.memory_space<hbm>> -> memref<64xi32, #tpu.memory_space<hbm>>
      tpu.enqueue_dma source(%dma_start3A_376 : memref<64xi32, #tpu.memory_space<hbm>>) target(%arg12 : memref<64xi32, #tpu.memory_space<vmem>>) target_semaphore(%run_scoped3A : memref<!tpu.dma_semaphore, #tpu.memory_space<semaphore_mem>>)
      %dma_wait3A_377 = tpu.memref_slice %arg2[%add3A_8] : memref<16384xi32, #tpu.memory_space<hbm>> -> memref<64xi32, #tpu.memory_space<hbm>>
      %dma_wait3A_378 = tpu.memref_slice %arg2[%add3A_8] : memref<16384xi32, #tpu.memory_space<hbm>> -> memref<64xi32, #tpu.memory_space<hbm>>
      tpu.wait_dma2 semaphore(%run_scoped3A : memref<!tpu.dma_semaphore, #tpu.memory_space<semaphore_mem>>) src(%dma_wait3A_378 : memref<64xi32, #tpu.memory_space<hbm>>) dst(%arg12 : memref<64xi32, #tpu.memory_space<vmem>>)
      tpu.yield
    }) : () -> ()
    "tpu.region"() ({
      %run_scoped3A = tpu.sem_alloc : memref<!tpu.dma_semaphore, #tpu.memory_space<semaphore_mem>>
      %dma_start3A_375 = tpu.memref_slice %arg3[%add3A_8] : memref<16384xi32, #tpu.memory_space<hbm>> -> memref<64xi32, #tpu.memory_space<hbm>>
      %dma_start3A_376 = tpu.memref_slice %arg3[%add3A_8] : memref<16384xi32, #tpu.memory_space<hbm>> -> memref<64xi32, #tpu.memory_space<hbm>>
      tpu.enqueue_dma source(%dma_start3A_376 : memref<64xi32, #tpu.memory_space<hbm>>) target(%arg13 : memref<64xi32, #tpu.memory_space<vmem>>) target_semaphore(%run_scoped3A : memref<!tpu.dma_semaphore, #tpu.memory_space<semaphore_mem>>)
      %dma_wait3A_377 = tpu.memref_slice %arg3[%add3A_8] : memref<16384xi32, #tpu.memory_space<hbm>> -> memref<64xi32, #tpu.memory_space<hbm>>
      %dma_wait3A_378 = tpu.memref_slice %arg3[%add3A_8] : memref<16384xi32, #tpu.memory_space<hbm>> -> memref<64xi32, #tpu.memory_space<hbm>>
      tpu.wait_dma2 semaphore(%run_scoped3A : memref<!tpu.dma_semaphore, #tpu.memory_space<semaphore_mem>>) src(%dma_wait3A_378 : memref<64xi32, #tpu.memory_space<hbm>>) dst(%arg13 : memref<64xi32, #tpu.memory_space<vmem>>)
      tpu.yield
    }) : () -> ()
    %dma_start3A = arith.constant 0 : i32
    %dma_start3A_9 = arith.constant 0 : i32
    %dma_start3A_10 = tpu.memref_slice %arg4[%dma_start3A, %dma_start3A_9] : memref<100000x128xf32, #tpu.memory_space<hbm>> -> memref<100000x128xf32, #tpu.memory_space<hbm>>
    tpu.enqueue_indirect_dma source(%dma_start3A_10 : memref<100000x128xf32, #tpu.memory_space<hbm>>) target(%arg14 : memref<64x128xf32, #tpu.memory_space<vmem>>) offsets(%arg12 : memref<64xi32, #tpu.memory_space<vmem>>) semaphore(%arg24 : memref<!tpu.dma_semaphore, #tpu.memory_space<semaphore_mem>>)
    %dma_start3A_11 = arith.constant 0 : i32
    %dma_start3A_12 = arith.constant 0 : i32
    %dma_start3A_13 = tpu.memref_slice %arg5[%dma_start3A_11, %dma_start3A_12] : memref<100000x128xf32, #tpu.memory_space<hbm>> -> memref<100000x128xf32, #tpu.memory_space<hbm>>
    tpu.enqueue_indirect_dma source(%dma_start3A_13 : memref<100000x128xf32, #tpu.memory_space<hbm>>) target(%arg15 : memref<64x128xf32, #tpu.memory_space<vmem>>) offsets(%arg13 : memref<64xi32, #tpu.memory_space<vmem>>) semaphore(%arg24 : memref<!tpu.dma_semaphore, #tpu.memory_space<semaphore_mem>>)
    %dma_start3A_14 = arith.constant 0 : i32
    %dma_start3A_15 = arith.constant 0 : i32
    %dma_start3A_16 = tpu.memref_slice %arg6[%dma_start3A_14, %dma_start3A_15] : memref<100000x128xf32, #tpu.memory_space<hbm>> -> memref<100000x128xf32, #tpu.memory_space<hbm>>
    tpu.enqueue_indirect_dma source(%dma_start3A_16 : memref<100000x128xf32, #tpu.memory_space<hbm>>) target(%arg16 : memref<64x128xf32, #tpu.memory_space<vmem>>) offsets(%arg12 : memref<64xi32, #tpu.memory_space<vmem>>) semaphore(%arg24 : memref<!tpu.dma_semaphore, #tpu.memory_space<semaphore_mem>>)
    %dma_start3A_17 = arith.constant 0 : i32
    %dma_start3A_18 = arith.constant 0 : i32
    %dma_start3A_19 = tpu.memref_slice %arg7[%dma_start3A_17, %dma_start3A_18] : memref<100000x128xf32, #tpu.memory_space<hbm>> -> memref<100000x128xf32, #tpu.memory_space<hbm>>
    tpu.enqueue_indirect_dma source(%dma_start3A_19 : memref<100000x128xf32, #tpu.memory_space<hbm>>) target(%arg17 : memref<64x128xf32, #tpu.memory_space<vmem>>) offsets(%arg13 : memref<64xi32, #tpu.memory_space<vmem>>) semaphore(%arg24 : memref<!tpu.dma_semaphore, #tpu.memory_space<semaphore_mem>>)
    %add3A_20 = arith.constant 64 : i32
    %add3A_21 = arith.addi %mul3A_2, %add3A_20 : i32
    %add3A_22 = arith.constant 64 : i32
    %add3A_23 = arith.addi %add3A_4, %add3A_22 : i32
    "tpu.region"() ({
      %run_scoped3A = tpu.sem_alloc : memref<!tpu.dma_semaphore, #tpu.memory_space<semaphore_mem>>
      %dma_start3A_375 = tpu.memref_slice %arg2[%add3A_23] : memref<16384xi32, #tpu.memory_space<hbm>> -> memref<64xi32, #tpu.memory_space<hbm>>
      %dma_start3A_376 = tpu.memref_slice %arg2[%add3A_23] : memref<16384xi32, #tpu.memory_space<hbm>> -> memref<64xi32, #tpu.memory_space<hbm>>
      tpu.enqueue_dma source(%dma_start3A_376 : memref<64xi32, #tpu.memory_space<hbm>>) target(%arg18 : memref<64xi32, #tpu.memory_space<vmem>>) target_semaphore(%run_scoped3A : memref<!tpu.dma_semaphore, #tpu.memory_space<semaphore_mem>>)
      %dma_wait3A_377 = tpu.memref_slice %arg2[%add3A_23] : memref<16384xi32, #tpu.memory_space<hbm>> -> memref<64xi32, #tpu.memory_space<hbm>>
      %dma_wait3A_378 = tpu.memref_slice %arg2[%add3A_23] : memref<16384xi32, #tpu.memory_space<hbm>> -> memref<64xi32, #tpu.memory_space<hbm>>
      tpu.wait_dma2 semaphore(%run_scoped3A : memref<!tpu.dma_semaphore, #tpu.memory_space<semaphore_mem>>) src(%dma_wait3A_378 : memref<64xi32, #tpu.memory_space<hbm>>) dst(%arg18 : memref<64xi32, #tpu.memory_space<vmem>>)
      tpu.yield
    }) : () -> ()
    "tpu.region"() ({
      %run_scoped3A = tpu.sem_alloc : memref<!tpu.dma_semaphore, #tpu.memory_space<semaphore_mem>>
      %dma_start3A_375 = tpu.memref_slice %arg3[%add3A_23] : memref<16384xi32, #tpu.memory_space<hbm>> -> memref<64xi32, #tpu.memory_space<hbm>>
      %dma_start3A_376 = tpu.memref_slice %arg3[%add3A_23] : memref<16384xi32, #tpu.memory_space<hbm>> -> memref<64xi32, #tpu.memory_space<hbm>>
      tpu.enqueue_dma source(%dma_start3A_376 : memref<64xi32, #tpu.memory_space<hbm>>) target(%arg19 : memref<64xi32, #tpu.memory_space<vmem>>) target_semaphore(%run_scoped3A : memref<!tpu.dma_semaphore, #tpu.memory_space<semaphore_mem>>)
      %dma_wait3A_377 = tpu.memref_slice %arg3[%add3A_23] : memref<16384xi32, #tpu.memory_space<hbm>> -> memref<64xi32, #tpu.memory_space<hbm>>
      %dma_wait3A_378 = tpu.memref_slice %arg3[%add3A_23] : memref<16384xi32, #tpu.memory_space<hbm>> -> memref<64xi32, #tpu.memory_space<hbm>>
      tpu.wait_dma2 semaphore(%run_scoped3A : memref<!tpu.dma_semaphore, #tpu.memory_space<semaphore_mem>>) src(%dma_wait3A_378 : memref<64xi32, #tpu.memory_space<hbm>>) dst(%arg19 : memref<64xi32, #tpu.memory_space<vmem>>)
      tpu.yield
    }) : () -> ()
    %dma_start3A_24 = arith.constant 0 : i32
    %dma_start3A_25 = arith.constant 0 : i32
    %dma_start3A_26 = tpu.memref_slice %arg4[%dma_start3A_24, %dma_start3A_25] : memref<100000x128xf32, #tpu.memory_space<hbm>> -> memref<100000x128xf32, #tpu.memory_space<hbm>>
    tpu.enqueue_indirect_dma source(%dma_start3A_26 : memref<100000x128xf32, #tpu.memory_space<hbm>>) target(%arg20 : memref<64x128xf32, #tpu.memory_space<vmem>>) offsets(%arg18 : memref<64xi32, #tpu.memory_space<vmem>>) semaphore(%arg25 : memref<!tpu.dma_semaphore, #tpu.memory_space<semaphore_mem>>)
    %dma_start3A_27 = arith.constant 0 : i32
    %dma_start3A_28 = arith.constant 0 : i32
    %dma_start3A_29 = tpu.memref_slice %arg5[%dma_start3A_27, %dma_start3A_28] : memref<100000x128xf32, #tpu.memory_space<hbm>> -> memref<100000x128xf32, #tpu.memory_space<hbm>>
    tpu.enqueue_indirect_dma source(%dma_start3A_29 : memref<100000x128xf32, #tpu.memory_space<hbm>>) target(%arg21 : memref<64x128xf32, #tpu.memory_space<vmem>>) offsets(%arg19 : memref<64xi32, #tpu.memory_space<vmem>>) semaphore(%arg25 : memref<!tpu.dma_semaphore, #tpu.memory_space<semaphore_mem>>)
    %dma_start3A_30 = arith.constant 0 : i32
    %dma_start3A_31 = arith.constant 0 : i32
    %dma_start3A_32 = tpu.memref_slice %arg6[%dma_start3A_30, %dma_start3A_31] : memref<100000x128xf32, #tpu.memory_space<hbm>> -> memref<100000x128xf32, #tpu.memory_space<hbm>>
    tpu.enqueue_indirect_dma source(%dma_start3A_32 : memref<100000x128xf32, #tpu.memory_space<hbm>>) target(%arg22 : memref<64x128xf32, #tpu.memory_space<vmem>>) offsets(%arg18 : memref<64xi32, #tpu.memory_space<vmem>>) semaphore(%arg25 : memref<!tpu.dma_semaphore, #tpu.memory_space<semaphore_mem>>)
    %dma_start3A_33 = arith.constant 0 : i32
    %dma_start3A_34 = arith.constant 0 : i32
    %dma_start3A_35 = tpu.memref_slice %arg7[%dma_start3A_33, %dma_start3A_34] : memref<100000x128xf32, #tpu.memory_space<hbm>> -> memref<100000x128xf32, #tpu.memory_space<hbm>>
    tpu.enqueue_indirect_dma source(%dma_start3A_35 : memref<100000x128xf32, #tpu.memory_space<hbm>>) target(%arg23 : memref<64x128xf32, #tpu.memory_space<vmem>>) offsets(%arg19 : memref<64xi32, #tpu.memory_space<vmem>>) semaphore(%arg25 : memref<!tpu.dma_semaphore, #tpu.memory_space<semaphore_mem>>)
    %dma_wait3A = arith.constant 0 : i32
    %dma_wait3A_36 = arith.constant 0 : i32
    %dma_wait3A_37 = tpu.memref_slice %arg4[%dma_wait3A, %dma_wait3A_36] : memref<100000x128xf32, #tpu.memory_space<hbm>> -> memref<100000x128xf32, #tpu.memory_space<hbm>>
    tpu.wait_indirect_dma semaphore(%arg24 : memref<!tpu.dma_semaphore, #tpu.memory_space<semaphore_mem>>) src(%dma_wait3A_37 : memref<100000x128xf32, #tpu.memory_space<hbm>>) dst(%arg14 : memref<64x128xf32, #tpu.memory_space<vmem>>)
    %dma_wait3A_38 = arith.constant 0 : i32
    %dma_wait3A_39 = arith.constant 0 : i32
    %dma_wait3A_40 = tpu.memref_slice %arg5[%dma_wait3A_38, %dma_wait3A_39] : memref<100000x128xf32, #tpu.memory_space<hbm>> -> memref<100000x128xf32, #tpu.memory_space<hbm>>
    tpu.wait_indirect_dma semaphore(%arg24 : memref<!tpu.dma_semaphore, #tpu.memory_space<semaphore_mem>>) src(%dma_wait3A_40 : memref<100000x128xf32, #tpu.memory_space<hbm>>) dst(%arg15 : memref<64x128xf32, #tpu.memory_space<vmem>>)
    %dma_wait3A_41 = arith.constant 0 : i32
    %dma_wait3A_42 = arith.constant 0 : i32
    %dma_wait3A_43 = tpu.memref_slice %arg6[%dma_wait3A_41, %dma_wait3A_42] : memref<100000x128xf32, #tpu.memory_space<hbm>> -> memref<100000x128xf32, #tpu.memory_space<hbm>>
    tpu.wait_indirect_dma semaphore(%arg24 : memref<!tpu.dma_semaphore, #tpu.memory_space<semaphore_mem>>) src(%dma_wait3A_43 : memref<100000x128xf32, #tpu.memory_space<hbm>>) dst(%arg16 : memref<64x128xf32, #tpu.memory_space<vmem>>)
    %dma_wait3A_44 = arith.constant 0 : i32
    %dma_wait3A_45 = arith.constant 0 : i32
    %dma_wait3A_46 = tpu.memref_slice %arg7[%dma_wait3A_44, %dma_wait3A_45] : memref<100000x128xf32, #tpu.memory_space<hbm>> -> memref<100000x128xf32, #tpu.memory_space<hbm>>
    tpu.wait_indirect_dma semaphore(%arg24 : memref<!tpu.dma_semaphore, #tpu.memory_space<semaphore_mem>>) src(%dma_wait3A_46 : memref<100000x128xf32, #tpu.memory_space<hbm>>) dst(%arg17 : memref<64x128xf32, #tpu.memory_space<vmem>>)
    %add3A_47 = arith.constant 0 : i32
    %add3A_48 = arith.addi %mul3A_2, %add3A_47 : i32
    %dma_start3A_49 = arith.constant 0 : i32
    %dma_start3A_50 = tpu.memref_slice %arg8[%add3A_48, %dma_start3A_49] : memref<12288x128xf32, #tpu.memory_space<hbm>> -> memref<64x128xf32, #tpu.memory_space<hbm>>
    %dma_start3A_51 = arith.constant 0 : i32
    %dma_start3A_52 = tpu.memref_slice %arg8[%add3A_48, %dma_start3A_51] : memref<12288x128xf32, #tpu.memory_space<hbm>> -> memref<64x128xf32, #tpu.memory_space<hbm>>
    tpu.enqueue_dma source(%arg14 : memref<64x128xf32, #tpu.memory_space<vmem>>) target(%dma_start3A_52 : memref<64x128xf32, #tpu.memory_space<hbm>>) target_semaphore(%arg26 : memref<!tpu.dma_semaphore, #tpu.memory_space<semaphore_mem>>)
    %dma_start3A_53 = arith.constant 0 : i32
    %dma_start3A_54 = tpu.memref_slice %arg9[%add3A_48, %dma_start3A_53] : memref<12288x128xf32, #tpu.memory_space<hbm>> -> memref<64x128xf32, #tpu.memory_space<hbm>>
    %dma_start3A_55 = arith.constant 0 : i32
    %dma_start3A_56 = tpu.memref_slice %arg9[%add3A_48, %dma_start3A_55] : memref<12288x128xf32, #tpu.memory_space<hbm>> -> memref<64x128xf32, #tpu.memory_space<hbm>>
    tpu.enqueue_dma source(%arg15 : memref<64x128xf32, #tpu.memory_space<vmem>>) target(%dma_start3A_56 : memref<64x128xf32, #tpu.memory_space<hbm>>) target_semaphore(%arg26 : memref<!tpu.dma_semaphore, #tpu.memory_space<semaphore_mem>>)
    %dma_start3A_57 = arith.constant 0 : i32
    %dma_start3A_58 = tpu.memref_slice %arg10[%add3A_48, %dma_start3A_57] : memref<12288x128xf32, #tpu.memory_space<hbm>> -> memref<64x128xf32, #tpu.memory_space<hbm>>
    %dma_start3A_59 = arith.constant 0 : i32
    %dma_start3A_60 = tpu.memref_slice %arg10[%add3A_48, %dma_start3A_59] : memref<12288x128xf32, #tpu.memory_space<hbm>> -> memref<64x128xf32, #tpu.memory_space<hbm>>
    tpu.enqueue_dma source(%arg16 : memref<64x128xf32, #tpu.memory_space<vmem>>) target(%dma_start3A_60 : memref<64x128xf32, #tpu.memory_space<hbm>>) target_semaphore(%arg26 : memref<!tpu.dma_semaphore, #tpu.memory_space<semaphore_mem>>)
    %dma_start3A_61 = arith.constant 0 : i32
    %dma_start3A_62 = tpu.memref_slice %arg11[%add3A_48, %dma_start3A_61] : memref<12288x128xf32, #tpu.memory_space<hbm>> -> memref<64x128xf32, #tpu.memory_space<hbm>>
    %dma_start3A_63 = arith.constant 0 : i32
    %dma_start3A_64 = tpu.memref_slice %arg11[%add3A_48, %dma_start3A_63] : memref<12288x128xf32, #tpu.memory_space<hbm>> -> memref<64x128xf32, #tpu.memory_space<hbm>>
    tpu.enqueue_dma source(%arg17 : memref<64x128xf32, #tpu.memory_space<vmem>>) target(%dma_start3A_64 : memref<64x128xf32, #tpu.memory_space<hbm>>) target_semaphore(%arg26 : memref<!tpu.dma_semaphore, #tpu.memory_space<semaphore_mem>>)
    %dma_wait3A_65 = arith.constant 0 : i32
    %dma_wait3A_66 = tpu.memref_slice %arg8[%add3A_48, %dma_wait3A_65] : memref<12288x128xf32, #tpu.memory_space<hbm>> -> memref<64x128xf32, #tpu.memory_space<hbm>>
    %dma_wait3A_67 = arith.constant 0 : i32
    %dma_wait3A_68 = tpu.memref_slice %arg8[%add3A_48, %dma_wait3A_67] : memref<12288x128xf32, #tpu.memory_space<hbm>> -> memref<64x128xf32, #tpu.memory_space<hbm>>
    tpu.wait_dma2 semaphore(%arg26 : memref<!tpu.dma_semaphore, #tpu.memory_space<semaphore_mem>>) src(%arg14 : memref<64x128xf32, #tpu.memory_space<vmem>>) dst(%dma_wait3A_68 : memref<64x128xf32, #tpu.memory_space<hbm>>)
    %dma_wait3A_69 = arith.constant 0 : i32
    %dma_wait3A_70 = tpu.memref_slice %arg9[%add3A_48, %dma_wait3A_69] : memref<12288x128xf32, #tpu.memory_space<hbm>> -> memref<64x128xf32, #tpu.memory_space<hbm>>
    %dma_wait3A_71 = arith.constant 0 : i32
    %dma_wait3A_72 = tpu.memref_slice %arg9[%add3A_48, %dma_wait3A_71] : memref<12288x128xf32, #tpu.memory_space<hbm>> -> memref<64x128xf32, #tpu.memory_space<hbm>>
    tpu.wait_dma2 semaphore(%arg26 : memref<!tpu.dma_semaphore, #tpu.memory_space<semaphore_mem>>) src(%arg15 : memref<64x128xf32, #tpu.memory_space<vmem>>) dst(%dma_wait3A_72 : memref<64x128xf32, #tpu.memory_space<hbm>>)
    %dma_wait3A_73 = arith.constant 0 : i32
    %dma_wait3A_74 = tpu.memref_slice %arg10[%add3A_48, %dma_wait3A_73] : memref<12288x128xf32, #tpu.memory_space<hbm>> -> memref<64x128xf32, #tpu.memory_space<hbm>>
    %dma_wait3A_75 = arith.constant 0 : i32
    %dma_wait3A_76 = tpu.memref_slice %arg10[%add3A_48, %dma_wait3A_75] : memref<12288x128xf32, #tpu.memory_space<hbm>> -> memref<64x128xf32, #tpu.memory_space<hbm>>
    tpu.wait_dma2 semaphore(%arg26 : memref<!tpu.dma_semaphore, #tpu.memory_space<semaphore_mem>>) src(%arg16 : memref<64x128xf32, #tpu.memory_space<vmem>>) dst(%dma_wait3A_76 : memref<64x128xf32, #tpu.memory_space<hbm>>)
    %dma_wait3A_77 = arith.constant 0 : i32
    %dma_wait3A_78 = tpu.memref_slice %arg11[%add3A_48, %dma_wait3A_77] : memref<12288x128xf32, #tpu.memory_space<hbm>> -> memref<64x128xf32, #tpu.memory_space<hbm>>
    %dma_wait3A_79 = arith.constant 0 : i32
    %dma_wait3A_80 = tpu.memref_slice %arg11[%add3A_48, %dma_wait3A_79] : memref<12288x128xf32, #tpu.memory_space<hbm>> -> memref<64x128xf32, #tpu.memory_space<hbm>>
    tpu.wait_dma2 semaphore(%arg26 : memref<!tpu.dma_semaphore, #tpu.memory_space<semaphore_mem>>) src(%arg17 : memref<64x128xf32, #tpu.memory_space<vmem>>) dst(%dma_wait3A_80 : memref<64x128xf32, #tpu.memory_space<hbm>>)
    %add3A_81 = arith.constant 128 : i32
    %add3A_82 = arith.addi %mul3A_2, %add3A_81 : i32
    %add3A_83 = arith.constant 128 : i32
    %add3A_84 = arith.addi %add3A_4, %add3A_83 : i32
    "tpu.region"() ({
      %run_scoped3A = tpu.sem_alloc : memref<!tpu.dma_semaphore, #tpu.memory_space<semaphore_mem>>
      %dma_start3A_375 = tpu.memref_slice %arg2[%add3A_84] : memref<16384xi32, #tpu.memory_space<hbm>> -> memref<64xi32, #tpu.memory_space<hbm>>
      %dma_start3A_376 = tpu.memref_slice %arg2[%add3A_84] : memref<16384xi32, #tpu.memory_space<hbm>> -> memref<64xi32, #tpu.memory_space<hbm>>
      tpu.enqueue_dma source(%dma_start3A_376 : memref<64xi32, #tpu.memory_space<hbm>>) target(%arg12 : memref<64xi32, #tpu.memory_space<vmem>>) target_semaphore(%run_scoped3A : memref<!tpu.dma_semaphore, #tpu.memory_space<semaphore_mem>>)
      %dma_wait3A_377 = tpu.memref_slice %arg2[%add3A_84] : memref<16384xi32, #tpu.memory_space<hbm>> -> memref<64xi32, #tpu.memory_space<hbm>>
      %dma_wait3A_378 = tpu.memref_slice %arg2[%add3A_84] : memref<16384xi32, #tpu.memory_space<hbm>> -> memref<64xi32, #tpu.memory_space<hbm>>
      tpu.wait_dma2 semaphore(%run_scoped3A : memref<!tpu.dma_semaphore, #tpu.memory_space<semaphore_mem>>) src(%dma_wait3A_378 : memref<64xi32, #tpu.memory_space<hbm>>) dst(%arg12 : memref<64xi32, #tpu.memory_space<vmem>>)
      tpu.yield
    }) : () -> ()
    "tpu.region"() ({
      %run_scoped3A = tpu.sem_alloc : memref<!tpu.dma_semaphore, #tpu.memory_space<semaphore_mem>>
      %dma_start3A_375 = tpu.memref_slice %arg3[%add3A_84] : memref<16384xi32, #tpu.memory_space<hbm>> -> memref<64xi32, #tpu.memory_space<hbm>>
      %dma_start3A_376 = tpu.memref_slice %arg3[%add3A_84] : memref<16384xi32, #tpu.memory_space<hbm>> -> memref<64xi32, #tpu.memory_space<hbm>>
      tpu.enqueue_dma source(%dma_start3A_376 : memref<64xi32, #tpu.memory_space<hbm>>) target(%arg13 : memref<64xi32, #tpu.memory_space<vmem>>) target_semaphore(%run_scoped3A : memref<!tpu.dma_semaphore, #tpu.memory_space<semaphore_mem>>)
      %dma_wait3A_377 = tpu.memref_slice %arg3[%add3A_84] : memref<16384xi32, #tpu.memory_space<hbm>> -> memref<64xi32, #tpu.memory_space<hbm>>
      %dma_wait3A_378 = tpu.memref_slice %arg3[%add3A_84] : memref<16384xi32, #tpu.memory_space<hbm>> -> memref<64xi32, #tpu.memory_space<hbm>>
      tpu.wait_dma2 semaphore(%run_scoped3A : memref<!tpu.dma_semaphore, #tpu.memory_space<semaphore_mem>>) src(%dma_wait3A_378 : memref<64xi32, #tpu.memory_space<hbm>>) dst(%arg13 : memref<64xi32, #tpu.memory_space<vmem>>)
      tpu.yield
    }) : () -> ()
    %dma_start3A_85 = arith.constant 0 : i32
    %dma_start3A_86 = arith.constant 0 : i32
    %dma_start3A_87 = tpu.memref_slice %arg4[%dma_start3A_85, %dma_start3A_86] : memref<100000x128xf32, #tpu.memory_space<hbm>> -> memref<100000x128xf32, #tpu.memory_space<hbm>>
    tpu.enqueue_indirect_dma source(%dma_start3A_87 : memref<100000x128xf32, #tpu.memory_space<hbm>>) target(%arg14 : memref<64x128xf32, #tpu.memory_space<vmem>>) offsets(%arg12 : memref<64xi32, #tpu.memory_space<vmem>>) semaphore(%arg24 : memref<!tpu.dma_semaphore, #tpu.memory_space<semaphore_mem>>)
    %dma_start3A_88 = arith.constant 0 : i32
    %dma_start3A_89 = arith.constant 0 : i32
    %dma_start3A_90 = tpu.memref_slice %arg5[%dma_start3A_88, %dma_start3A_89] : memref<100000x128xf32, #tpu.memory_space<hbm>> -> memref<100000x128xf32, #tpu.memory_space<hbm>>
    tpu.enqueue_indirect_dma source(%dma_start3A_90 : memref<100000x128xf32, #tpu.memory_space<hbm>>) target(%arg15 : memref<64x128xf32, #tpu.memory_space<vmem>>) offsets(%arg13 : memref<64xi32, #tpu.memory_space<vmem>>) semaphore(%arg24 : memref<!tpu.dma_semaphore, #tpu.memory_space<semaphore_mem>>)
    %dma_start3A_91 = arith.constant 0 : i32
    %dma_start3A_92 = arith.constant 0 : i32
    %dma_start3A_93 = tpu.memref_slice %arg6[%dma_start3A_91, %dma_start3A_92] : memref<100000x128xf32, #tpu.memory_space<hbm>> -> memref<100000x128xf32, #tpu.memory_space<hbm>>
    tpu.enqueue_indirect_dma source(%dma_start3A_93 : memref<100000x128xf32, #tpu.memory_space<hbm>>) target(%arg16 : memref<64x128xf32, #tpu.memory_space<vmem>>) offsets(%arg12 : memref<64xi32, #tpu.memory_space<vmem>>) semaphore(%arg24 : memref<!tpu.dma_semaphore, #tpu.memory_space<semaphore_mem>>)
    %dma_start3A_94 = arith.constant 0 : i32
    %dma_start3A_95 = arith.constant 0 : i32
    %dma_start3A_96 = tpu.memref_slice %arg7[%dma_start3A_94, %dma_start3A_95] : memref<100000x128xf32, #tpu.memory_space<hbm>> -> memref<100000x128xf32, #tpu.memory_space<hbm>>
    tpu.enqueue_indirect_dma source(%dma_start3A_96 : memref<100000x128xf32, #tpu.memory_space<hbm>>) target(%arg17 : memref<64x128xf32, #tpu.memory_space<vmem>>) offsets(%arg13 : memref<64xi32, #tpu.memory_space<vmem>>) semaphore(%arg24 : memref<!tpu.dma_semaphore, #tpu.memory_space<semaphore_mem>>)
    %dma_wait3A_97 = arith.constant 0 : i32
    %dma_wait3A_98 = arith.constant 0 : i32
    %dma_wait3A_99 = tpu.memref_slice %arg4[%dma_wait3A_97, %dma_wait3A_98] : memref<100000x128xf32, #tpu.memory_space<hbm>> -> memref<100000x128xf32, #tpu.memory_space<hbm>>
    tpu.wait_indirect_dma semaphore(%arg25 : memref<!tpu.dma_semaphore, #tpu.memory_space<semaphore_mem>>) src(%dma_wait3A_99 : memref<100000x128xf32, #tpu.memory_space<hbm>>) dst(%arg20 : memref<64x128xf32, #tpu.memory_space<vmem>>)
    %dma_wait3A_100 = arith.constant 0 : i32
    %dma_wait3A_101 = arith.constant 0 : i32
    %dma_wait3A_102 = tpu.memref_slice %arg5[%dma_wait3A_100, %dma_wait3A_101] : memref<100000x128xf32, #tpu.memory_space<hbm>> -> memref<100000x128xf32, #tpu.memory_space<hbm>>
    tpu.wait_indirect_dma semaphore(%arg25 : memref<!tpu.dma_semaphore, #tpu.memory_space<semaphore_mem>>) src(%dma_wait3A_102 : memref<100000x128xf32, #tpu.memory_space<hbm>>) dst(%arg21 : memref<64x128xf32, #tpu.memory_space<vmem>>)
    %dma_wait3A_103 = arith.constant 0 : i32
    %dma_wait3A_104 = arith.constant 0 : i32
    %dma_wait3A_105 = tpu.memref_slice %arg6[%dma_wait3A_103, %dma_wait3A_104] : memref<100000x128xf32, #tpu.memory_space<hbm>> -> memref<100000x128xf32, #tpu.memory_space<hbm>>
    tpu.wait_indirect_dma semaphore(%arg25 : memref<!tpu.dma_semaphore, #tpu.memory_space<semaphore_mem>>) src(%dma_wait3A_105 : memref<100000x128xf32, #tpu.memory_space<hbm>>) dst(%arg22 : memref<64x128xf32, #tpu.memory_space<vmem>>)
    %dma_wait3A_106 = arith.constant 0 : i32
    %dma_wait3A_107 = arith.constant 0 : i32
    %dma_wait3A_108 = tpu.memref_slice %arg7[%dma_wait3A_106, %dma_wait3A_107] : memref<100000x128xf32, #tpu.memory_space<hbm>> -> memref<100000x128xf32, #tpu.memory_space<hbm>>
    tpu.wait_indirect_dma semaphore(%arg25 : memref<!tpu.dma_semaphore, #tpu.memory_space<semaphore_mem>>) src(%dma_wait3A_108 : memref<100000x128xf32, #tpu.memory_space<hbm>>) dst(%arg23 : memref<64x128xf32, #tpu.memory_space<vmem>>)
    %add3A_109 = arith.constant 64 : i32
    %add3A_110 = arith.addi %mul3A_2, %add3A_109 : i32
    %dma_start3A_111 = arith.constant 0 : i32
    %dma_start3A_112 = tpu.memref_slice %arg8[%add3A_110, %dma_start3A_111] : memref<12288x128xf32, #tpu.memory_space<hbm>> -> memref<64x128xf32, #tpu.memory_space<hbm>>
    %dma_start3A_113 = arith.constant 0 : i32
    %dma_start3A_114 = tpu.memref_slice %arg8[%add3A_110, %dma_start3A_113] : memref<12288x128xf32, #tpu.memory_space<hbm>> -> memref<64x128xf32, #tpu.memory_space<hbm>>
    tpu.enqueue_dma source(%arg20 : memref<64x128xf32, #tpu.memory_space<vmem>>) target(%dma_start3A_114 : memref<64x128xf32, #tpu.memory_space<hbm>>) target_semaphore(%arg27 : memref<!tpu.dma_semaphore, #tpu.memory_space<semaphore_mem>>)
    %dma_start3A_115 = arith.constant 0 : i32
    %dma_start3A_116 = tpu.memref_slice %arg9[%add3A_110, %dma_start3A_115] : memref<12288x128xf32, #tpu.memory_space<hbm>> -> memref<64x128xf32, #tpu.memory_space<hbm>>
    %dma_start3A_117 = arith.constant 0 : i32
    %dma_start3A_118 = tpu.memref_slice %arg9[%add3A_110, %dma_start3A_117] : memref<12288x128xf32, #tpu.memory_space<hbm>> -> memref<64x128xf32, #tpu.memory_space<hbm>>
    tpu.enqueue_dma source(%arg21 : memref<64x128xf32, #tpu.memory_space<vmem>>) target(%dma_start3A_118 : memref<64x128xf32, #tpu.memory_space<hbm>>) target_semaphore(%arg27 : memref<!tpu.dma_semaphore, #tpu.memory_space<semaphore_mem>>)
    %dma_start3A_119 = arith.constant 0 : i32
    %dma_start3A_120 = tpu.memref_slice %arg10[%add3A_110, %dma_start3A_119] : memref<12288x128xf32, #tpu.memory_space<hbm>> -> memref<64x128xf32, #tpu.memory_space<hbm>>
    %dma_start3A_121 = arith.constant 0 : i32
    %dma_start3A_122 = tpu.memref_slice %arg10[%add3A_110, %dma_start3A_121] : memref<12288x128xf32, #tpu.memory_space<hbm>> -> memref<64x128xf32, #tpu.memory_space<hbm>>
    tpu.enqueue_dma source(%arg22 : memref<64x128xf32, #tpu.memory_space<vmem>>) target(%dma_start3A_122 : memref<64x128xf32, #tpu.memory_space<hbm>>) target_semaphore(%arg27 : memref<!tpu.dma_semaphore, #tpu.memory_space<semaphore_mem>>)
    %dma_start3A_123 = arith.constant 0 : i32
    %dma_start3A_124 = tpu.memref_slice %arg11[%add3A_110, %dma_start3A_123] : memref<12288x128xf32, #tpu.memory_space<hbm>> -> memref<64x128xf32, #tpu.memory_space<hbm>>
    %dma_start3A_125 = arith.constant 0 : i32
    %dma_start3A_126 = tpu.memref_slice %arg11[%add3A_110, %dma_start3A_125] : memref<12288x128xf32, #tpu.memory_space<hbm>> -> memref<64x128xf32, #tpu.memory_space<hbm>>
    tpu.enqueue_dma source(%arg23 : memref<64x128xf32, #tpu.memory_space<vmem>>) target(%dma_start3A_126 : memref<64x128xf32, #tpu.memory_space<hbm>>) target_semaphore(%arg27 : memref<!tpu.dma_semaphore, #tpu.memory_space<semaphore_mem>>)
    %dma_wait3A_127 = arith.constant 0 : i32
    %dma_wait3A_128 = tpu.memref_slice %arg8[%add3A_110, %dma_wait3A_127] : memref<12288x128xf32, #tpu.memory_space<hbm>> -> memref<64x128xf32, #tpu.memory_space<hbm>>
    %dma_wait3A_129 = arith.constant 0 : i32
    %dma_wait3A_130 = tpu.memref_slice %arg8[%add3A_110, %dma_wait3A_129] : memref<12288x128xf32, #tpu.memory_space<hbm>> -> memref<64x128xf32, #tpu.memory_space<hbm>>
    tpu.wait_dma2 semaphore(%arg27 : memref<!tpu.dma_semaphore, #tpu.memory_space<semaphore_mem>>) src(%arg20 : memref<64x128xf32, #tpu.memory_space<vmem>>) dst(%dma_wait3A_130 : memref<64x128xf32, #tpu.memory_space<hbm>>)
    %dma_wait3A_131 = arith.constant 0 : i32
    %dma_wait3A_132 = tpu.memref_slice %arg9[%add3A_110, %dma_wait3A_131] : memref<12288x128xf32, #tpu.memory_space<hbm>> -> memref<64x128xf32, #tpu.memory_space<hbm>>
    %dma_wait3A_133 = arith.constant 0 : i32
    %dma_wait3A_134 = tpu.memref_slice %arg9[%add3A_110, %dma_wait3A_133] : memref<12288x128xf32, #tpu.memory_space<hbm>> -> memref<64x128xf32, #tpu.memory_space<hbm>>
    tpu.wait_dma2 semaphore(%arg27 : memref<!tpu.dma_semaphore, #tpu.memory_space<semaphore_mem>>) src(%arg21 : memref<64x128xf32, #tpu.memory_space<vmem>>) dst(%dma_wait3A_134 : memref<64x128xf32, #tpu.memory_space<hbm>>)
    %dma_wait3A_135 = arith.constant 0 : i32
    %dma_wait3A_136 = tpu.memref_slice %arg10[%add3A_110, %dma_wait3A_135] : memref<12288x128xf32, #tpu.memory_space<hbm>> -> memref<64x128xf32, #tpu.memory_space<hbm>>
    %dma_wait3A_137 = arith.constant 0 : i32
    %dma_wait3A_138 = tpu.memref_slice %arg10[%add3A_110, %dma_wait3A_137] : memref<12288x128xf32, #tpu.memory_space<hbm>> -> memref<64x128xf32, #tpu.memory_space<hbm>>
    tpu.wait_dma2 semaphore(%arg27 : memref<!tpu.dma_semaphore, #tpu.memory_space<semaphore_mem>>) src(%arg22 : memref<64x128xf32, #tpu.memory_space<vmem>>) dst(%dma_wait3A_138 : memref<64x128xf32, #tpu.memory_space<hbm>>)
    %dma_wait3A_139 = arith.constant 0 : i32
    %dma_wait3A_140 = tpu.memref_slice %arg11[%add3A_110, %dma_wait3A_139] : memref<12288x128xf32, #tpu.memory_space<hbm>> -> memref<64x128xf32, #tpu.memory_space<hbm>>
    %dma_wait3A_141 = arith.constant 0 : i32
    %dma_wait3A_142 = tpu.memref_slice %arg11[%add3A_110, %dma_wait3A_141] : memref<12288x128xf32, #tpu.memory_space<hbm>> -> memref<64x128xf32, #tpu.memory_space<hbm>>
    tpu.wait_dma2 semaphore(%arg27 : memref<!tpu.dma_semaphore, #tpu.memory_space<semaphore_mem>>) src(%arg23 : memref<64x128xf32, #tpu.memory_space<vmem>>) dst(%dma_wait3A_142 : memref<64x128xf32, #tpu.memory_space<hbm>>)
    %add3A_143 = arith.constant 192 : i32
    %add3A_144 = arith.addi %mul3A_2, %add3A_143 : i32
    %add3A_145 = arith.constant 192 : i32
    %add3A_146 = arith.addi %add3A_4, %add3A_145 : i32
    "tpu.region"() ({
      %run_scoped3A = tpu.sem_alloc : memref<!tpu.dma_semaphore, #tpu.memory_space<semaphore_mem>>
      %dma_start3A_375 = tpu.memref_slice %arg2[%add3A_146] : memref<16384xi32, #tpu.memory_space<hbm>> -> memref<64xi32, #tpu.memory_space<hbm>>
      %dma_start3A_376 = tpu.memref_slice %arg2[%add3A_146] : memref<16384xi32, #tpu.memory_space<hbm>> -> memref<64xi32, #tpu.memory_space<hbm>>
      tpu.enqueue_dma source(%dma_start3A_376 : memref<64xi32, #tpu.memory_space<hbm>>) target(%arg18 : memref<64xi32, #tpu.memory_space<vmem>>) target_semaphore(%run_scoped3A : memref<!tpu.dma_semaphore, #tpu.memory_space<semaphore_mem>>)
      %dma_wait3A_377 = tpu.memref_slice %arg2[%add3A_146] : memref<16384xi32, #tpu.memory_space<hbm>> -> memref<64xi32, #tpu.memory_space<hbm>>
      %dma_wait3A_378 = tpu.memref_slice %arg2[%add3A_146] : memref<16384xi32, #tpu.memory_space<hbm>> -> memref<64xi32, #tpu.memory_space<hbm>>
      tpu.wait_dma2 semaphore(%run_scoped3A : memref<!tpu.dma_semaphore, #tpu.memory_space<semaphore_mem>>) src(%dma_wait3A_378 : memref<64xi32, #tpu.memory_space<hbm>>) dst(%arg18 : memref<64xi32, #tpu.memory_space<vmem>>)
      tpu.yield
    }) : () -> ()
    "tpu.region"() ({
      %run_scoped3A = tpu.sem_alloc : memref<!tpu.dma_semaphore, #tpu.memory_space<semaphore_mem>>
      %dma_start3A_375 = tpu.memref_slice %arg3[%add3A_146] : memref<16384xi32, #tpu.memory_space<hbm>> -> memref<64xi32, #tpu.memory_space<hbm>>
      %dma_start3A_376 = tpu.memref_slice %arg3[%add3A_146] : memref<16384xi32, #tpu.memory_space<hbm>> -> memref<64xi32, #tpu.memory_space<hbm>>
      tpu.enqueue_dma source(%dma_start3A_376 : memref<64xi32, #tpu.memory_space<hbm>>) target(%arg19 : memref<64xi32, #tpu.memory_space<vmem>>) target_semaphore(%run_scoped3A : memref<!tpu.dma_semaphore, #tpu.memory_space<semaphore_mem>>)
      %dma_wait3A_377 = tpu.memref_slice %arg3[%add3A_146] : memref<16384xi32, #tpu.memory_space<hbm>> -> memref<64xi32, #tpu.memory_space<hbm>>
      %dma_wait3A_378 = tpu.memref_slice %arg3[%add3A_146] : memref<16384xi32, #tpu.memory_space<hbm>> -> memref<64xi32, #tpu.memory_space<hbm>>
      tpu.wait_dma2 semaphore(%run_scoped3A : memref<!tpu.dma_semaphore, #tpu.memory_space<semaphore_mem>>) src(%dma_wait3A_378 : memref<64xi32, #tpu.memory_space<hbm>>) dst(%arg19 : memref<64xi32, #tpu.memory_space<vmem>>)
      tpu.yield
    }) : () -> ()
    %dma_start3A_147 = arith.constant 0 : i32
    %dma_start3A_148 = arith.constant 0 : i32
    %dma_start3A_149 = tpu.memref_slice %arg4[%dma_start3A_147, %dma_start3A_148] : memref<100000x128xf32, #tpu.memory_space<hbm>> -> memref<100000x128xf32, #tpu.memory_space<hbm>>
    tpu.enqueue_indirect_dma source(%dma_start3A_149 : memref<100000x128xf32, #tpu.memory_space<hbm>>) target(%arg20 : memref<64x128xf32, #tpu.memory_space<vmem>>) offsets(%arg18 : memref<64xi32, #tpu.memory_space<vmem>>) semaphore(%arg25 : memref<!tpu.dma_semaphore, #tpu.memory_space<semaphore_mem>>)
    %dma_start3A_150 = arith.constant 0 : i32
    %dma_start3A_151 = arith.constant 0 : i32
    %dma_start3A_152 = tpu.memref_slice %arg5[%dma_start3A_150, %dma_start3A_151] : memref<100000x128xf32, #tpu.memory_space<hbm>> -> memref<100000x128xf32, #tpu.memory_space<hbm>>
    tpu.enqueue_indirect_dma source(%dma_start3A_152 : memref<100000x128xf32, #tpu.memory_space<hbm>>) target(%arg21 : memref<64x128xf32, #tpu.memory_space<vmem>>) offsets(%arg19 : memref<64xi32, #tpu.memory_space<vmem>>) semaphore(%arg25 : memref<!tpu.dma_semaphore, #tpu.memory_space<semaphore_mem>>)
    %dma_start3A_153 = arith.constant 0 : i32
    %dma_start3A_154 = arith.constant 0 : i32
    %dma_start3A_155 = tpu.memref_slice %arg6[%dma_start3A_153, %dma_start3A_154] : memref<100000x128xf32, #tpu.memory_space<hbm>> -> memref<100000x128xf32, #tpu.memory_space<hbm>>
    tpu.enqueue_indirect_dma source(%dma_start3A_155 : memref<100000x128xf32, #tpu.memory_space<hbm>>) target(%arg22 : memref<64x128xf32, #tpu.memory_space<vmem>>) offsets(%arg18 : memref<64xi32, #tpu.memory_space<vmem>>) semaphore(%arg25 : memref<!tpu.dma_semaphore, #tpu.memory_space<semaphore_mem>>)
    %dma_start3A_156 = arith.constant 0 : i32
    %dma_start3A_157 = arith.constant 0 : i32
    %dma_start3A_158 = tpu.memref_slice %arg7[%dma_start3A_156, %dma_start3A_157] : memref<100000x128xf32, #tpu.memory_space<hbm>> -> memref<100000x128xf32, #tpu.memory_space<hbm>>
    tpu.enqueue_indirect_dma source(%dma_start3A_158 : memref<100000x128xf32, #tpu.memory_space<hbm>>) target(%arg23 : memref<64x128xf32, #tpu.memory_space<vmem>>) offsets(%arg19 : memref<64xi32, #tpu.memory_space<vmem>>) semaphore(%arg25 : memref<!tpu.dma_semaphore, #tpu.memory_space<semaphore_mem>>)
    %dma_wait3A_159 = arith.constant 0 : i32
    %dma_wait3A_160 = arith.constant 0 : i32
    %dma_wait3A_161 = tpu.memref_slice %arg4[%dma_wait3A_159, %dma_wait3A_160] : memref<100000x128xf32, #tpu.memory_space<hbm>> -> memref<100000x128xf32, #tpu.memory_space<hbm>>
    tpu.wait_indirect_dma semaphore(%arg24 : memref<!tpu.dma_semaphore, #tpu.memory_space<semaphore_mem>>) src(%dma_wait3A_161 : memref<100000x128xf32, #tpu.memory_space<hbm>>) dst(%arg14 : memref<64x128xf32, #tpu.memory_space<vmem>>)
    %dma_wait3A_162 = arith.constant 0 : i32
    %dma_wait3A_163 = arith.constant 0 : i32
    %dma_wait3A_164 = tpu.memref_slice %arg5[%dma_wait3A_162, %dma_wait3A_163] : memref<100000x128xf32, #tpu.memory_space<hbm>> -> memref<100000x128xf32, #tpu.memory_space<hbm>>
    tpu.wait_indirect_dma semaphore(%arg24 : memref<!tpu.dma_semaphore, #tpu.memory_space<semaphore_mem>>) src(%dma_wait3A_164 : memref<100000x128xf32, #tpu.memory_space<hbm>>) dst(%arg15 : memref<64x128xf32, #tpu.memory_space<vmem>>)
    %dma_wait3A_165 = arith.constant 0 : i32
    %dma_wait3A_166 = arith.constant 0 : i32
    %dma_wait3A_167 = tpu.memref_slice %arg6[%dma_wait3A_165, %dma_wait3A_166] : memref<100000x128xf32, #tpu.memory_space<hbm>> -> memref<100000x128xf32, #tpu.memory_space<hbm>>
    tpu.wait_indirect_dma semaphore(%arg24 : memref<!tpu.dma_semaphore, #tpu.memory_space<semaphore_mem>>) src(%dma_wait3A_167 : memref<100000x128xf32, #tpu.memory_space<hbm>>) dst(%arg16 : memref<64x128xf32, #tpu.memory_space<vmem>>)
    %dma_wait3A_168 = arith.constant 0 : i32
    %dma_wait3A_169 = arith.constant 0 : i32
    %dma_wait3A_170 = tpu.memref_slice %arg7[%dma_wait3A_168, %dma_wait3A_169] : memref<100000x128xf32, #tpu.memory_space<hbm>> -> memref<100000x128xf32, #tpu.memory_space<hbm>>
    tpu.wait_indirect_dma semaphore(%arg24 : memref<!tpu.dma_semaphore, #tpu.memory_space<semaphore_mem>>) src(%dma_wait3A_170 : memref<100000x128xf32, #tpu.memory_space<hbm>>) dst(%arg17 : memref<64x128xf32, #tpu.memory_space<vmem>>)
    %add3A_171 = arith.constant 128 : i32
    %add3A_172 = arith.addi %mul3A_2, %add3A_171 : i32
    %dma_start3A_173 = arith.constant 0 : i32
    %dma_start3A_174 = tpu.memref_slice %arg8[%add3A_172, %dma_start3A_173] : memref<12288x128xf32, #tpu.memory_space<hbm>> -> memref<64x128xf32, #tpu.memory_space<hbm>>
    %dma_start3A_175 = arith.constant 0 : i32
    %dma_start3A_176 = tpu.memref_slice %arg8[%add3A_172, %dma_start3A_175] : memref<12288x128xf32, #tpu.memory_space<hbm>> -> memref<64x128xf32, #tpu.memory_space<hbm>>
    tpu.enqueue_dma source(%arg14 : memref<64x128xf32, #tpu.memory_space<vmem>>) target(%dma_start3A_176 : memref<64x128xf32, #tpu.memory_space<hbm>>) target_semaphore(%arg26 : memref<!tpu.dma_semaphore, #tpu.memory_space<semaphore_mem>>)
    %dma_start3A_177 = arith.constant 0 : i32
    %dma_start3A_178 = tpu.memref_slice %arg9[%add3A_172, %dma_start3A_177] : memref<12288x128xf32, #tpu.memory_space<hbm>> -> memref<64x128xf32, #tpu.memory_space<hbm>>
    %dma_start3A_179 = arith.constant 0 : i32
    %dma_start3A_180 = tpu.memref_slice %arg9[%add3A_172, %dma_start3A_179] : memref<12288x128xf32, #tpu.memory_space<hbm>> -> memref<64x128xf32, #tpu.memory_space<hbm>>
    tpu.enqueue_dma source(%arg15 : memref<64x128xf32, #tpu.memory_space<vmem>>) target(%dma_start3A_180 : memref<64x128xf32, #tpu.memory_space<hbm>>) target_semaphore(%arg26 : memref<!tpu.dma_semaphore, #tpu.memory_space<semaphore_mem>>)
    %dma_start3A_181 = arith.constant 0 : i32
    %dma_start3A_182 = tpu.memref_slice %arg10[%add3A_172, %dma_start3A_181] : memref<12288x128xf32, #tpu.memory_space<hbm>> -> memref<64x128xf32, #tpu.memory_space<hbm>>
    %dma_start3A_183 = arith.constant 0 : i32
    %dma_start3A_184 = tpu.memref_slice %arg10[%add3A_172, %dma_start3A_183] : memref<12288x128xf32, #tpu.memory_space<hbm>> -> memref<64x128xf32, #tpu.memory_space<hbm>>
    tpu.enqueue_dma source(%arg16 : memref<64x128xf32, #tpu.memory_space<vmem>>) target(%dma_start3A_184 : memref<64x128xf32, #tpu.memory_space<hbm>>) target_semaphore(%arg26 : memref<!tpu.dma_semaphore, #tpu.memory_space<semaphore_mem>>)
    %dma_start3A_185 = arith.constant 0 : i32
    %dma_start3A_186 = tpu.memref_slice %arg11[%add3A_172, %dma_start3A_185] : memref<12288x128xf32, #tpu.memory_space<hbm>> -> memref<64x128xf32, #tpu.memory_space<hbm>>
    %dma_start3A_187 = arith.constant 0 : i32
    %dma_start3A_188 = tpu.memref_slice %arg11[%add3A_172, %dma_start3A_187] : memref<12288x128xf32, #tpu.memory_space<hbm>> -> memref<64x128xf32, #tpu.memory_space<hbm>>
    tpu.enqueue_dma source(%arg17 : memref<64x128xf32, #tpu.memory_space<vmem>>) target(%dma_start3A_188 : memref<64x128xf32, #tpu.memory_space<hbm>>) target_semaphore(%arg26 : memref<!tpu.dma_semaphore, #tpu.memory_space<semaphore_mem>>)
    %dma_wait3A_189 = arith.constant 0 : i32
    %dma_wait3A_190 = tpu.memref_slice %arg8[%add3A_172, %dma_wait3A_189] : memref<12288x128xf32, #tpu.memory_space<hbm>> -> memref<64x128xf32, #tpu.memory_space<hbm>>
    %dma_wait3A_191 = arith.constant 0 : i32
    %dma_wait3A_192 = tpu.memref_slice %arg8[%add3A_172, %dma_wait3A_191] : memref<12288x128xf32, #tpu.memory_space<hbm>> -> memref<64x128xf32, #tpu.memory_space<hbm>>
    tpu.wait_dma2 semaphore(%arg26 : memref<!tpu.dma_semaphore, #tpu.memory_space<semaphore_mem>>) src(%arg14 : memref<64x128xf32, #tpu.memory_space<vmem>>) dst(%dma_wait3A_192 : memref<64x128xf32, #tpu.memory_space<hbm>>)
    %dma_wait3A_193 = arith.constant 0 : i32
    %dma_wait3A_194 = tpu.memref_slice %arg9[%add3A_172, %dma_wait3A_193] : memref<12288x128xf32, #tpu.memory_space<hbm>> -> memref<64x128xf32, #tpu.memory_space<hbm>>
    %dma_wait3A_195 = arith.constant 0 : i32
    %dma_wait3A_196 = tpu.memref_slice %arg9[%add3A_172, %dma_wait3A_195] : memref<12288x128xf32, #tpu.memory_space<hbm>> -> memref<64x128xf32, #tpu.memory_space<hbm>>
    tpu.wait_dma2 semaphore(%arg26 : memref<!tpu.dma_semaphore, #tpu.memory_space<semaphore_mem>>) src(%arg15 : memref<64x128xf32, #tpu.memory_space<vmem>>) dst(%dma_wait3A_196 : memref<64x128xf32, #tpu.memory_space<hbm>>)
    %dma_wait3A_197 = arith.constant 0 : i32
    %dma_wait3A_198 = tpu.memref_slice %arg10[%add3A_172, %dma_wait3A_197] : memref<12288x128xf32, #tpu.memory_space<hbm>> -> memref<64x128xf32, #tpu.memory_space<hbm>>
    %dma_wait3A_199 = arith.constant 0 : i32
    %dma_wait3A_200 = tpu.memref_slice %arg10[%add3A_172, %dma_wait3A_199] : memref<12288x128xf32, #tpu.memory_space<hbm>> -> memref<64x128xf32, #tpu.memory_space<hbm>>
    tpu.wait_dma2 semaphore(%arg26 : memref<!tpu.dma_semaphore, #tpu.memory_space<semaphore_mem>>) src(%arg16 : memref<64x128xf32, #tpu.memory_space<vmem>>) dst(%dma_wait3A_200 : memref<64x128xf32, #tpu.memory_space<hbm>>)
    %dma_wait3A_201 = arith.constant 0 : i32
    %dma_wait3A_202 = tpu.memref_slice %arg11[%add3A_172, %dma_wait3A_201] : memref<12288x128xf32, #tpu.memory_space<hbm>> -> memref<64x128xf32, #tpu.memory_space<hbm>>
    %dma_wait3A_203 = arith.constant 0 : i32
    %dma_wait3A_204 = tpu.memref_slice %arg11[%add3A_172, %dma_wait3A_203] : memref<12288x128xf32, #tpu.memory_space<hbm>> -> memref<64x128xf32, #tpu.memory_space<hbm>>
    tpu.wait_dma2 semaphore(%arg26 : memref<!tpu.dma_semaphore, #tpu.memory_space<semaphore_mem>>) src(%arg17 : memref<64x128xf32, #tpu.memory_space<vmem>>) dst(%dma_wait3A_204 : memref<64x128xf32, #tpu.memory_space<hbm>>)
    %add3A_205 = arith.constant 256 : i32
    %add3A_206 = arith.addi %mul3A_2, %add3A_205 : i32
    %add3A_207 = arith.constant 256 : i32
    %add3A_208 = arith.addi %add3A_4, %add3A_207 : i32
    "tpu.region"() ({
      %run_scoped3A = tpu.sem_alloc : memref<!tpu.dma_semaphore, #tpu.memory_space<semaphore_mem>>
      %dma_start3A_375 = tpu.memref_slice %arg2[%add3A_208] : memref<16384xi32, #tpu.memory_space<hbm>> -> memref<64xi32, #tpu.memory_space<hbm>>
      %dma_start3A_376 = tpu.memref_slice %arg2[%add3A_208] : memref<16384xi32, #tpu.memory_space<hbm>> -> memref<64xi32, #tpu.memory_space<hbm>>
      tpu.enqueue_dma source(%dma_start3A_376 : memref<64xi32, #tpu.memory_space<hbm>>) target(%arg12 : memref<64xi32, #tpu.memory_space<vmem>>) target_semaphore(%run_scoped3A : memref<!tpu.dma_semaphore, #tpu.memory_space<semaphore_mem>>)
      %dma_wait3A_377 = tpu.memref_slice %arg2[%add3A_208] : memref<16384xi32, #tpu.memory_space<hbm>> -> memref<64xi32, #tpu.memory_space<hbm>>
      %dma_wait3A_378 = tpu.memref_slice %arg2[%add3A_208] : memref<16384xi32, #tpu.memory_space<hbm>> -> memref<64xi32, #tpu.memory_space<hbm>>
      tpu.wait_dma2 semaphore(%run_scoped3A : memref<!tpu.dma_semaphore, #tpu.memory_space<semaphore_mem>>) src(%dma_wait3A_378 : memref<64xi32, #tpu.memory_space<hbm>>) dst(%arg12 : memref<64xi32, #tpu.memory_space<vmem>>)
      tpu.yield
    }) : () -> ()
    "tpu.region"() ({
      %run_scoped3A = tpu.sem_alloc : memref<!tpu.dma_semaphore, #tpu.memory_space<semaphore_mem>>
      %dma_start3A_375 = tpu.memref_slice %arg3[%add3A_208] : memref<16384xi32, #tpu.memory_space<hbm>> -> memref<64xi32, #tpu.memory_space<hbm>>
      %dma_start3A_376 = tpu.memref_slice %arg3[%add3A_208] : memref<16384xi32, #tpu.memory_space<hbm>> -> memref<64xi32, #tpu.memory_space<hbm>>
      tpu.enqueue_dma source(%dma_start3A_376 : memref<64xi32, #tpu.memory_space<hbm>>) target(%arg13 : memref<64xi32, #tpu.memory_space<vmem>>) target_semaphore(%run_scoped3A : memref<!tpu.dma_semaphore, #tpu.memory_space<semaphore_mem>>)
      %dma_wait3A_377 = tpu.memref_slice %arg3[%add3A_208] : memref<16384xi32, #tpu.memory_space<hbm>> -> memref<64xi32, #tpu.memory_space<hbm>>
      %dma_wait3A_378 = tpu.memref_slice %arg3[%add3A_208] : memref<16384xi32, #tpu.memory_space<hbm>> -> memref<64xi32, #tpu.memory_space<hbm>>
      tpu.wait_dma2 semaphore(%run_scoped3A : memref<!tpu.dma_semaphore, #tpu.memory_space<semaphore_mem>>) src(%dma_wait3A_378 : memref<64xi32, #tpu.memory_space<hbm>>) dst(%arg13 : memref<64xi32, #tpu.memory_space<vmem>>)
      tpu.yield
    }) : () -> ()
    %dma_start3A_209 = arith.constant 0 : i32
    %dma_start3A_210 = arith.constant 0 : i32
    %dma_start3A_211 = tpu.memref_slice %arg4[%dma_start3A_209, %dma_start3A_210] : memref<100000x128xf32, #tpu.memory_space<hbm>> -> memref<100000x128xf32, #tpu.memory_space<hbm>>
    tpu.enqueue_indirect_dma source(%dma_start3A_211 : memref<100000x128xf32, #tpu.memory_space<hbm>>) target(%arg14 : memref<64x128xf32, #tpu.memory_space<vmem>>) offsets(%arg12 : memref<64xi32, #tpu.memory_space<vmem>>) semaphore(%arg24 : memref<!tpu.dma_semaphore, #tpu.memory_space<semaphore_mem>>)
    %dma_start3A_212 = arith.constant 0 : i32
    %dma_start3A_213 = arith.constant 0 : i32
    %dma_start3A_214 = tpu.memref_slice %arg5[%dma_start3A_212, %dma_start3A_213] : memref<100000x128xf32, #tpu.memory_space<hbm>> -> memref<100000x128xf32, #tpu.memory_space<hbm>>
    tpu.enqueue_indirect_dma source(%dma_start3A_214 : memref<100000x128xf32, #tpu.memory_space<hbm>>) target(%arg15 : memref<64x128xf32, #tpu.memory_space<vmem>>) offsets(%arg13 : memref<64xi32, #tpu.memory_space<vmem>>) semaphore(%arg24 : memref<!tpu.dma_semaphore, #tpu.memory_space<semaphore_mem>>)
    %dma_start3A_215 = arith.constant 0 : i32
    %dma_start3A_216 = arith.constant 0 : i32
    %dma_start3A_217 = tpu.memref_slice %arg6[%dma_start3A_215, %dma_start3A_216] : memref<100000x128xf32, #tpu.memory_space<hbm>> -> memref<100000x128xf32, #tpu.memory_space<hbm>>
    tpu.enqueue_indirect_dma source(%dma_start3A_217 : memref<100000x128xf32, #tpu.memory_space<hbm>>) target(%arg16 : memref<64x128xf32, #tpu.memory_space<vmem>>) offsets(%arg12 : memref<64xi32, #tpu.memory_space<vmem>>) semaphore(%arg24 : memref<!tpu.dma_semaphore, #tpu.memory_space<semaphore_mem>>)
    %dma_start3A_218 = arith.constant 0 : i32
    %dma_start3A_219 = arith.constant 0 : i32
    %dma_start3A_220 = tpu.memref_slice %arg7[%dma_start3A_218, %dma_start3A_219] : memref<100000x128xf32, #tpu.memory_space<hbm>> -> memref<100000x128xf32, #tpu.memory_space<hbm>>
    tpu.enqueue_indirect_dma source(%dma_start3A_220 : memref<100000x128xf32, #tpu.memory_space<hbm>>) target(%arg17 : memref<64x128xf32, #tpu.memory_space<vmem>>) offsets(%arg13 : memref<64xi32, #tpu.memory_space<vmem>>) semaphore(%arg24 : memref<!tpu.dma_semaphore, #tpu.memory_space<semaphore_mem>>)
    %dma_wait3A_221 = arith.constant 0 : i32
    %dma_wait3A_222 = arith.constant 0 : i32
    %dma_wait3A_223 = tpu.memref_slice %arg4[%dma_wait3A_221, %dma_wait3A_222] : memref<100000x128xf32, #tpu.memory_space<hbm>> -> memref<100000x128xf32, #tpu.memory_space<hbm>>
    tpu.wait_indirect_dma semaphore(%arg25 : memref<!tpu.dma_semaphore, #tpu.memory_space<semaphore_mem>>) src(%dma_wait3A_223 : memref<100000x128xf32, #tpu.memory_space<hbm>>) dst(%arg20 : memref<64x128xf32, #tpu.memory_space<vmem>>)
    %dma_wait3A_224 = arith.constant 0 : i32
    %dma_wait3A_225 = arith.constant 0 : i32
    %dma_wait3A_226 = tpu.memref_slice %arg5[%dma_wait3A_224, %dma_wait3A_225] : memref<100000x128xf32, #tpu.memory_space<hbm>> -> memref<100000x128xf32, #tpu.memory_space<hbm>>
    tpu.wait_indirect_dma semaphore(%arg25 : memref<!tpu.dma_semaphore, #tpu.memory_space<semaphore_mem>>) src(%dma_wait3A_226 : memref<100000x128xf32, #tpu.memory_space<hbm>>) dst(%arg21 : memref<64x128xf32, #tpu.memory_space<vmem>>)
    %dma_wait3A_227 = arith.constant 0 : i32
    %dma_wait3A_228 = arith.constant 0 : i32
    %dma_wait3A_229 = tpu.memref_slice %arg6[%dma_wait3A_227, %dma_wait3A_228] : memref<100000x128xf32, #tpu.memory_space<hbm>> -> memref<100000x128xf32, #tpu.memory_space<hbm>>
    tpu.wait_indirect_dma semaphore(%arg25 : memref<!tpu.dma_semaphore, #tpu.memory_space<semaphore_mem>>) src(%dma_wait3A_229 : memref<100000x128xf32, #tpu.memory_space<hbm>>) dst(%arg22 : memref<64x128xf32, #tpu.memory_space<vmem>>)
    %dma_wait3A_230 = arith.constant 0 : i32
    %dma_wait3A_231 = arith.constant 0 : i32
    %dma_wait3A_232 = tpu.memref_slice %arg7[%dma_wait3A_230, %dma_wait3A_231] : memref<100000x128xf32, #tpu.memory_space<hbm>> -> memref<100000x128xf32, #tpu.memory_space<hbm>>
    tpu.wait_indirect_dma semaphore(%arg25 : memref<!tpu.dma_semaphore, #tpu.memory_space<semaphore_mem>>) src(%dma_wait3A_232 : memref<100000x128xf32, #tpu.memory_space<hbm>>) dst(%arg23 : memref<64x128xf32, #tpu.memory_space<vmem>>)
    %add3A_233 = arith.constant 192 : i32
    %add3A_234 = arith.addi %mul3A_2, %add3A_233 : i32
    %dma_start3A_235 = arith.constant 0 : i32
    %dma_start3A_236 = tpu.memref_slice %arg8[%add3A_234, %dma_start3A_235] : memref<12288x128xf32, #tpu.memory_space<hbm>> -> memref<64x128xf32, #tpu.memory_space<hbm>>
    %dma_start3A_237 = arith.constant 0 : i32
    %dma_start3A_238 = tpu.memref_slice %arg8[%add3A_234, %dma_start3A_237] : memref<12288x128xf32, #tpu.memory_space<hbm>> -> memref<64x128xf32, #tpu.memory_space<hbm>>
    tpu.enqueue_dma source(%arg20 : memref<64x128xf32, #tpu.memory_space<vmem>>) target(%dma_start3A_238 : memref<64x128xf32, #tpu.memory_space<hbm>>) target_semaphore(%arg27 : memref<!tpu.dma_semaphore, #tpu.memory_space<semaphore_mem>>)
    %dma_start3A_239 = arith.constant 0 : i32
    %dma_start3A_240 = tpu.memref_slice %arg9[%add3A_234, %dma_start3A_239] : memref<12288x128xf32, #tpu.memory_space<hbm>> -> memref<64x128xf32, #tpu.memory_space<hbm>>
    %dma_start3A_241 = arith.constant 0 : i32
    %dma_start3A_242 = tpu.memref_slice %arg9[%add3A_234, %dma_start3A_241] : memref<12288x128xf32, #tpu.memory_space<hbm>> -> memref<64x128xf32, #tpu.memory_space<hbm>>
    tpu.enqueue_dma source(%arg21 : memref<64x128xf32, #tpu.memory_space<vmem>>) target(%dma_start3A_242 : memref<64x128xf32, #tpu.memory_space<hbm>>) target_semaphore(%arg27 : memref<!tpu.dma_semaphore, #tpu.memory_space<semaphore_mem>>)
    %dma_start3A_243 = arith.constant 0 : i32
    %dma_start3A_244 = tpu.memref_slice %arg10[%add3A_234, %dma_start3A_243] : memref<12288x128xf32, #tpu.memory_space<hbm>> -> memref<64x128xf32, #tpu.memory_space<hbm>>
    %dma_start3A_245 = arith.constant 0 : i32
    %dma_start3A_246 = tpu.memref_slice %arg10[%add3A_234, %dma_start3A_245] : memref<12288x128xf32, #tpu.memory_space<hbm>> -> memref<64x128xf32, #tpu.memory_space<hbm>>
    tpu.enqueue_dma source(%arg22 : memref<64x128xf32, #tpu.memory_space<vmem>>) target(%dma_start3A_246 : memref<64x128xf32, #tpu.memory_space<hbm>>) target_semaphore(%arg27 : memref<!tpu.dma_semaphore, #tpu.memory_space<semaphore_mem>>)
    %dma_start3A_247 = arith.constant 0 : i32
    %dma_start3A_248 = tpu.memref_slice %arg11[%add3A_234, %dma_start3A_247] : memref<12288x128xf32, #tpu.memory_space<hbm>> -> memref<64x128xf32, #tpu.memory_space<hbm>>
    %dma_start3A_249 = arith.constant 0 : i32
    %dma_start3A_250 = tpu.memref_slice %arg11[%add3A_234, %dma_start3A_249] : memref<12288x128xf32, #tpu.memory_space<hbm>> -> memref<64x128xf32, #tpu.memory_space<hbm>>
    tpu.enqueue_dma source(%arg23 : memref<64x128xf32, #tpu.memory_space<vmem>>) target(%dma_start3A_250 : memref<64x128xf32, #tpu.memory_space<hbm>>) target_semaphore(%arg27 : memref<!tpu.dma_semaphore, #tpu.memory_space<semaphore_mem>>)
    %dma_wait3A_251 = arith.constant 0 : i32
    %dma_wait3A_252 = tpu.memref_slice %arg8[%add3A_234, %dma_wait3A_251] : memref<12288x128xf32, #tpu.memory_space<hbm>> -> memref<64x128xf32, #tpu.memory_space<hbm>>
    %dma_wait3A_253 = arith.constant 0 : i32
    %dma_wait3A_254 = tpu.memref_slice %arg8[%add3A_234, %dma_wait3A_253] : memref<12288x128xf32, #tpu.memory_space<hbm>> -> memref<64x128xf32, #tpu.memory_space<hbm>>
    tpu.wait_dma2 semaphore(%arg27 : memref<!tpu.dma_semaphore, #tpu.memory_space<semaphore_mem>>) src(%arg20 : memref<64x128xf32, #tpu.memory_space<vmem>>) dst(%dma_wait3A_254 : memref<64x128xf32, #tpu.memory_space<hbm>>)
    %dma_wait3A_255 = arith.constant 0 : i32
    %dma_wait3A_256 = tpu.memref_slice %arg9[%add3A_234, %dma_wait3A_255] : memref<12288x128xf32, #tpu.memory_space<hbm>> -> memref<64x128xf32, #tpu.memory_space<hbm>>
    %dma_wait3A_257 = arith.constant 0 : i32
    %dma_wait3A_258 = tpu.memref_slice %arg9[%add3A_234, %dma_wait3A_257] : memref<12288x128xf32, #tpu.memory_space<hbm>> -> memref<64x128xf32, #tpu.memory_space<hbm>>
    tpu.wait_dma2 semaphore(%arg27 : memref<!tpu.dma_semaphore, #tpu.memory_space<semaphore_mem>>) src(%arg21 : memref<64x128xf32, #tpu.memory_space<vmem>>) dst(%dma_wait3A_258 : memref<64x128xf32, #tpu.memory_space<hbm>>)
    %dma_wait3A_259 = arith.constant 0 : i32
    %dma_wait3A_260 = tpu.memref_slice %arg10[%add3A_234, %dma_wait3A_259] : memref<12288x128xf32, #tpu.memory_space<hbm>> -> memref<64x128xf32, #tpu.memory_space<hbm>>
    %dma_wait3A_261 = arith.constant 0 : i32
    %dma_wait3A_262 = tpu.memref_slice %arg10[%add3A_234, %dma_wait3A_261] : memref<12288x128xf32, #tpu.memory_space<hbm>> -> memref<64x128xf32, #tpu.memory_space<hbm>>
    tpu.wait_dma2 semaphore(%arg27 : memref<!tpu.dma_semaphore, #tpu.memory_space<semaphore_mem>>) src(%arg22 : memref<64x128xf32, #tpu.memory_space<vmem>>) dst(%dma_wait3A_262 : memref<64x128xf32, #tpu.memory_space<hbm>>)
    %dma_wait3A_263 = arith.constant 0 : i32
    %dma_wait3A_264 = tpu.memref_slice %arg11[%add3A_234, %dma_wait3A_263] : memref<12288x128xf32, #tpu.memory_space<hbm>> -> memref<64x128xf32, #tpu.memory_space<hbm>>
    %dma_wait3A_265 = arith.constant 0 : i32
    %dma_wait3A_266 = tpu.memref_slice %arg11[%add3A_234, %dma_wait3A_265] : memref<12288x128xf32, #tpu.memory_space<hbm>> -> memref<64x128xf32, #tpu.memory_space<hbm>>
    tpu.wait_dma2 semaphore(%arg27 : memref<!tpu.dma_semaphore, #tpu.memory_space<semaphore_mem>>) src(%arg23 : memref<64x128xf32, #tpu.memory_space<vmem>>) dst(%dma_wait3A_266 : memref<64x128xf32, #tpu.memory_space<hbm>>)
    %add3A_267 = arith.constant 320 : i32
    %add3A_268 = arith.addi %mul3A_2, %add3A_267 : i32
    %add3A_269 = arith.constant 320 : i32
    %add3A_270 = arith.addi %add3A_4, %add3A_269 : i32
    "tpu.region"() ({
      %run_scoped3A = tpu.sem_alloc : memref<!tpu.dma_semaphore, #tpu.memory_space<semaphore_mem>>
      %dma_start3A_375 = tpu.memref_slice %arg2[%add3A_270] : memref<16384xi32, #tpu.memory_space<hbm>> -> memref<64xi32, #tpu.memory_space<hbm>>
      %dma_start3A_376 = tpu.memref_slice %arg2[%add3A_270] : memref<16384xi32, #tpu.memory_space<hbm>> -> memref<64xi32, #tpu.memory_space<hbm>>
      tpu.enqueue_dma source(%dma_start3A_376 : memref<64xi32, #tpu.memory_space<hbm>>) target(%arg18 : memref<64xi32, #tpu.memory_space<vmem>>) target_semaphore(%run_scoped3A : memref<!tpu.dma_semaphore, #tpu.memory_space<semaphore_mem>>)
      %dma_wait3A_377 = tpu.memref_slice %arg2[%add3A_270] : memref<16384xi32, #tpu.memory_space<hbm>> -> memref<64xi32, #tpu.memory_space<hbm>>
      %dma_wait3A_378 = tpu.memref_slice %arg2[%add3A_270] : memref<16384xi32, #tpu.memory_space<hbm>> -> memref<64xi32, #tpu.memory_space<hbm>>
      tpu.wait_dma2 semaphore(%run_scoped3A : memref<!tpu.dma_semaphore, #tpu.memory_space<semaphore_mem>>) src(%dma_wait3A_378 : memref<64xi32, #tpu.memory_space<hbm>>) dst(%arg18 : memref<64xi32, #tpu.memory_space<vmem>>)
      tpu.yield
    }) : () -> ()
    "tpu.region"() ({
      %run_scoped3A = tpu.sem_alloc : memref<!tpu.dma_semaphore, #tpu.memory_space<semaphore_mem>>
      %dma_start3A_375 = tpu.memref_slice %arg3[%add3A_270] : memref<16384xi32, #tpu.memory_space<hbm>> -> memref<64xi32, #tpu.memory_space<hbm>>
      %dma_start3A_376 = tpu.memref_slice %arg3[%add3A_270] : memref<16384xi32, #tpu.memory_space<hbm>> -> memref<64xi32, #tpu.memory_space<hbm>>
      tpu.enqueue_dma source(%dma_start3A_376 : memref<64xi32, #tpu.memory_space<hbm>>) target(%arg19 : memref<64xi32, #tpu.memory_space<vmem>>) target_semaphore(%run_scoped3A : memref<!tpu.dma_semaphore, #tpu.memory_space<semaphore_mem>>)
      %dma_wait3A_377 = tpu.memref_slice %arg3[%add3A_270] : memref<16384xi32, #tpu.memory_space<hbm>> -> memref<64xi32, #tpu.memory_space<hbm>>
      %dma_wait3A_378 = tpu.memref_slice %arg3[%add3A_270] : memref<16384xi32, #tpu.memory_space<hbm>> -> memref<64xi32, #tpu.memory_space<hbm>>
      tpu.wait_dma2 semaphore(%run_scoped3A : memref<!tpu.dma_semaphore, #tpu.memory_space<semaphore_mem>>) src(%dma_wait3A_378 : memref<64xi32, #tpu.memory_space<hbm>>) dst(%arg19 : memref<64xi32, #tpu.memory_space<vmem>>)
      tpu.yield
    }) : () -> ()
    %dma_start3A_271 = arith.constant 0 : i32
    %dma_start3A_272 = arith.constant 0 : i32
    %dma_start3A_273 = tpu.memref_slice %arg4[%dma_start3A_271, %dma_start3A_272] : memref<100000x128xf32, #tpu.memory_space<hbm>> -> memref<100000x128xf32, #tpu.memory_space<hbm>>
    tpu.enqueue_indirect_dma source(%dma_start3A_273 : memref<100000x128xf32, #tpu.memory_space<hbm>>) target(%arg20 : memref<64x128xf32, #tpu.memory_space<vmem>>) offsets(%arg18 : memref<64xi32, #tpu.memory_space<vmem>>) semaphore(%arg25 : memref<!tpu.dma_semaphore, #tpu.memory_space<semaphore_mem>>)
    %dma_start3A_274 = arith.constant 0 : i32
    %dma_start3A_275 = arith.constant 0 : i32
    %dma_start3A_276 = tpu.memref_slice %arg5[%dma_start3A_274, %dma_start3A_275] : memref<100000x128xf32, #tpu.memory_space<hbm>> -> memref<100000x128xf32, #tpu.memory_space<hbm>>
    tpu.enqueue_indirect_dma source(%dma_start3A_276 : memref<100000x128xf32, #tpu.memory_space<hbm>>) target(%arg21 : memref<64x128xf32, #tpu.memory_space<vmem>>) offsets(%arg19 : memref<64xi32, #tpu.memory_space<vmem>>) semaphore(%arg25 : memref<!tpu.dma_semaphore, #tpu.memory_space<semaphore_mem>>)
    %dma_start3A_277 = arith.constant 0 : i32
    %dma_start3A_278 = arith.constant 0 : i32
    %dma_start3A_279 = tpu.memref_slice %arg6[%dma_start3A_277, %dma_start3A_278] : memref<100000x128xf32, #tpu.memory_space<hbm>> -> memref<100000x128xf32, #tpu.memory_space<hbm>>
    tpu.enqueue_indirect_dma source(%dma_start3A_279 : memref<100000x128xf32, #tpu.memory_space<hbm>>) target(%arg22 : memref<64x128xf32, #tpu.memory_space<vmem>>) offsets(%arg18 : memref<64xi32, #tpu.memory_space<vmem>>) semaphore(%arg25 : memref<!tpu.dma_semaphore, #tpu.memory_space<semaphore_mem>>)
    %dma_start3A_280 = arith.constant 0 : i32
    %dma_start3A_281 = arith.constant 0 : i32
    %dma_start3A_282 = tpu.memref_slice %arg7[%dma_start3A_280, %dma_start3A_281] : memref<100000x128xf32, #tpu.memory_space<hbm>> -> memref<100000x128xf32, #tpu.memory_space<hbm>>
    tpu.enqueue_indirect_dma source(%dma_start3A_282 : memref<100000x128xf32, #tpu.memory_space<hbm>>) target(%arg23 : memref<64x128xf32, #tpu.memory_space<vmem>>) offsets(%arg19 : memref<64xi32, #tpu.memory_space<vmem>>) semaphore(%arg25 : memref<!tpu.dma_semaphore, #tpu.memory_space<semaphore_mem>>)
    %dma_wait3A_283 = arith.constant 0 : i32
    %dma_wait3A_284 = arith.constant 0 : i32
    %dma_wait3A_285 = tpu.memref_slice %arg4[%dma_wait3A_283, %dma_wait3A_284] : memref<100000x128xf32, #tpu.memory_space<hbm>> -> memref<100000x128xf32, #tpu.memory_space<hbm>>
    tpu.wait_indirect_dma semaphore(%arg24 : memref<!tpu.dma_semaphore, #tpu.memory_space<semaphore_mem>>) src(%dma_wait3A_285 : memref<100000x128xf32, #tpu.memory_space<hbm>>) dst(%arg14 : memref<64x128xf32, #tpu.memory_space<vmem>>)
    %dma_wait3A_286 = arith.constant 0 : i32
    %dma_wait3A_287 = arith.constant 0 : i32
    %dma_wait3A_288 = tpu.memref_slice %arg5[%dma_wait3A_286, %dma_wait3A_287] : memref<100000x128xf32, #tpu.memory_space<hbm>> -> memref<100000x128xf32, #tpu.memory_space<hbm>>
    tpu.wait_indirect_dma semaphore(%arg24 : memref<!tpu.dma_semaphore, #tpu.memory_space<semaphore_mem>>) src(%dma_wait3A_288 : memref<100000x128xf32, #tpu.memory_space<hbm>>) dst(%arg15 : memref<64x128xf32, #tpu.memory_space<vmem>>)
    %dma_wait3A_289 = arith.constant 0 : i32
    %dma_wait3A_290 = arith.constant 0 : i32
    %dma_wait3A_291 = tpu.memref_slice %arg6[%dma_wait3A_289, %dma_wait3A_290] : memref<100000x128xf32, #tpu.memory_space<hbm>> -> memref<100000x128xf32, #tpu.memory_space<hbm>>
    tpu.wait_indirect_dma semaphore(%arg24 : memref<!tpu.dma_semaphore, #tpu.memory_space<semaphore_mem>>) src(%dma_wait3A_291 : memref<100000x128xf32, #tpu.memory_space<hbm>>) dst(%arg16 : memref<64x128xf32, #tpu.memory_space<vmem>>)
    %dma_wait3A_292 = arith.constant 0 : i32
    %dma_wait3A_293 = arith.constant 0 : i32
    %dma_wait3A_294 = tpu.memref_slice %arg7[%dma_wait3A_292, %dma_wait3A_293] : memref<100000x128xf32, #tpu.memory_space<hbm>> -> memref<100000x128xf32, #tpu.memory_space<hbm>>
    tpu.wait_indirect_dma semaphore(%arg24 : memref<!tpu.dma_semaphore, #tpu.memory_space<semaphore_mem>>) src(%dma_wait3A_294 : memref<100000x128xf32, #tpu.memory_space<hbm>>) dst(%arg17 : memref<64x128xf32, #tpu.memory_space<vmem>>)
    %add3A_295 = arith.constant 256 : i32
    %add3A_296 = arith.addi %mul3A_2, %add3A_295 : i32
    %dma_start3A_297 = arith.constant 0 : i32
    %dma_start3A_298 = tpu.memref_slice %arg8[%add3A_296, %dma_start3A_297] : memref<12288x128xf32, #tpu.memory_space<hbm>> -> memref<64x128xf32, #tpu.memory_space<hbm>>
    %dma_start3A_299 = arith.constant 0 : i32
    %dma_start3A_300 = tpu.memref_slice %arg8[%add3A_296, %dma_start3A_299] : memref<12288x128xf32, #tpu.memory_space<hbm>> -> memref<64x128xf32, #tpu.memory_space<hbm>>
    tpu.enqueue_dma source(%arg14 : memref<64x128xf32, #tpu.memory_space<vmem>>) target(%dma_start3A_300 : memref<64x128xf32, #tpu.memory_space<hbm>>) target_semaphore(%arg26 : memref<!tpu.dma_semaphore, #tpu.memory_space<semaphore_mem>>)
    %dma_start3A_301 = arith.constant 0 : i32
    %dma_start3A_302 = tpu.memref_slice %arg9[%add3A_296, %dma_start3A_301] : memref<12288x128xf32, #tpu.memory_space<hbm>> -> memref<64x128xf32, #tpu.memory_space<hbm>>
    %dma_start3A_303 = arith.constant 0 : i32
    %dma_start3A_304 = tpu.memref_slice %arg9[%add3A_296, %dma_start3A_303] : memref<12288x128xf32, #tpu.memory_space<hbm>> -> memref<64x128xf32, #tpu.memory_space<hbm>>
    tpu.enqueue_dma source(%arg15 : memref<64x128xf32, #tpu.memory_space<vmem>>) target(%dma_start3A_304 : memref<64x128xf32, #tpu.memory_space<hbm>>) target_semaphore(%arg26 : memref<!tpu.dma_semaphore, #tpu.memory_space<semaphore_mem>>)
    %dma_start3A_305 = arith.constant 0 : i32
    %dma_start3A_306 = tpu.memref_slice %arg10[%add3A_296, %dma_start3A_305] : memref<12288x128xf32, #tpu.memory_space<hbm>> -> memref<64x128xf32, #tpu.memory_space<hbm>>
    %dma_start3A_307 = arith.constant 0 : i32
    %dma_start3A_308 = tpu.memref_slice %arg10[%add3A_296, %dma_start3A_307] : memref<12288x128xf32, #tpu.memory_space<hbm>> -> memref<64x128xf32, #tpu.memory_space<hbm>>
    tpu.enqueue_dma source(%arg16 : memref<64x128xf32, #tpu.memory_space<vmem>>) target(%dma_start3A_308 : memref<64x128xf32, #tpu.memory_space<hbm>>) target_semaphore(%arg26 : memref<!tpu.dma_semaphore, #tpu.memory_space<semaphore_mem>>)
    %dma_start3A_309 = arith.constant 0 : i32
    %dma_start3A_310 = tpu.memref_slice %arg11[%add3A_296, %dma_start3A_309] : memref<12288x128xf32, #tpu.memory_space<hbm>> -> memref<64x128xf32, #tpu.memory_space<hbm>>
    %dma_start3A_311 = arith.constant 0 : i32
    %dma_start3A_312 = tpu.memref_slice %arg11[%add3A_296, %dma_start3A_311] : memref<12288x128xf32, #tpu.memory_space<hbm>> -> memref<64x128xf32, #tpu.memory_space<hbm>>
    tpu.enqueue_dma source(%arg17 : memref<64x128xf32, #tpu.memory_space<vmem>>) target(%dma_start3A_312 : memref<64x128xf32, #tpu.memory_space<hbm>>) target_semaphore(%arg26 : memref<!tpu.dma_semaphore, #tpu.memory_space<semaphore_mem>>)
    %dma_wait3A_313 = arith.constant 0 : i32
    %dma_wait3A_314 = arith.constant 0 : i32
    %dma_wait3A_315 = tpu.memref_slice %arg4[%dma_wait3A_313, %dma_wait3A_314] : memref<100000x128xf32, #tpu.memory_space<hbm>> -> memref<100000x128xf32, #tpu.memory_space<hbm>>
    tpu.wait_indirect_dma semaphore(%arg25 : memref<!tpu.dma_semaphore, #tpu.memory_space<semaphore_mem>>) src(%dma_wait3A_315 : memref<100000x128xf32, #tpu.memory_space<hbm>>) dst(%arg20 : memref<64x128xf32, #tpu.memory_space<vmem>>)
    %dma_wait3A_316 = arith.constant 0 : i32
    %dma_wait3A_317 = arith.constant 0 : i32
    %dma_wait3A_318 = tpu.memref_slice %arg5[%dma_wait3A_316, %dma_wait3A_317] : memref<100000x128xf32, #tpu.memory_space<hbm>> -> memref<100000x128xf32, #tpu.memory_space<hbm>>
    tpu.wait_indirect_dma semaphore(%arg25 : memref<!tpu.dma_semaphore, #tpu.memory_space<semaphore_mem>>) src(%dma_wait3A_318 : memref<100000x128xf32, #tpu.memory_space<hbm>>) dst(%arg21 : memref<64x128xf32, #tpu.memory_space<vmem>>)
    %dma_wait3A_319 = arith.constant 0 : i32
    %dma_wait3A_320 = arith.constant 0 : i32
    %dma_wait3A_321 = tpu.memref_slice %arg6[%dma_wait3A_319, %dma_wait3A_320] : memref<100000x128xf32, #tpu.memory_space<hbm>> -> memref<100000x128xf32, #tpu.memory_space<hbm>>
    tpu.wait_indirect_dma semaphore(%arg25 : memref<!tpu.dma_semaphore, #tpu.memory_space<semaphore_mem>>) src(%dma_wait3A_321 : memref<100000x128xf32, #tpu.memory_space<hbm>>) dst(%arg22 : memref<64x128xf32, #tpu.memory_space<vmem>>)
    %dma_wait3A_322 = arith.constant 0 : i32
    %dma_wait3A_323 = arith.constant 0 : i32
    %dma_wait3A_324 = tpu.memref_slice %arg7[%dma_wait3A_322, %dma_wait3A_323] : memref<100000x128xf32, #tpu.memory_space<hbm>> -> memref<100000x128xf32, #tpu.memory_space<hbm>>
    tpu.wait_indirect_dma semaphore(%arg25 : memref<!tpu.dma_semaphore, #tpu.memory_space<semaphore_mem>>) src(%dma_wait3A_324 : memref<100000x128xf32, #tpu.memory_space<hbm>>) dst(%arg23 : memref<64x128xf32, #tpu.memory_space<vmem>>)
    %add3A_325 = arith.constant 320 : i32
    %add3A_326 = arith.addi %mul3A_2, %add3A_325 : i32
    %dma_start3A_327 = arith.constant 0 : i32
    %dma_start3A_328 = tpu.memref_slice %arg8[%add3A_326, %dma_start3A_327] : memref<12288x128xf32, #tpu.memory_space<hbm>> -> memref<64x128xf32, #tpu.memory_space<hbm>>
    %dma_start3A_329 = arith.constant 0 : i32
    %dma_start3A_330 = tpu.memref_slice %arg8[%add3A_326, %dma_start3A_329] : memref<12288x128xf32, #tpu.memory_space<hbm>> -> memref<64x128xf32, #tpu.memory_space<hbm>>
    tpu.enqueue_dma source(%arg20 : memref<64x128xf32, #tpu.memory_space<vmem>>) target(%dma_start3A_330 : memref<64x128xf32, #tpu.memory_space<hbm>>) target_semaphore(%arg27 : memref<!tpu.dma_semaphore, #tpu.memory_space<semaphore_mem>>)
    %dma_start3A_331 = arith.constant 0 : i32
    %dma_start3A_332 = tpu.memref_slice %arg9[%add3A_326, %dma_start3A_331] : memref<12288x128xf32, #tpu.memory_space<hbm>> -> memref<64x128xf32, #tpu.memory_space<hbm>>
    %dma_start3A_333 = arith.constant 0 : i32
    %dma_start3A_334 = tpu.memref_slice %arg9[%add3A_326, %dma_start3A_333] : memref<12288x128xf32, #tpu.memory_space<hbm>> -> memref<64x128xf32, #tpu.memory_space<hbm>>
    tpu.enqueue_dma source(%arg21 : memref<64x128xf32, #tpu.memory_space<vmem>>) target(%dma_start3A_334 : memref<64x128xf32, #tpu.memory_space<hbm>>) target_semaphore(%arg27 : memref<!tpu.dma_semaphore, #tpu.memory_space<semaphore_mem>>)
    %dma_start3A_335 = arith.constant 0 : i32
    %dma_start3A_336 = tpu.memref_slice %arg10[%add3A_326, %dma_start3A_335] : memref<12288x128xf32, #tpu.memory_space<hbm>> -> memref<64x128xf32, #tpu.memory_space<hbm>>
    %dma_start3A_337 = arith.constant 0 : i32
    %dma_start3A_338 = tpu.memref_slice %arg10[%add3A_326, %dma_start3A_337] : memref<12288x128xf32, #tpu.memory_space<hbm>> -> memref<64x128xf32, #tpu.memory_space<hbm>>
    tpu.enqueue_dma source(%arg22 : memref<64x128xf32, #tpu.memory_space<vmem>>) target(%dma_start3A_338 : memref<64x128xf32, #tpu.memory_space<hbm>>) target_semaphore(%arg27 : memref<!tpu.dma_semaphore, #tpu.memory_space<semaphore_mem>>)
    %dma_start3A_339 = arith.constant 0 : i32
    %dma_start3A_340 = tpu.memref_slice %arg11[%add3A_326, %dma_start3A_339] : memref<12288x128xf32, #tpu.memory_space<hbm>> -> memref<64x128xf32, #tpu.memory_space<hbm>>
    %dma_start3A_341 = arith.constant 0 : i32
    %dma_start3A_342 = tpu.memref_slice %arg11[%add3A_326, %dma_start3A_341] : memref<12288x128xf32, #tpu.memory_space<hbm>> -> memref<64x128xf32, #tpu.memory_space<hbm>>
    tpu.enqueue_dma source(%arg23 : memref<64x128xf32, #tpu.memory_space<vmem>>) target(%dma_start3A_342 : memref<64x128xf32, #tpu.memory_space<hbm>>) target_semaphore(%arg27 : memref<!tpu.dma_semaphore, #tpu.memory_space<semaphore_mem>>)
    %dma_wait3A_343 = arith.constant 0 : i32
    %dma_wait3A_344 = tpu.memref_slice %arg8[%add3A_296, %dma_wait3A_343] : memref<12288x128xf32, #tpu.memory_space<hbm>> -> memref<64x128xf32, #tpu.memory_space<hbm>>
    %dma_wait3A_345 = arith.constant 0 : i32
    %dma_wait3A_346 = tpu.memref_slice %arg8[%add3A_296, %dma_wait3A_345] : memref<12288x128xf32, #tpu.memory_space<hbm>> -> memref<64x128xf32, #tpu.memory_space<hbm>>
    tpu.wait_dma2 semaphore(%arg26 : memref<!tpu.dma_semaphore, #tpu.memory_space<semaphore_mem>>) src(%arg14 : memref<64x128xf32, #tpu.memory_space<vmem>>) dst(%dma_wait3A_346 : memref<64x128xf32, #tpu.memory_space<hbm>>)
    %dma_wait3A_347 = arith.constant 0 : i32
    %dma_wait3A_348 = tpu.memref_slice %arg9[%add3A_296, %dma_wait3A_347] : memref<12288x128xf32, #tpu.memory_space<hbm>> -> memref<64x128xf32, #tpu.memory_space<hbm>>
    %dma_wait3A_349 = arith.constant 0 : i32
    %dma_wait3A_350 = tpu.memref_slice %arg9[%add3A_296, %dma_wait3A_349] : memref<12288x128xf32, #tpu.memory_space<hbm>> -> memref<64x128xf32, #tpu.memory_space<hbm>>
    tpu.wait_dma2 semaphore(%arg26 : memref<!tpu.dma_semaphore, #tpu.memory_space<semaphore_mem>>) src(%arg15 : memref<64x128xf32, #tpu.memory_space<vmem>>) dst(%dma_wait3A_350 : memref<64x128xf32, #tpu.memory_space<hbm>>)
    %dma_wait3A_351 = arith.constant 0 : i32
    %dma_wait3A_352 = tpu.memref_slice %arg10[%add3A_296, %dma_wait3A_351] : memref<12288x128xf32, #tpu.memory_space<hbm>> -> memref<64x128xf32, #tpu.memory_space<hbm>>
    %dma_wait3A_353 = arith.constant 0 : i32
    %dma_wait3A_354 = tpu.memref_slice %arg10[%add3A_296, %dma_wait3A_353] : memref<12288x128xf32, #tpu.memory_space<hbm>> -> memref<64x128xf32, #tpu.memory_space<hbm>>
    tpu.wait_dma2 semaphore(%arg26 : memref<!tpu.dma_semaphore, #tpu.memory_space<semaphore_mem>>) src(%arg16 : memref<64x128xf32, #tpu.memory_space<vmem>>) dst(%dma_wait3A_354 : memref<64x128xf32, #tpu.memory_space<hbm>>)
    %dma_wait3A_355 = arith.constant 0 : i32
    %dma_wait3A_356 = tpu.memref_slice %arg11[%add3A_296, %dma_wait3A_355] : memref<12288x128xf32, #tpu.memory_space<hbm>> -> memref<64x128xf32, #tpu.memory_space<hbm>>
    %dma_wait3A_357 = arith.constant 0 : i32
    %dma_wait3A_358 = tpu.memref_slice %arg11[%add3A_296, %dma_wait3A_357] : memref<12288x128xf32, #tpu.memory_space<hbm>> -> memref<64x128xf32, #tpu.memory_space<hbm>>
    tpu.wait_dma2 semaphore(%arg26 : memref<!tpu.dma_semaphore, #tpu.memory_space<semaphore_mem>>) src(%arg17 : memref<64x128xf32, #tpu.memory_space<vmem>>) dst(%dma_wait3A_358 : memref<64x128xf32, #tpu.memory_space<hbm>>)
    %dma_wait3A_359 = arith.constant 0 : i32
    %dma_wait3A_360 = tpu.memref_slice %arg8[%add3A_326, %dma_wait3A_359] : memref<12288x128xf32, #tpu.memory_space<hbm>> -> memref<64x128xf32, #tpu.memory_space<hbm>>
    %dma_wait3A_361 = arith.constant 0 : i32
    %dma_wait3A_362 = tpu.memref_slice %arg8[%add3A_326, %dma_wait3A_361] : memref<12288x128xf32, #tpu.memory_space<hbm>> -> memref<64x128xf32, #tpu.memory_space<hbm>>
    tpu.wait_dma2 semaphore(%arg27 : memref<!tpu.dma_semaphore, #tpu.memory_space<semaphore_mem>>) src(%arg20 : memref<64x128xf32, #tpu.memory_space<vmem>>) dst(%dma_wait3A_362 : memref<64x128xf32, #tpu.memory_space<hbm>>)
    %dma_wait3A_363 = arith.constant 0 : i32
    %dma_wait3A_364 = tpu.memref_slice %arg9[%add3A_326, %dma_wait3A_363] : memref<12288x128xf32, #tpu.memory_space<hbm>> -> memref<64x128xf32, #tpu.memory_space<hbm>>
    %dma_wait3A_365 = arith.constant 0 : i32
    %dma_wait3A_366 = tpu.memref_slice %arg9[%add3A_326, %dma_wait3A_365] : memref<12288x128xf32, #tpu.memory_space<hbm>> -> memref<64x128xf32, #tpu.memory_space<hbm>>
    tpu.wait_dma2 semaphore(%arg27 : memref<!tpu.dma_semaphore, #tpu.memory_space<semaphore_mem>>) src(%arg21 : memref<64x128xf32, #tpu.memory_space<vmem>>) dst(%dma_wait3A_366 : memref<64x128xf32, #tpu.memory_space<hbm>>)
    %dma_wait3A_367 = arith.constant 0 : i32
    %dma_wait3A_368 = tpu.memref_slice %arg10[%add3A_326, %dma_wait3A_367] : memref<12288x128xf32, #tpu.memory_space<hbm>> -> memref<64x128xf32, #tpu.memory_space<hbm>>
    %dma_wait3A_369 = arith.constant 0 : i32
    %dma_wait3A_370 = tpu.memref_slice %arg10[%add3A_326, %dma_wait3A_369] : memref<12288x128xf32, #tpu.memory_space<hbm>> -> memref<64x128xf32, #tpu.memory_space<hbm>>
    tpu.wait_dma2 semaphore(%arg27 : memref<!tpu.dma_semaphore, #tpu.memory_space<semaphore_mem>>) src(%arg22 : memref<64x128xf32, #tpu.memory_space<vmem>>) dst(%dma_wait3A_370 : memref<64x128xf32, #tpu.memory_space<hbm>>)
    %dma_wait3A_371 = arith.constant 0 : i32
    %dma_wait3A_372 = tpu.memref_slice %arg11[%add3A_326, %dma_wait3A_371] : memref<12288x128xf32, #tpu.memory_space<hbm>> -> memref<64x128xf32, #tpu.memory_space<hbm>>
    %dma_wait3A_373 = arith.constant 0 : i32
    %dma_wait3A_374 = tpu.memref_slice %arg11[%add3A_326, %dma_wait3A_373] : memref<12288x128xf32, #tpu.memory_space<hbm>> -> memref<64x128xf32, #tpu.memory_space<hbm>>
    tpu.wait_dma2 semaphore(%arg27 : memref<!tpu.dma_semaphore, #tpu.memory_space<semaphore_mem>>) src(%arg23 : memref<64x128xf32, #tpu.memory_space<vmem>>) dst(%dma_wait3A_374 : memref<64x128xf32, #tpu.memory_space<hbm>>)
    return
  }
}

#map = affine_map<(d0, d1) -> (0)>
#map1 = affine_map<(d0, d1) -> (0, 0)>
module attributes {stable_mosaic.version = 14 : i64} {
  func.func @body(%arg0: i32, %arg1: i32, %arg2: memref<16384xi32, #tpu.memory_space<hbm>>, %arg3: memref<16384xi32, #tpu.memory_space<hbm>>, %arg4: memref<100000x128xf32, #tpu.memory_space<hbm>>, %arg5: memref<100000x128xf32, #tpu.memory_space<hbm>>, %arg6: memref<100000x128xf32, #tpu.memory_space<hbm>>, %arg7: memref<100000x128xf32, #tpu.memory_space<hbm>>, %arg8: memref<4096x128xf32, #tpu.memory_space<hbm>>, %arg9: memref<4096x128xf32, #tpu.memory_space<hbm>>, %arg10: memref<4096x128xf32, #tpu.memory_space<hbm>>, %arg11: memref<4096x128xf32, #tpu.memory_space<hbm>>, %arg12: memref<64xi32, #tpu.memory_space<vmem>>, %arg13: memref<64xi32, #tpu.memory_space<vmem>>, %arg14: memref<64x128xf32, #tpu.memory_space<vmem>>, %arg15: memref<64x128xf32, #tpu.memory_space<vmem>>, %arg16: memref<64x128xf32, #tpu.memory_space<vmem>>, %arg17: memref<64x128xf32, #tpu.memory_space<vmem>>, %arg18: memref<64xi32, #tpu.memory_space<vmem>>, %arg19: memref<64xi32, #tpu.memory_space<vmem>>, %arg20: memref<64x128xf32, #tpu.memory_space<vmem>>, %arg21: memref<64x128xf32, #tpu.memory_space<vmem>>, %arg22: memref<64x128xf32, #tpu.memory_space<vmem>>, %arg23: memref<64x128xf32, #tpu.memory_space<vmem>>, %arg24: memref<!tpu.dma_semaphore, #tpu.memory_space<semaphore_mem>>, %arg25: memref<!tpu.dma_semaphore, #tpu.memory_space<semaphore_mem>>, %arg26: memref<!tpu.dma_semaphore, #tpu.memory_space<semaphore_mem>>, %arg27: memref<!tpu.dma_semaphore, #tpu.memory_space<semaphore_mem>>) attributes {dimension_semantics = [#tpu.dimension_semantics<core_parallel>, #tpu.dimension_semantics<subcore_parallel>], iteration_bounds = array<i64: 2, 16>, scalar_prefetch = 0 : i64, scratch_operands = 16 : i64, tpu.core_type = #tpu.core_type<sc_vector_subcore>, window_params = [{transform_indices = #map}, {transform_indices = #map}, {transform_indices = #map1}, {transform_indices = #map1}, {transform_indices = #map1}, {transform_indices = #map1}, {transform_indices = #map1}, {transform_indices = #map1}, {transform_indices = #map1}, {transform_indices = #map1}]} {
    %mul3A = arith.constant 2 : i32
    %mul3A_0 = arith.muli %arg1, %mul3A : i32
    %add3A = arith.addi %mul3A_0, %arg0 : i32
    %mul3A_1 = arith.constant 128 : i32
    %mul3A_2 = arith.muli %add3A, %mul3A_1 : i32
    %add3A_3 = arith.constant 12288 : i32
    %add3A_4 = arith.addi %add3A_3, %mul3A_2 : i32
    %add3A_5 = arith.constant 0 : i32
    %add3A_6 = arith.addi %mul3A_2, %add3A_5 : i32
    %add3A_7 = arith.constant 0 : i32
    %add3A_8 = arith.addi %add3A_4, %add3A_7 : i32
    "tpu.region"() ({
      %run_scoped3A = tpu.sem_alloc : memref<!tpu.dma_semaphore, #tpu.memory_space<semaphore_mem>>
      %dma_start3A_127 = tpu.memref_slice %arg2[%add3A_8] : memref<16384xi32, #tpu.memory_space<hbm>> -> memref<64xi32, #tpu.memory_space<hbm>>
      %dma_start3A_128 = tpu.memref_slice %arg2[%add3A_8] : memref<16384xi32, #tpu.memory_space<hbm>> -> memref<64xi32, #tpu.memory_space<hbm>>
      tpu.enqueue_dma source(%dma_start3A_128 : memref<64xi32, #tpu.memory_space<hbm>>) target(%arg12 : memref<64xi32, #tpu.memory_space<vmem>>) target_semaphore(%run_scoped3A : memref<!tpu.dma_semaphore, #tpu.memory_space<semaphore_mem>>)
      %dma_wait3A_129 = tpu.memref_slice %arg2[%add3A_8] : memref<16384xi32, #tpu.memory_space<hbm>> -> memref<64xi32, #tpu.memory_space<hbm>>
      %dma_wait3A_130 = tpu.memref_slice %arg2[%add3A_8] : memref<16384xi32, #tpu.memory_space<hbm>> -> memref<64xi32, #tpu.memory_space<hbm>>
      tpu.wait_dma2 semaphore(%run_scoped3A : memref<!tpu.dma_semaphore, #tpu.memory_space<semaphore_mem>>) src(%dma_wait3A_130 : memref<64xi32, #tpu.memory_space<hbm>>) dst(%arg12 : memref<64xi32, #tpu.memory_space<vmem>>)
      tpu.yield
    }) : () -> ()
    "tpu.region"() ({
      %run_scoped3A = tpu.sem_alloc : memref<!tpu.dma_semaphore, #tpu.memory_space<semaphore_mem>>
      %dma_start3A_127 = tpu.memref_slice %arg3[%add3A_8] : memref<16384xi32, #tpu.memory_space<hbm>> -> memref<64xi32, #tpu.memory_space<hbm>>
      %dma_start3A_128 = tpu.memref_slice %arg3[%add3A_8] : memref<16384xi32, #tpu.memory_space<hbm>> -> memref<64xi32, #tpu.memory_space<hbm>>
      tpu.enqueue_dma source(%dma_start3A_128 : memref<64xi32, #tpu.memory_space<hbm>>) target(%arg13 : memref<64xi32, #tpu.memory_space<vmem>>) target_semaphore(%run_scoped3A : memref<!tpu.dma_semaphore, #tpu.memory_space<semaphore_mem>>)
      %dma_wait3A_129 = tpu.memref_slice %arg3[%add3A_8] : memref<16384xi32, #tpu.memory_space<hbm>> -> memref<64xi32, #tpu.memory_space<hbm>>
      %dma_wait3A_130 = tpu.memref_slice %arg3[%add3A_8] : memref<16384xi32, #tpu.memory_space<hbm>> -> memref<64xi32, #tpu.memory_space<hbm>>
      tpu.wait_dma2 semaphore(%run_scoped3A : memref<!tpu.dma_semaphore, #tpu.memory_space<semaphore_mem>>) src(%dma_wait3A_130 : memref<64xi32, #tpu.memory_space<hbm>>) dst(%arg13 : memref<64xi32, #tpu.memory_space<vmem>>)
      tpu.yield
    }) : () -> ()
    %dma_start3A = arith.constant 0 : i32
    %dma_start3A_9 = arith.constant 0 : i32
    %dma_start3A_10 = tpu.memref_slice %arg4[%dma_start3A, %dma_start3A_9] : memref<100000x128xf32, #tpu.memory_space<hbm>> -> memref<100000x128xf32, #tpu.memory_space<hbm>>
    tpu.enqueue_indirect_dma source(%dma_start3A_10 : memref<100000x128xf32, #tpu.memory_space<hbm>>) target(%arg14 : memref<64x128xf32, #tpu.memory_space<vmem>>) offsets(%arg12 : memref<64xi32, #tpu.memory_space<vmem>>) semaphore(%arg24 : memref<!tpu.dma_semaphore, #tpu.memory_space<semaphore_mem>>)
    %dma_start3A_11 = arith.constant 0 : i32
    %dma_start3A_12 = arith.constant 0 : i32
    %dma_start3A_13 = tpu.memref_slice %arg5[%dma_start3A_11, %dma_start3A_12] : memref<100000x128xf32, #tpu.memory_space<hbm>> -> memref<100000x128xf32, #tpu.memory_space<hbm>>
    tpu.enqueue_indirect_dma source(%dma_start3A_13 : memref<100000x128xf32, #tpu.memory_space<hbm>>) target(%arg15 : memref<64x128xf32, #tpu.memory_space<vmem>>) offsets(%arg13 : memref<64xi32, #tpu.memory_space<vmem>>) semaphore(%arg24 : memref<!tpu.dma_semaphore, #tpu.memory_space<semaphore_mem>>)
    %dma_start3A_14 = arith.constant 0 : i32
    %dma_start3A_15 = arith.constant 0 : i32
    %dma_start3A_16 = tpu.memref_slice %arg6[%dma_start3A_14, %dma_start3A_15] : memref<100000x128xf32, #tpu.memory_space<hbm>> -> memref<100000x128xf32, #tpu.memory_space<hbm>>
    tpu.enqueue_indirect_dma source(%dma_start3A_16 : memref<100000x128xf32, #tpu.memory_space<hbm>>) target(%arg16 : memref<64x128xf32, #tpu.memory_space<vmem>>) offsets(%arg12 : memref<64xi32, #tpu.memory_space<vmem>>) semaphore(%arg24 : memref<!tpu.dma_semaphore, #tpu.memory_space<semaphore_mem>>)
    %dma_start3A_17 = arith.constant 0 : i32
    %dma_start3A_18 = arith.constant 0 : i32
    %dma_start3A_19 = tpu.memref_slice %arg7[%dma_start3A_17, %dma_start3A_18] : memref<100000x128xf32, #tpu.memory_space<hbm>> -> memref<100000x128xf32, #tpu.memory_space<hbm>>
    tpu.enqueue_indirect_dma source(%dma_start3A_19 : memref<100000x128xf32, #tpu.memory_space<hbm>>) target(%arg17 : memref<64x128xf32, #tpu.memory_space<vmem>>) offsets(%arg13 : memref<64xi32, #tpu.memory_space<vmem>>) semaphore(%arg24 : memref<!tpu.dma_semaphore, #tpu.memory_space<semaphore_mem>>)
    %add3A_20 = arith.constant 64 : i32
    %add3A_21 = arith.addi %mul3A_2, %add3A_20 : i32
    %add3A_22 = arith.constant 64 : i32
    %add3A_23 = arith.addi %add3A_4, %add3A_22 : i32
    "tpu.region"() ({
      %run_scoped3A = tpu.sem_alloc : memref<!tpu.dma_semaphore, #tpu.memory_space<semaphore_mem>>
      %dma_start3A_127 = tpu.memref_slice %arg2[%add3A_23] : memref<16384xi32, #tpu.memory_space<hbm>> -> memref<64xi32, #tpu.memory_space<hbm>>
      %dma_start3A_128 = tpu.memref_slice %arg2[%add3A_23] : memref<16384xi32, #tpu.memory_space<hbm>> -> memref<64xi32, #tpu.memory_space<hbm>>
      tpu.enqueue_dma source(%dma_start3A_128 : memref<64xi32, #tpu.memory_space<hbm>>) target(%arg18 : memref<64xi32, #tpu.memory_space<vmem>>) target_semaphore(%run_scoped3A : memref<!tpu.dma_semaphore, #tpu.memory_space<semaphore_mem>>)
      %dma_wait3A_129 = tpu.memref_slice %arg2[%add3A_23] : memref<16384xi32, #tpu.memory_space<hbm>> -> memref<64xi32, #tpu.memory_space<hbm>>
      %dma_wait3A_130 = tpu.memref_slice %arg2[%add3A_23] : memref<16384xi32, #tpu.memory_space<hbm>> -> memref<64xi32, #tpu.memory_space<hbm>>
      tpu.wait_dma2 semaphore(%run_scoped3A : memref<!tpu.dma_semaphore, #tpu.memory_space<semaphore_mem>>) src(%dma_wait3A_130 : memref<64xi32, #tpu.memory_space<hbm>>) dst(%arg18 : memref<64xi32, #tpu.memory_space<vmem>>)
      tpu.yield
    }) : () -> ()
    "tpu.region"() ({
      %run_scoped3A = tpu.sem_alloc : memref<!tpu.dma_semaphore, #tpu.memory_space<semaphore_mem>>
      %dma_start3A_127 = tpu.memref_slice %arg3[%add3A_23] : memref<16384xi32, #tpu.memory_space<hbm>> -> memref<64xi32, #tpu.memory_space<hbm>>
      %dma_start3A_128 = tpu.memref_slice %arg3[%add3A_23] : memref<16384xi32, #tpu.memory_space<hbm>> -> memref<64xi32, #tpu.memory_space<hbm>>
      tpu.enqueue_dma source(%dma_start3A_128 : memref<64xi32, #tpu.memory_space<hbm>>) target(%arg19 : memref<64xi32, #tpu.memory_space<vmem>>) target_semaphore(%run_scoped3A : memref<!tpu.dma_semaphore, #tpu.memory_space<semaphore_mem>>)
      %dma_wait3A_129 = tpu.memref_slice %arg3[%add3A_23] : memref<16384xi32, #tpu.memory_space<hbm>> -> memref<64xi32, #tpu.memory_space<hbm>>
      %dma_wait3A_130 = tpu.memref_slice %arg3[%add3A_23] : memref<16384xi32, #tpu.memory_space<hbm>> -> memref<64xi32, #tpu.memory_space<hbm>>
      tpu.wait_dma2 semaphore(%run_scoped3A : memref<!tpu.dma_semaphore, #tpu.memory_space<semaphore_mem>>) src(%dma_wait3A_130 : memref<64xi32, #tpu.memory_space<hbm>>) dst(%arg19 : memref<64xi32, #tpu.memory_space<vmem>>)
      tpu.yield
    }) : () -> ()
    %dma_start3A_24 = arith.constant 0 : i32
    %dma_start3A_25 = arith.constant 0 : i32
    %dma_start3A_26 = tpu.memref_slice %arg4[%dma_start3A_24, %dma_start3A_25] : memref<100000x128xf32, #tpu.memory_space<hbm>> -> memref<100000x128xf32, #tpu.memory_space<hbm>>
    tpu.enqueue_indirect_dma source(%dma_start3A_26 : memref<100000x128xf32, #tpu.memory_space<hbm>>) target(%arg20 : memref<64x128xf32, #tpu.memory_space<vmem>>) offsets(%arg18 : memref<64xi32, #tpu.memory_space<vmem>>) semaphore(%arg25 : memref<!tpu.dma_semaphore, #tpu.memory_space<semaphore_mem>>)
    %dma_start3A_27 = arith.constant 0 : i32
    %dma_start3A_28 = arith.constant 0 : i32
    %dma_start3A_29 = tpu.memref_slice %arg5[%dma_start3A_27, %dma_start3A_28] : memref<100000x128xf32, #tpu.memory_space<hbm>> -> memref<100000x128xf32, #tpu.memory_space<hbm>>
    tpu.enqueue_indirect_dma source(%dma_start3A_29 : memref<100000x128xf32, #tpu.memory_space<hbm>>) target(%arg21 : memref<64x128xf32, #tpu.memory_space<vmem>>) offsets(%arg19 : memref<64xi32, #tpu.memory_space<vmem>>) semaphore(%arg25 : memref<!tpu.dma_semaphore, #tpu.memory_space<semaphore_mem>>)
    %dma_start3A_30 = arith.constant 0 : i32
    %dma_start3A_31 = arith.constant 0 : i32
    %dma_start3A_32 = tpu.memref_slice %arg6[%dma_start3A_30, %dma_start3A_31] : memref<100000x128xf32, #tpu.memory_space<hbm>> -> memref<100000x128xf32, #tpu.memory_space<hbm>>
    tpu.enqueue_indirect_dma source(%dma_start3A_32 : memref<100000x128xf32, #tpu.memory_space<hbm>>) target(%arg22 : memref<64x128xf32, #tpu.memory_space<vmem>>) offsets(%arg18 : memref<64xi32, #tpu.memory_space<vmem>>) semaphore(%arg25 : memref<!tpu.dma_semaphore, #tpu.memory_space<semaphore_mem>>)
    %dma_start3A_33 = arith.constant 0 : i32
    %dma_start3A_34 = arith.constant 0 : i32
    %dma_start3A_35 = tpu.memref_slice %arg7[%dma_start3A_33, %dma_start3A_34] : memref<100000x128xf32, #tpu.memory_space<hbm>> -> memref<100000x128xf32, #tpu.memory_space<hbm>>
    tpu.enqueue_indirect_dma source(%dma_start3A_35 : memref<100000x128xf32, #tpu.memory_space<hbm>>) target(%arg23 : memref<64x128xf32, #tpu.memory_space<vmem>>) offsets(%arg19 : memref<64xi32, #tpu.memory_space<vmem>>) semaphore(%arg25 : memref<!tpu.dma_semaphore, #tpu.memory_space<semaphore_mem>>)
    %dma_wait3A = arith.constant 0 : i32
    %dma_wait3A_36 = arith.constant 0 : i32
    %dma_wait3A_37 = tpu.memref_slice %arg4[%dma_wait3A, %dma_wait3A_36] : memref<100000x128xf32, #tpu.memory_space<hbm>> -> memref<100000x128xf32, #tpu.memory_space<hbm>>
    tpu.wait_indirect_dma semaphore(%arg24 : memref<!tpu.dma_semaphore, #tpu.memory_space<semaphore_mem>>) src(%dma_wait3A_37 : memref<100000x128xf32, #tpu.memory_space<hbm>>) dst(%arg14 : memref<64x128xf32, #tpu.memory_space<vmem>>)
    %dma_wait3A_38 = arith.constant 0 : i32
    %dma_wait3A_39 = arith.constant 0 : i32
    %dma_wait3A_40 = tpu.memref_slice %arg5[%dma_wait3A_38, %dma_wait3A_39] : memref<100000x128xf32, #tpu.memory_space<hbm>> -> memref<100000x128xf32, #tpu.memory_space<hbm>>
    tpu.wait_indirect_dma semaphore(%arg24 : memref<!tpu.dma_semaphore, #tpu.memory_space<semaphore_mem>>) src(%dma_wait3A_40 : memref<100000x128xf32, #tpu.memory_space<hbm>>) dst(%arg15 : memref<64x128xf32, #tpu.memory_space<vmem>>)
    %dma_wait3A_41 = arith.constant 0 : i32
    %dma_wait3A_42 = arith.constant 0 : i32
    %dma_wait3A_43 = tpu.memref_slice %arg6[%dma_wait3A_41, %dma_wait3A_42] : memref<100000x128xf32, #tpu.memory_space<hbm>> -> memref<100000x128xf32, #tpu.memory_space<hbm>>
    tpu.wait_indirect_dma semaphore(%arg24 : memref<!tpu.dma_semaphore, #tpu.memory_space<semaphore_mem>>) src(%dma_wait3A_43 : memref<100000x128xf32, #tpu.memory_space<hbm>>) dst(%arg16 : memref<64x128xf32, #tpu.memory_space<vmem>>)
    %dma_wait3A_44 = arith.constant 0 : i32
    %dma_wait3A_45 = arith.constant 0 : i32
    %dma_wait3A_46 = tpu.memref_slice %arg7[%dma_wait3A_44, %dma_wait3A_45] : memref<100000x128xf32, #tpu.memory_space<hbm>> -> memref<100000x128xf32, #tpu.memory_space<hbm>>
    tpu.wait_indirect_dma semaphore(%arg24 : memref<!tpu.dma_semaphore, #tpu.memory_space<semaphore_mem>>) src(%dma_wait3A_46 : memref<100000x128xf32, #tpu.memory_space<hbm>>) dst(%arg17 : memref<64x128xf32, #tpu.memory_space<vmem>>)
    %add3A_47 = arith.constant 0 : i32
    %add3A_48 = arith.addi %mul3A_2, %add3A_47 : i32
    %dma_start3A_49 = arith.constant 0 : i32
    %dma_start3A_50 = tpu.memref_slice %arg8[%add3A_48, %dma_start3A_49] : memref<4096x128xf32, #tpu.memory_space<hbm>> -> memref<64x128xf32, #tpu.memory_space<hbm>>
    %dma_start3A_51 = arith.constant 0 : i32
    %dma_start3A_52 = tpu.memref_slice %arg8[%add3A_48, %dma_start3A_51] : memref<4096x128xf32, #tpu.memory_space<hbm>> -> memref<64x128xf32, #tpu.memory_space<hbm>>
    tpu.enqueue_dma source(%arg14 : memref<64x128xf32, #tpu.memory_space<vmem>>) target(%dma_start3A_52 : memref<64x128xf32, #tpu.memory_space<hbm>>) target_semaphore(%arg26 : memref<!tpu.dma_semaphore, #tpu.memory_space<semaphore_mem>>)
    %dma_start3A_53 = arith.constant 0 : i32
    %dma_start3A_54 = tpu.memref_slice %arg9[%add3A_48, %dma_start3A_53] : memref<4096x128xf32, #tpu.memory_space<hbm>> -> memref<64x128xf32, #tpu.memory_space<hbm>>
    %dma_start3A_55 = arith.constant 0 : i32
    %dma_start3A_56 = tpu.memref_slice %arg9[%add3A_48, %dma_start3A_55] : memref<4096x128xf32, #tpu.memory_space<hbm>> -> memref<64x128xf32, #tpu.memory_space<hbm>>
    tpu.enqueue_dma source(%arg15 : memref<64x128xf32, #tpu.memory_space<vmem>>) target(%dma_start3A_56 : memref<64x128xf32, #tpu.memory_space<hbm>>) target_semaphore(%arg26 : memref<!tpu.dma_semaphore, #tpu.memory_space<semaphore_mem>>)
    %dma_start3A_57 = arith.constant 0 : i32
    %dma_start3A_58 = tpu.memref_slice %arg10[%add3A_48, %dma_start3A_57] : memref<4096x128xf32, #tpu.memory_space<hbm>> -> memref<64x128xf32, #tpu.memory_space<hbm>>
    %dma_start3A_59 = arith.constant 0 : i32
    %dma_start3A_60 = tpu.memref_slice %arg10[%add3A_48, %dma_start3A_59] : memref<4096x128xf32, #tpu.memory_space<hbm>> -> memref<64x128xf32, #tpu.memory_space<hbm>>
    tpu.enqueue_dma source(%arg16 : memref<64x128xf32, #tpu.memory_space<vmem>>) target(%dma_start3A_60 : memref<64x128xf32, #tpu.memory_space<hbm>>) target_semaphore(%arg26 : memref<!tpu.dma_semaphore, #tpu.memory_space<semaphore_mem>>)
    %dma_start3A_61 = arith.constant 0 : i32
    %dma_start3A_62 = tpu.memref_slice %arg11[%add3A_48, %dma_start3A_61] : memref<4096x128xf32, #tpu.memory_space<hbm>> -> memref<64x128xf32, #tpu.memory_space<hbm>>
    %dma_start3A_63 = arith.constant 0 : i32
    %dma_start3A_64 = tpu.memref_slice %arg11[%add3A_48, %dma_start3A_63] : memref<4096x128xf32, #tpu.memory_space<hbm>> -> memref<64x128xf32, #tpu.memory_space<hbm>>
    tpu.enqueue_dma source(%arg17 : memref<64x128xf32, #tpu.memory_space<vmem>>) target(%dma_start3A_64 : memref<64x128xf32, #tpu.memory_space<hbm>>) target_semaphore(%arg26 : memref<!tpu.dma_semaphore, #tpu.memory_space<semaphore_mem>>)
    %dma_wait3A_65 = arith.constant 0 : i32
    %dma_wait3A_66 = arith.constant 0 : i32
    %dma_wait3A_67 = tpu.memref_slice %arg4[%dma_wait3A_65, %dma_wait3A_66] : memref<100000x128xf32, #tpu.memory_space<hbm>> -> memref<100000x128xf32, #tpu.memory_space<hbm>>
    tpu.wait_indirect_dma semaphore(%arg25 : memref<!tpu.dma_semaphore, #tpu.memory_space<semaphore_mem>>) src(%dma_wait3A_67 : memref<100000x128xf32, #tpu.memory_space<hbm>>) dst(%arg20 : memref<64x128xf32, #tpu.memory_space<vmem>>)
    %dma_wait3A_68 = arith.constant 0 : i32
    %dma_wait3A_69 = arith.constant 0 : i32
    %dma_wait3A_70 = tpu.memref_slice %arg5[%dma_wait3A_68, %dma_wait3A_69] : memref<100000x128xf32, #tpu.memory_space<hbm>> -> memref<100000x128xf32, #tpu.memory_space<hbm>>
    tpu.wait_indirect_dma semaphore(%arg25 : memref<!tpu.dma_semaphore, #tpu.memory_space<semaphore_mem>>) src(%dma_wait3A_70 : memref<100000x128xf32, #tpu.memory_space<hbm>>) dst(%arg21 : memref<64x128xf32, #tpu.memory_space<vmem>>)
    %dma_wait3A_71 = arith.constant 0 : i32
    %dma_wait3A_72 = arith.constant 0 : i32
    %dma_wait3A_73 = tpu.memref_slice %arg6[%dma_wait3A_71, %dma_wait3A_72] : memref<100000x128xf32, #tpu.memory_space<hbm>> -> memref<100000x128xf32, #tpu.memory_space<hbm>>
    tpu.wait_indirect_dma semaphore(%arg25 : memref<!tpu.dma_semaphore, #tpu.memory_space<semaphore_mem>>) src(%dma_wait3A_73 : memref<100000x128xf32, #tpu.memory_space<hbm>>) dst(%arg22 : memref<64x128xf32, #tpu.memory_space<vmem>>)
    %dma_wait3A_74 = arith.constant 0 : i32
    %dma_wait3A_75 = arith.constant 0 : i32
    %dma_wait3A_76 = tpu.memref_slice %arg7[%dma_wait3A_74, %dma_wait3A_75] : memref<100000x128xf32, #tpu.memory_space<hbm>> -> memref<100000x128xf32, #tpu.memory_space<hbm>>
    tpu.wait_indirect_dma semaphore(%arg25 : memref<!tpu.dma_semaphore, #tpu.memory_space<semaphore_mem>>) src(%dma_wait3A_76 : memref<100000x128xf32, #tpu.memory_space<hbm>>) dst(%arg23 : memref<64x128xf32, #tpu.memory_space<vmem>>)
    %add3A_77 = arith.constant 64 : i32
    %add3A_78 = arith.addi %mul3A_2, %add3A_77 : i32
    %dma_start3A_79 = arith.constant 0 : i32
    %dma_start3A_80 = tpu.memref_slice %arg8[%add3A_78, %dma_start3A_79] : memref<4096x128xf32, #tpu.memory_space<hbm>> -> memref<64x128xf32, #tpu.memory_space<hbm>>
    %dma_start3A_81 = arith.constant 0 : i32
    %dma_start3A_82 = tpu.memref_slice %arg8[%add3A_78, %dma_start3A_81] : memref<4096x128xf32, #tpu.memory_space<hbm>> -> memref<64x128xf32, #tpu.memory_space<hbm>>
    tpu.enqueue_dma source(%arg20 : memref<64x128xf32, #tpu.memory_space<vmem>>) target(%dma_start3A_82 : memref<64x128xf32, #tpu.memory_space<hbm>>) target_semaphore(%arg27 : memref<!tpu.dma_semaphore, #tpu.memory_space<semaphore_mem>>)
    %dma_start3A_83 = arith.constant 0 : i32
    %dma_start3A_84 = tpu.memref_slice %arg9[%add3A_78, %dma_start3A_83] : memref<4096x128xf32, #tpu.memory_space<hbm>> -> memref<64x128xf32, #tpu.memory_space<hbm>>
    %dma_start3A_85 = arith.constant 0 : i32
    %dma_start3A_86 = tpu.memref_slice %arg9[%add3A_78, %dma_start3A_85] : memref<4096x128xf32, #tpu.memory_space<hbm>> -> memref<64x128xf32, #tpu.memory_space<hbm>>
    tpu.enqueue_dma source(%arg21 : memref<64x128xf32, #tpu.memory_space<vmem>>) target(%dma_start3A_86 : memref<64x128xf32, #tpu.memory_space<hbm>>) target_semaphore(%arg27 : memref<!tpu.dma_semaphore, #tpu.memory_space<semaphore_mem>>)
    %dma_start3A_87 = arith.constant 0 : i32
    %dma_start3A_88 = tpu.memref_slice %arg10[%add3A_78, %dma_start3A_87] : memref<4096x128xf32, #tpu.memory_space<hbm>> -> memref<64x128xf32, #tpu.memory_space<hbm>>
    %dma_start3A_89 = arith.constant 0 : i32
    %dma_start3A_90 = tpu.memref_slice %arg10[%add3A_78, %dma_start3A_89] : memref<4096x128xf32, #tpu.memory_space<hbm>> -> memref<64x128xf32, #tpu.memory_space<hbm>>
    tpu.enqueue_dma source(%arg22 : memref<64x128xf32, #tpu.memory_space<vmem>>) target(%dma_start3A_90 : memref<64x128xf32, #tpu.memory_space<hbm>>) target_semaphore(%arg27 : memref<!tpu.dma_semaphore, #tpu.memory_space<semaphore_mem>>)
    %dma_start3A_91 = arith.constant 0 : i32
    %dma_start3A_92 = tpu.memref_slice %arg11[%add3A_78, %dma_start3A_91] : memref<4096x128xf32, #tpu.memory_space<hbm>> -> memref<64x128xf32, #tpu.memory_space<hbm>>
    %dma_start3A_93 = arith.constant 0 : i32
    %dma_start3A_94 = tpu.memref_slice %arg11[%add3A_78, %dma_start3A_93] : memref<4096x128xf32, #tpu.memory_space<hbm>> -> memref<64x128xf32, #tpu.memory_space<hbm>>
    tpu.enqueue_dma source(%arg23 : memref<64x128xf32, #tpu.memory_space<vmem>>) target(%dma_start3A_94 : memref<64x128xf32, #tpu.memory_space<hbm>>) target_semaphore(%arg27 : memref<!tpu.dma_semaphore, #tpu.memory_space<semaphore_mem>>)
    %dma_wait3A_95 = arith.constant 0 : i32
    %dma_wait3A_96 = tpu.memref_slice %arg8[%add3A_48, %dma_wait3A_95] : memref<4096x128xf32, #tpu.memory_space<hbm>> -> memref<64x128xf32, #tpu.memory_space<hbm>>
    %dma_wait3A_97 = arith.constant 0 : i32
    %dma_wait3A_98 = tpu.memref_slice %arg8[%add3A_48, %dma_wait3A_97] : memref<4096x128xf32, #tpu.memory_space<hbm>> -> memref<64x128xf32, #tpu.memory_space<hbm>>
    tpu.wait_dma2 semaphore(%arg26 : memref<!tpu.dma_semaphore, #tpu.memory_space<semaphore_mem>>) src(%arg14 : memref<64x128xf32, #tpu.memory_space<vmem>>) dst(%dma_wait3A_98 : memref<64x128xf32, #tpu.memory_space<hbm>>)
    %dma_wait3A_99 = arith.constant 0 : i32
    %dma_wait3A_100 = tpu.memref_slice %arg9[%add3A_48, %dma_wait3A_99] : memref<4096x128xf32, #tpu.memory_space<hbm>> -> memref<64x128xf32, #tpu.memory_space<hbm>>
    %dma_wait3A_101 = arith.constant 0 : i32
    %dma_wait3A_102 = tpu.memref_slice %arg9[%add3A_48, %dma_wait3A_101] : memref<4096x128xf32, #tpu.memory_space<hbm>> -> memref<64x128xf32, #tpu.memory_space<hbm>>
    tpu.wait_dma2 semaphore(%arg26 : memref<!tpu.dma_semaphore, #tpu.memory_space<semaphore_mem>>) src(%arg15 : memref<64x128xf32, #tpu.memory_space<vmem>>) dst(%dma_wait3A_102 : memref<64x128xf32, #tpu.memory_space<hbm>>)
    %dma_wait3A_103 = arith.constant 0 : i32
    %dma_wait3A_104 = tpu.memref_slice %arg10[%add3A_48, %dma_wait3A_103] : memref<4096x128xf32, #tpu.memory_space<hbm>> -> memref<64x128xf32, #tpu.memory_space<hbm>>
    %dma_wait3A_105 = arith.constant 0 : i32
    %dma_wait3A_106 = tpu.memref_slice %arg10[%add3A_48, %dma_wait3A_105] : memref<4096x128xf32, #tpu.memory_space<hbm>> -> memref<64x128xf32, #tpu.memory_space<hbm>>
    tpu.wait_dma2 semaphore(%arg26 : memref<!tpu.dma_semaphore, #tpu.memory_space<semaphore_mem>>) src(%arg16 : memref<64x128xf32, #tpu.memory_space<vmem>>) dst(%dma_wait3A_106 : memref<64x128xf32, #tpu.memory_space<hbm>>)
    %dma_wait3A_107 = arith.constant 0 : i32
    %dma_wait3A_108 = tpu.memref_slice %arg11[%add3A_48, %dma_wait3A_107] : memref<4096x128xf32, #tpu.memory_space<hbm>> -> memref<64x128xf32, #tpu.memory_space<hbm>>
    %dma_wait3A_109 = arith.constant 0 : i32
    %dma_wait3A_110 = tpu.memref_slice %arg11[%add3A_48, %dma_wait3A_109] : memref<4096x128xf32, #tpu.memory_space<hbm>> -> memref<64x128xf32, #tpu.memory_space<hbm>>
    tpu.wait_dma2 semaphore(%arg26 : memref<!tpu.dma_semaphore, #tpu.memory_space<semaphore_mem>>) src(%arg17 : memref<64x128xf32, #tpu.memory_space<vmem>>) dst(%dma_wait3A_110 : memref<64x128xf32, #tpu.memory_space<hbm>>)
    %dma_wait3A_111 = arith.constant 0 : i32
    %dma_wait3A_112 = tpu.memref_slice %arg8[%add3A_78, %dma_wait3A_111] : memref<4096x128xf32, #tpu.memory_space<hbm>> -> memref<64x128xf32, #tpu.memory_space<hbm>>
    %dma_wait3A_113 = arith.constant 0 : i32
    %dma_wait3A_114 = tpu.memref_slice %arg8[%add3A_78, %dma_wait3A_113] : memref<4096x128xf32, #tpu.memory_space<hbm>> -> memref<64x128xf32, #tpu.memory_space<hbm>>
    tpu.wait_dma2 semaphore(%arg27 : memref<!tpu.dma_semaphore, #tpu.memory_space<semaphore_mem>>) src(%arg20 : memref<64x128xf32, #tpu.memory_space<vmem>>) dst(%dma_wait3A_114 : memref<64x128xf32, #tpu.memory_space<hbm>>)
    %dma_wait3A_115 = arith.constant 0 : i32
    %dma_wait3A_116 = tpu.memref_slice %arg9[%add3A_78, %dma_wait3A_115] : memref<4096x128xf32, #tpu.memory_space<hbm>> -> memref<64x128xf32, #tpu.memory_space<hbm>>
    %dma_wait3A_117 = arith.constant 0 : i32
    %dma_wait3A_118 = tpu.memref_slice %arg9[%add3A_78, %dma_wait3A_117] : memref<4096x128xf32, #tpu.memory_space<hbm>> -> memref<64x128xf32, #tpu.memory_space<hbm>>
    tpu.wait_dma2 semaphore(%arg27 : memref<!tpu.dma_semaphore, #tpu.memory_space<semaphore_mem>>) src(%arg21 : memref<64x128xf32, #tpu.memory_space<vmem>>) dst(%dma_wait3A_118 : memref<64x128xf32, #tpu.memory_space<hbm>>)
    %dma_wait3A_119 = arith.constant 0 : i32
    %dma_wait3A_120 = tpu.memref_slice %arg10[%add3A_78, %dma_wait3A_119] : memref<4096x128xf32, #tpu.memory_space<hbm>> -> memref<64x128xf32, #tpu.memory_space<hbm>>
    %dma_wait3A_121 = arith.constant 0 : i32
    %dma_wait3A_122 = tpu.memref_slice %arg10[%add3A_78, %dma_wait3A_121] : memref<4096x128xf32, #tpu.memory_space<hbm>> -> memref<64x128xf32, #tpu.memory_space<hbm>>
    tpu.wait_dma2 semaphore(%arg27 : memref<!tpu.dma_semaphore, #tpu.memory_space<semaphore_mem>>) src(%arg22 : memref<64x128xf32, #tpu.memory_space<vmem>>) dst(%dma_wait3A_122 : memref<64x128xf32, #tpu.memory_space<hbm>>)
    %dma_wait3A_123 = arith.constant 0 : i32
    %dma_wait3A_124 = tpu.memref_slice %arg11[%add3A_78, %dma_wait3A_123] : memref<4096x128xf32, #tpu.memory_space<hbm>> -> memref<64x128xf32, #tpu.memory_space<hbm>>
    %dma_wait3A_125 = arith.constant 0 : i32
    %dma_wait3A_126 = tpu.memref_slice %arg11[%add3A_78, %dma_wait3A_125] : memref<4096x128xf32, #tpu.memory_space<hbm>> -> memref<64x128xf32, #tpu.memory_space<hbm>>
    tpu.wait_dma2 semaphore(%arg27 : memref<!tpu.dma_semaphore, #tpu.memory_space<semaphore_mem>>) src(%arg23 : memref<64x128xf32, #tpu.memory_space<vmem>>) dst(%dma_wait3A_126 : memref<64x128xf32, #tpu.memory_space<hbm>>)
    return
  }
}

module attributes {stable_mosaic.version = 14 : i64} {
  func.func @_tc_mlp_body(%arg0: i32, %arg1: memref<4096x128xf32, #tpu.memory_space<vmem>>, %arg2: memref<4096x128xf32, #tpu.memory_space<vmem>>, %arg3: memref<4096x128xf32, #tpu.memory_space<vmem>>, %arg4: memref<4096x128xf32, #tpu.memory_space<vmem>>, %arg5: memref<256x256xf32, #tpu.memory_space<vmem>>, %arg6: memref<256xf32, #tpu.memory_space<vmem>>, %arg7: memref<256x128xf32, #tpu.memory_space<vmem>>, %arg8: memref<128xf32, #tpu.memory_space<vmem>>, %arg9: memref<128x64xf32, #tpu.memory_space<vmem>>, %arg10: memref<64xf32, #tpu.memory_space<vmem>>, %arg11: memref<192x1xf32, #tpu.memory_space<vmem>>, %arg12: memref<4096x1xf32, #tpu.memory_space<vmem>>) attributes {dimension_semantics = [#tpu.dimension_semantics<arbitrary>], iteration_bounds = array<i64: 3>, scalar_prefetch = 0 : i64, scratch_operands = 0 : i64, tpu.core_type = #tpu.core_type<tc>, window_params = [{transform_indices = @transform_0, window_bounds = array<i64: 4096, 128>}, {transform_indices = @transform_1, window_bounds = array<i64: 4096, 128>}, {transform_indices = @transform_2, window_bounds = array<i64: 4096, 128>}, {transform_indices = @transform_3, window_bounds = array<i64: 4096, 128>}, {pipeline_mode = #tpu.pipeline_mode<synchronous>, transform_indices = @transform_4, window_bounds = array<i64: 256, 256>}, {pipeline_mode = #tpu.pipeline_mode<synchronous>, transform_indices = @transform_5, window_bounds = array<i64: 256>}, {pipeline_mode = #tpu.pipeline_mode<synchronous>, transform_indices = @transform_6, window_bounds = array<i64: 256, 128>}, {pipeline_mode = #tpu.pipeline_mode<synchronous>, transform_indices = @transform_7, window_bounds = array<i64: 128>}, {pipeline_mode = #tpu.pipeline_mode<synchronous>, transform_indices = @transform_8, window_bounds = array<i64: 128, 64>}, {pipeline_mode = #tpu.pipeline_mode<synchronous>, transform_indices = @transform_9, window_bounds = array<i64: 64>}, {pipeline_mode = #tpu.pipeline_mode<synchronous>, transform_indices = @transform_10, window_bounds = array<i64: 192, 1>}, {transform_indices = @transform_11, window_bounds = array<i64: 4096, 1>}]} {
    %get3A = arith.constant 0 : index
    %get3A_0 = arith.constant 0 : index
    %get3A_1 = vector.load %arg3[%get3A, %get3A_0] : memref<4096x128xf32, #tpu.memory_space<vmem>>, vector<4096x128xf32>
    %convert_element_type3A = arith.truncf %get3A_1 : vector<4096x128xf32> to vector<4096x128xbf16>
    %get3A_2 = arith.constant 0 : index
    %get3A_3 = arith.constant 0 : index
    %get3A_4 = vector.load %arg4[%get3A_2, %get3A_3] : memref<4096x128xf32, #tpu.memory_space<vmem>>, vector<4096x128xf32>
    %convert_element_type3A_5 = arith.truncf %get3A_4 : vector<4096x128xf32> to vector<4096x128xbf16>
    %get3A_6 = arith.constant 0 : index
    %get3A_7 = arith.constant 0 : index
    %get3A_8 = vector.load %arg5[%get3A_6, %get3A_7] : memref<256x256xf32, #tpu.memory_space<vmem>>, vector<256x256xf32>
    %convert_element_type3A_9 = arith.truncf %get3A_8 : vector<256x256xf32> to vector<256x256xbf16>
    %slice3A = vector.extract_strided_slice %convert_element_type3A_9 {offsets = [0, 0], sizes = [128, 256], strides = [1, 1]} : vector<256x256xbf16> to vector<128x256xbf16>
    %dot_general3A = arith.constant dense<0.000000e+00> : vector<4096x256xf32>
    %dot_general3A_10 = tpu.matmul %convert_element_type3A, %slice3A, %dot_general3A {dimension_numbers = #tpu.dot_dimension_numbers<[1], [0], [0], [1], [0, 0, 1, 1], [], []>, transpose_lhs_hint = false} : vector<4096x128xbf16>, vector<128x256xbf16>, vector<4096x256xf32> -> vector<4096x256xf32>
    %slice3A_11 = vector.extract_strided_slice %convert_element_type3A_9 {offsets = [128, 0], sizes = [128, 256], strides = [1, 1]} : vector<256x256xbf16> to vector<128x256xbf16>
    %dot_general3A_12 = arith.constant dense<0.000000e+00> : vector<4096x256xf32>
    %dot_general3A_13 = tpu.matmul %convert_element_type3A_5, %slice3A_11, %dot_general3A_12 {dimension_numbers = #tpu.dot_dimension_numbers<[1], [0], [0], [1], [0, 0, 1, 1], [], []>, transpose_lhs_hint = false} : vector<4096x128xbf16>, vector<128x256xbf16>, vector<4096x256xf32> -> vector<4096x256xf32>
    %add3A = arith.addf %dot_general3A_10, %dot_general3A_13 : vector<4096x256xf32>
    %get3A_14 = arith.constant 0 : index
    %get3A_15 = vector.load %arg6[%get3A_14] : memref<256xf32, #tpu.memory_space<vmem>>, vector<256xf32>
    %broadcast_in_dim3A = vector.shape_cast %get3A_15 : vector<256xf32> to vector<1x256xf32>
    %add3A_16 = vector.broadcast %broadcast_in_dim3A : vector<1x256xf32> to vector<4096x256xf32>
    %add3A_17 = arith.addf %add3A, %add3A_16 : vector<4096x256xf32>
    %max3A = arith.constant 0.000000e+00 : f32
    %max3A_18 = vector.broadcast %max3A : f32 to vector<4096x256xf32>
    %max3A_19 = arith.maximumf %add3A_17, %max3A_18 : vector<4096x256xf32>
    %convert_element_type3A_20 = arith.truncf %max3A_19 : vector<4096x256xf32> to vector<4096x256xbf16>
    %get3A_21 = arith.constant 0 : index
    %get3A_22 = arith.constant 0 : index
    %get3A_23 = vector.load %arg7[%get3A_21, %get3A_22] : memref<256x128xf32, #tpu.memory_space<vmem>>, vector<256x128xf32>
    %convert_element_type3A_24 = arith.truncf %get3A_23 : vector<256x128xf32> to vector<256x128xbf16>
    %dot_general3A_25 = arith.constant dense<0.000000e+00> : vector<4096x128xf32>
    %dot_general3A_26 = tpu.matmul %convert_element_type3A_20, %convert_element_type3A_24, %dot_general3A_25 {dimension_numbers = #tpu.dot_dimension_numbers<[1], [0], [0], [1], [0, 0, 1, 1], [], []>, transpose_lhs_hint = false} : vector<4096x256xbf16>, vector<256x128xbf16>, vector<4096x128xf32> -> vector<4096x128xf32>
    %get3A_27 = arith.constant 0 : index
    %get3A_28 = vector.load %arg8[%get3A_27] : memref<128xf32, #tpu.memory_space<vmem>>, vector<128xf32>
    %broadcast_in_dim3A_29 = vector.shape_cast %get3A_28 : vector<128xf32> to vector<1x128xf32>
    %add3A_30 = vector.broadcast %broadcast_in_dim3A_29 : vector<1x128xf32> to vector<4096x128xf32>
    %add3A_31 = arith.addf %dot_general3A_26, %add3A_30 : vector<4096x128xf32>
    %max3A_32 = arith.constant 0.000000e+00 : f32
    %max3A_33 = vector.broadcast %max3A_32 : f32 to vector<4096x128xf32>
    %max3A_34 = arith.maximumf %add3A_31, %max3A_33 : vector<4096x128xf32>
    %convert_element_type3A_35 = arith.truncf %max3A_34 : vector<4096x128xf32> to vector<4096x128xbf16>
    %get3A_36 = arith.constant 0 : index
    %get3A_37 = arith.constant 0 : index
    %get3A_38 = vector.load %arg9[%get3A_36, %get3A_37] : memref<128x64xf32, #tpu.memory_space<vmem>>, vector<128x64xf32>
    %convert_element_type3A_39 = arith.truncf %get3A_38 : vector<128x64xf32> to vector<128x64xbf16>
    %dot_general3A_40 = arith.constant dense<0.000000e+00> : vector<4096x64xf32>
    %dot_general3A_41 = tpu.matmul %convert_element_type3A_35, %convert_element_type3A_39, %dot_general3A_40 {dimension_numbers = #tpu.dot_dimension_numbers<[1], [0], [0], [1], [0, 0, 1, 1], [], []>, transpose_lhs_hint = false} : vector<4096x128xbf16>, vector<128x64xbf16>, vector<4096x64xf32> -> vector<4096x64xf32>
    %get3A_42 = arith.constant 0 : index
    %get3A_43 = vector.load %arg10[%get3A_42] : memref<64xf32, #tpu.memory_space<vmem>>, vector<64xf32>
    %broadcast_in_dim3A_44 = vector.shape_cast %get3A_43 : vector<64xf32> to vector<1x64xf32>
    %add3A_45 = vector.broadcast %broadcast_in_dim3A_44 : vector<1x64xf32> to vector<4096x64xf32>
    %add3A_46 = arith.addf %dot_general3A_41, %add3A_45 : vector<4096x64xf32>
    %max3A_47 = arith.constant 0.000000e+00 : f32
    %max3A_48 = vector.broadcast %max3A_47 : f32 to vector<4096x64xf32>
    %max3A_49 = arith.maximumf %add3A_46, %max3A_48 : vector<4096x64xf32>
    %get3A_50 = arith.constant 0 : index
    %get3A_51 = arith.constant 0 : index
    %get3A_52 = vector.load %arg1[%get3A_50, %get3A_51] : memref<4096x128xf32, #tpu.memory_space<vmem>>, vector<4096x128xf32>
    %get3A_53 = arith.constant 0 : index
    %get3A_54 = arith.constant 0 : index
    %get3A_55 = vector.load %arg2[%get3A_53, %get3A_54] : memref<4096x128xf32, #tpu.memory_space<vmem>>, vector<4096x128xf32>
    %mul3A = arith.mulf %get3A_52, %get3A_55 : vector<4096x128xf32>
    %get3A_56 = arith.constant 0 : index
    %get3A_57 = arith.constant 0 : index
    %get3A_58 = vector.load %arg11[%get3A_56, %get3A_57] : memref<192x1xf32, #tpu.memory_space<vmem>>, vector<192x1xf32>
    %slice3A_59 = vector.extract_strided_slice %get3A_58 {offsets = [0, 0], sizes = [128, 1], strides = [1, 1]} : vector<192x1xf32> to vector<128x1xf32>
    %dot_general3A_60 = arith.constant dense<0.000000e+00> : vector<4096x1xf32>
    %dot_general3A_61 = tpu.matmul %mul3A, %slice3A_59, %dot_general3A_60 {dimension_numbers = #tpu.dot_dimension_numbers<[1], [0], [0], [1], [0, 0, 1, 1], [], []>, transpose_lhs_hint = false} : vector<4096x128xf32>, vector<128x1xf32>, vector<4096x1xf32> -> vector<4096x1xf32>
    %slice3A_62 = vector.extract_strided_slice %get3A_58 {offsets = [128, 0], sizes = [64, 1], strides = [1, 1]} : vector<192x1xf32> to vector<64x1xf32>
    %dot_general3A_63 = arith.constant dense<0.000000e+00> : vector<4096x1xf32>
    %dot_general3A_64 = tpu.matmul %max3A_49, %slice3A_62, %dot_general3A_63 {dimension_numbers = #tpu.dot_dimension_numbers<[1], [0], [0], [1], [0, 0, 1, 1], [], []>, transpose_lhs_hint = false} : vector<4096x64xf32>, vector<64x1xf32>, vector<4096x1xf32> -> vector<4096x1xf32>
    %add3A_65 = arith.addf %dot_general3A_61, %dot_general3A_64 : vector<4096x1xf32>
    %logistic3A = arith.negf %add3A_65 : vector<4096x1xf32>
    %logistic3A_66 = math.exp %logistic3A : vector<4096x1xf32>
    %logistic3A_67 = arith.constant 1.000000e+00 : f32
    %logistic3A_68 = vector.broadcast %logistic3A_67 : f32 to vector<4096x1xf32>
    %logistic3A_69 = arith.addf %logistic3A_68, %logistic3A_66 : vector<4096x1xf32>
    %logistic3A_70 = arith.divf %logistic3A_68, %logistic3A_69 : vector<4096x1xf32>
    %swap3A = arith.constant 0 : index
    %swap3A_71 = arith.constant 0 : index
    %swap3A_72 = vector.load %arg12[%swap3A, %swap3A_71] : memref<4096x1xf32, #tpu.memory_space<vmem>>, vector<4096x1xf32>
    tpu.vector_store %arg12[%swap3A, %swap3A_71], %logistic3A_70 {strides = array<i32>} : memref<4096x1xf32, #tpu.memory_space<vmem>>, vector<4096x1xf32>,
    return
  }
  func.func @transform_0(%arg0: i32) -> (i32, i32) {
    %c0_i32 = arith.constant 0 : i32
    %c0_i32_0 = arith.constant 0 : i32
    return %arg0, %c0_i32 : i32, i32
  }
  func.func @transform_1(%arg0: i32) -> (i32, i32) {
    %c0_i32 = arith.constant 0 : i32
    %c0_i32_0 = arith.constant 0 : i32
    return %arg0, %c0_i32 : i32, i32
  }
  func.func @transform_2(%arg0: i32) -> (i32, i32) {
    %c0_i32 = arith.constant 0 : i32
    %c0_i32_0 = arith.constant 0 : i32
    return %arg0, %c0_i32 : i32, i32
  }
  func.func @transform_3(%arg0: i32) -> (i32, i32) {
    %c0_i32 = arith.constant 0 : i32
    %c0_i32_0 = arith.constant 0 : i32
    return %arg0, %c0_i32 : i32, i32
  }
  func.func @transform_4(%arg0: i32) -> (i32, i32) {
    %c0_i32 = arith.constant 0 : i32
    %c0_i32_0 = arith.constant 0 : i32
    %c0_i32_1 = arith.constant 0 : i32
    return %c0_i32, %c0_i32_0 : i32, i32
  }
  func.func @transform_5(%arg0: i32) -> i32 {
    %c0_i32 = arith.constant 0 : i32
    %c0_i32_0 = arith.constant 0 : i32
    return %c0_i32 : i32
  }
  func.func @transform_6(%arg0: i32) -> (i32, i32) {
    %c0_i32 = arith.constant 0 : i32
    %c0_i32_0 = arith.constant 0 : i32
    %c0_i32_1 = arith.constant 0 : i32
    return %c0_i32, %c0_i32_0 : i32, i32
  }
  func.func @transform_7(%arg0: i32) -> i32 {
    %c0_i32 = arith.constant 0 : i32
    %c0_i32_0 = arith.constant 0 : i32
    return %c0_i32 : i32
  }
  func.func @transform_8(%arg0: i32) -> (i32, i32) {
    %c0_i32 = arith.constant 0 : i32
    %c0_i32_0 = arith.constant 0 : i32
    %c0_i32_1 = arith.constant 0 : i32
    return %c0_i32, %c0_i32_0 : i32, i32
  }
  func.func @transform_9(%arg0: i32) -> i32 {
    %c0_i32 = arith.constant 0 : i32
    %c0_i32_0 = arith.constant 0 : i32
    return %c0_i32 : i32
  }
  func.func @transform_10(%arg0: i32) -> (i32, i32) {
    %c0_i32 = arith.constant 0 : i32
    %c0_i32_0 = arith.constant 0 : i32
    %c0_i32_1 = arith.constant 0 : i32
    return %c0_i32, %c0_i32_0 : i32, i32
  }
  func.func @transform_11(%arg0: i32) -> (i32, i32) {
    %c0_i32 = arith.constant 0 : i32
    %c0_i32_0 = arith.constant 0 : i32
    return %arg0, %c0_i32 : i32, i32
  }
}

module attributes {stable_mosaic.version = 14 : i64} {
  func.func @_tc_mlp_body(%arg0: i32, %arg1: memref<4096x128xf32, #tpu.memory_space<vmem>>, %arg2: memref<4096x128xf32, #tpu.memory_space<vmem>>, %arg3: memref<4096x128xf32, #tpu.memory_space<vmem>>, %arg4: memref<4096x128xf32, #tpu.memory_space<vmem>>, %arg5: memref<256x256xf32, #tpu.memory_space<vmem>>, %arg6: memref<256xf32, #tpu.memory_space<vmem>>, %arg7: memref<256x128xf32, #tpu.memory_space<vmem>>, %arg8: memref<128xf32, #tpu.memory_space<vmem>>, %arg9: memref<128x64xf32, #tpu.memory_space<vmem>>, %arg10: memref<64xf32, #tpu.memory_space<vmem>>, %arg11: memref<192x1xf32, #tpu.memory_space<vmem>>, %arg12: memref<4096x1xf32, #tpu.memory_space<vmem>>) attributes {dimension_semantics = [#tpu.dimension_semantics<arbitrary>], iteration_bounds = array<i64: 1>, scalar_prefetch = 0 : i64, scratch_operands = 0 : i64, tpu.core_type = #tpu.core_type<tc>, window_params = [{transform_indices = @transform_0, window_bounds = array<i64: 4096, 128>}, {transform_indices = @transform_1, window_bounds = array<i64: 4096, 128>}, {transform_indices = @transform_2, window_bounds = array<i64: 4096, 128>}, {transform_indices = @transform_3, window_bounds = array<i64: 4096, 128>}, {pipeline_mode = #tpu.pipeline_mode<synchronous>, transform_indices = @transform_4, window_bounds = array<i64: 256, 256>}, {pipeline_mode = #tpu.pipeline_mode<synchronous>, transform_indices = @transform_5, window_bounds = array<i64: 256>}, {pipeline_mode = #tpu.pipeline_mode<synchronous>, transform_indices = @transform_6, window_bounds = array<i64: 256, 128>}, {pipeline_mode = #tpu.pipeline_mode<synchronous>, transform_indices = @transform_7, window_bounds = array<i64: 128>}, {pipeline_mode = #tpu.pipeline_mode<synchronous>, transform_indices = @transform_8, window_bounds = array<i64: 128, 64>}, {pipeline_mode = #tpu.pipeline_mode<synchronous>, transform_indices = @transform_9, window_bounds = array<i64: 64>}, {pipeline_mode = #tpu.pipeline_mode<synchronous>, transform_indices = @transform_10, window_bounds = array<i64: 192, 1>}, {transform_indices = @transform_11, window_bounds = array<i64: 4096, 1>}]} {
    %get3A = arith.constant 0 : index
    %get3A_0 = arith.constant 0 : index
    %get3A_1 = vector.load %arg3[%get3A, %get3A_0] : memref<4096x128xf32, #tpu.memory_space<vmem>>, vector<4096x128xf32>
    %convert_element_type3A = arith.truncf %get3A_1 : vector<4096x128xf32> to vector<4096x128xbf16>
    %get3A_2 = arith.constant 0 : index
    %get3A_3 = arith.constant 0 : index
    %get3A_4 = vector.load %arg4[%get3A_2, %get3A_3] : memref<4096x128xf32, #tpu.memory_space<vmem>>, vector<4096x128xf32>
    %convert_element_type3A_5 = arith.truncf %get3A_4 : vector<4096x128xf32> to vector<4096x128xbf16>
    %get3A_6 = arith.constant 0 : index
    %get3A_7 = arith.constant 0 : index
    %get3A_8 = vector.load %arg5[%get3A_6, %get3A_7] : memref<256x256xf32, #tpu.memory_space<vmem>>, vector<256x256xf32>
    %convert_element_type3A_9 = arith.truncf %get3A_8 : vector<256x256xf32> to vector<256x256xbf16>
    %slice3A = vector.extract_strided_slice %convert_element_type3A_9 {offsets = [0, 0], sizes = [128, 256], strides = [1, 1]} : vector<256x256xbf16> to vector<128x256xbf16>
    %dot_general3A = arith.constant dense<0.000000e+00> : vector<4096x256xf32>
    %dot_general3A_10 = tpu.matmul %convert_element_type3A, %slice3A, %dot_general3A {dimension_numbers = #tpu.dot_dimension_numbers<[1], [0], [0], [1], [0, 0, 1, 1], [], []>, transpose_lhs_hint = false} : vector<4096x128xbf16>, vector<128x256xbf16>, vector<4096x256xf32> -> vector<4096x256xf32>
    %slice3A_11 = vector.extract_strided_slice %convert_element_type3A_9 {offsets = [128, 0], sizes = [128, 256], strides = [1, 1]} : vector<256x256xbf16> to vector<128x256xbf16>
    %dot_general3A_12 = arith.constant dense<0.000000e+00> : vector<4096x256xf32>
    %dot_general3A_13 = tpu.matmul %convert_element_type3A_5, %slice3A_11, %dot_general3A_12 {dimension_numbers = #tpu.dot_dimension_numbers<[1], [0], [0], [1], [0, 0, 1, 1], [], []>, transpose_lhs_hint = false} : vector<4096x128xbf16>, vector<128x256xbf16>, vector<4096x256xf32> -> vector<4096x256xf32>
    %add3A = arith.addf %dot_general3A_10, %dot_general3A_13 : vector<4096x256xf32>
    %get3A_14 = arith.constant 0 : index
    %get3A_15 = vector.load %arg6[%get3A_14] : memref<256xf32, #tpu.memory_space<vmem>>, vector<256xf32>
    %broadcast_in_dim3A = vector.shape_cast %get3A_15 : vector<256xf32> to vector<1x256xf32>
    %add3A_16 = vector.broadcast %broadcast_in_dim3A : vector<1x256xf32> to vector<4096x256xf32>
    %add3A_17 = arith.addf %add3A, %add3A_16 : vector<4096x256xf32>
    %max3A = arith.constant 0.000000e+00 : f32
    %max3A_18 = vector.broadcast %max3A : f32 to vector<4096x256xf32>
    %max3A_19 = arith.maximumf %add3A_17, %max3A_18 : vector<4096x256xf32>
    %convert_element_type3A_20 = arith.truncf %max3A_19 : vector<4096x256xf32> to vector<4096x256xbf16>
    %get3A_21 = arith.constant 0 : index
    %get3A_22 = arith.constant 0 : index
    %get3A_23 = vector.load %arg7[%get3A_21, %get3A_22] : memref<256x128xf32, #tpu.memory_space<vmem>>, vector<256x128xf32>
    %convert_element_type3A_24 = arith.truncf %get3A_23 : vector<256x128xf32> to vector<256x128xbf16>
    %dot_general3A_25 = arith.constant dense<0.000000e+00> : vector<4096x128xf32>
    %dot_general3A_26 = tpu.matmul %convert_element_type3A_20, %convert_element_type3A_24, %dot_general3A_25 {dimension_numbers = #tpu.dot_dimension_numbers<[1], [0], [0], [1], [0, 0, 1, 1], [], []>, transpose_lhs_hint = false} : vector<4096x256xbf16>, vector<256x128xbf16>, vector<4096x128xf32> -> vector<4096x128xf32>
    %get3A_27 = arith.constant 0 : index
    %get3A_28 = vector.load %arg8[%get3A_27] : memref<128xf32, #tpu.memory_space<vmem>>, vector<128xf32>
    %broadcast_in_dim3A_29 = vector.shape_cast %get3A_28 : vector<128xf32> to vector<1x128xf32>
    %add3A_30 = vector.broadcast %broadcast_in_dim3A_29 : vector<1x128xf32> to vector<4096x128xf32>
    %add3A_31 = arith.addf %dot_general3A_26, %add3A_30 : vector<4096x128xf32>
    %max3A_32 = arith.constant 0.000000e+00 : f32
    %max3A_33 = vector.broadcast %max3A_32 : f32 to vector<4096x128xf32>
    %max3A_34 = arith.maximumf %add3A_31, %max3A_33 : vector<4096x128xf32>
    %convert_element_type3A_35 = arith.truncf %max3A_34 : vector<4096x128xf32> to vector<4096x128xbf16>
    %get3A_36 = arith.constant 0 : index
    %get3A_37 = arith.constant 0 : index
    %get3A_38 = vector.load %arg9[%get3A_36, %get3A_37] : memref<128x64xf32, #tpu.memory_space<vmem>>, vector<128x64xf32>
    %convert_element_type3A_39 = arith.truncf %get3A_38 : vector<128x64xf32> to vector<128x64xbf16>
    %dot_general3A_40 = arith.constant dense<0.000000e+00> : vector<4096x64xf32>
    %dot_general3A_41 = tpu.matmul %convert_element_type3A_35, %convert_element_type3A_39, %dot_general3A_40 {dimension_numbers = #tpu.dot_dimension_numbers<[1], [0], [0], [1], [0, 0, 1, 1], [], []>, transpose_lhs_hint = false} : vector<4096x128xbf16>, vector<128x64xbf16>, vector<4096x64xf32> -> vector<4096x64xf32>
    %get3A_42 = arith.constant 0 : index
    %get3A_43 = vector.load %arg10[%get3A_42] : memref<64xf32, #tpu.memory_space<vmem>>, vector<64xf32>
    %broadcast_in_dim3A_44 = vector.shape_cast %get3A_43 : vector<64xf32> to vector<1x64xf32>
    %add3A_45 = vector.broadcast %broadcast_in_dim3A_44 : vector<1x64xf32> to vector<4096x64xf32>
    %add3A_46 = arith.addf %dot_general3A_41, %add3A_45 : vector<4096x64xf32>
    %max3A_47 = arith.constant 0.000000e+00 : f32
    %max3A_48 = vector.broadcast %max3A_47 : f32 to vector<4096x64xf32>
    %max3A_49 = arith.maximumf %add3A_46, %max3A_48 : vector<4096x64xf32>
    %get3A_50 = arith.constant 0 : index
    %get3A_51 = arith.constant 0 : index
    %get3A_52 = vector.load %arg1[%get3A_50, %get3A_51] : memref<4096x128xf32, #tpu.memory_space<vmem>>, vector<4096x128xf32>
    %get3A_53 = arith.constant 0 : index
    %get3A_54 = arith.constant 0 : index
    %get3A_55 = vector.load %arg2[%get3A_53, %get3A_54] : memref<4096x128xf32, #tpu.memory_space<vmem>>, vector<4096x128xf32>
    %mul3A = arith.mulf %get3A_52, %get3A_55 : vector<4096x128xf32>
    %get3A_56 = arith.constant 0 : index
    %get3A_57 = arith.constant 0 : index
    %get3A_58 = vector.load %arg11[%get3A_56, %get3A_57] : memref<192x1xf32, #tpu.memory_space<vmem>>, vector<192x1xf32>
    %slice3A_59 = vector.extract_strided_slice %get3A_58 {offsets = [0, 0], sizes = [128, 1], strides = [1, 1]} : vector<192x1xf32> to vector<128x1xf32>
    %dot_general3A_60 = arith.constant dense<0.000000e+00> : vector<4096x1xf32>
    %dot_general3A_61 = tpu.matmul %mul3A, %slice3A_59, %dot_general3A_60 {dimension_numbers = #tpu.dot_dimension_numbers<[1], [0], [0], [1], [0, 0, 1, 1], [], []>, transpose_lhs_hint = false} : vector<4096x128xf32>, vector<128x1xf32>, vector<4096x1xf32> -> vector<4096x1xf32>
    %slice3A_62 = vector.extract_strided_slice %get3A_58 {offsets = [128, 0], sizes = [64, 1], strides = [1, 1]} : vector<192x1xf32> to vector<64x1xf32>
    %dot_general3A_63 = arith.constant dense<0.000000e+00> : vector<4096x1xf32>
    %dot_general3A_64 = tpu.matmul %max3A_49, %slice3A_62, %dot_general3A_63 {dimension_numbers = #tpu.dot_dimension_numbers<[1], [0], [0], [1], [0, 0, 1, 1], [], []>, transpose_lhs_hint = false} : vector<4096x64xf32>, vector<64x1xf32>, vector<4096x1xf32> -> vector<4096x1xf32>
    %add3A_65 = arith.addf %dot_general3A_61, %dot_general3A_64 : vector<4096x1xf32>
    %logistic3A = arith.negf %add3A_65 : vector<4096x1xf32>
    %logistic3A_66 = math.exp %logistic3A : vector<4096x1xf32>
    %logistic3A_67 = arith.constant 1.000000e+00 : f32
    %logistic3A_68 = vector.broadcast %logistic3A_67 : f32 to vector<4096x1xf32>
    %logistic3A_69 = arith.addf %logistic3A_68, %logistic3A_66 : vector<4096x1xf32>
    %logistic3A_70 = arith.divf %logistic3A_68, %logistic3A_69 : vector<4096x1xf32>
    %swap3A = arith.constant 0 : index
    %swap3A_71 = arith.constant 0 : index
    %swap3A_72 = vector.load %arg12[%swap3A, %swap3A_71] : memref<4096x1xf32, #tpu.memory_space<vmem>>, vector<4096x1xf32>
    tpu.vector_store %arg12[%swap3A, %swap3A_71], %logistic3A_70 {strides = array<i32>} : memref<4096x1xf32, #tpu.memory_space<vmem>>, vector<4096x1xf32>,
    return
  }
  func.func @transform_0(%arg0: i32) -> (i32, i32) {
    %c0_i32 = arith.constant 0 : i32
    %c0_i32_0 = arith.constant 0 : i32
    return %arg0, %c0_i32 : i32, i32
  }
  func.func @transform_1(%arg0: i32) -> (i32, i32) {
    %c0_i32 = arith.constant 0 : i32
    %c0_i32_0 = arith.constant 0 : i32
    return %arg0, %c0_i32 : i32, i32
  }
  func.func @transform_2(%arg0: i32) -> (i32, i32) {
    %c0_i32 = arith.constant 0 : i32
    %c0_i32_0 = arith.constant 0 : i32
    return %arg0, %c0_i32 : i32, i32
  }
  func.func @transform_3(%arg0: i32) -> (i32, i32) {
    %c0_i32 = arith.constant 0 : i32
    %c0_i32_0 = arith.constant 0 : i32
    return %arg0, %c0_i32 : i32, i32
  }
  func.func @transform_4(%arg0: i32) -> (i32, i32) {
    %c0_i32 = arith.constant 0 : i32
    %c0_i32_0 = arith.constant 0 : i32
    %c0_i32_1 = arith.constant 0 : i32
    return %c0_i32, %c0_i32_0 : i32, i32
  }
  func.func @transform_5(%arg0: i32) -> i32 {
    %c0_i32 = arith.constant 0 : i32
    %c0_i32_0 = arith.constant 0 : i32
    return %c0_i32 : i32
  }
  func.func @transform_6(%arg0: i32) -> (i32, i32) {
    %c0_i32 = arith.constant 0 : i32
    %c0_i32_0 = arith.constant 0 : i32
    %c0_i32_1 = arith.constant 0 : i32
    return %c0_i32, %c0_i32_0 : i32, i32
  }
  func.func @transform_7(%arg0: i32) -> i32 {
    %c0_i32 = arith.constant 0 : i32
    %c0_i32_0 = arith.constant 0 : i32
    return %c0_i32 : i32
  }
  func.func @transform_8(%arg0: i32) -> (i32, i32) {
    %c0_i32 = arith.constant 0 : i32
    %c0_i32_0 = arith.constant 0 : i32
    %c0_i32_1 = arith.constant 0 : i32
    return %c0_i32, %c0_i32_0 : i32, i32
  }
  func.func @transform_9(%arg0: i32) -> i32 {
    %c0_i32 = arith.constant 0 : i32
    %c0_i32_0 = arith.constant 0 : i32
    return %c0_i32 : i32
  }
  func.func @transform_10(%arg0: i32) -> (i32, i32) {
    %c0_i32 = arith.constant 0 : i32
    %c0_i32_0 = arith.constant 0 : i32
    %c0_i32_1 = arith.constant 0 : i32
    return %c0_i32, %c0_i32_0 : i32, i32
  }
  func.func @transform_11(%arg0: i32) -> (i32, i32) {
    %c0_i32 = arith.constant 0 : i32
    %c0_i32_0 = arith.constant 0 : i32
    return %arg0, %c0_i32 : i32, i32
  }
}

</mosaic_0001>

<sc_bundles>
// kernel: kernel.6.cloned.1.call-start
scs
__scs_entry_jumppad:
0x0: {  	(pc) =	sbr.rel $0x88, $3  }
0x1: {  	(tag) =	ssettag $0x0;
	lr =	simm.s32 $0x1  }
0x2: {  	[smem:$0x3F94] =	sst lr;
	_ =	strace $0xD0000000  }
0x3: {  	_ = 	snop  }
0x4: {  	_ = 	snop  }
0x5: {  	_ = 	snop  }
0x6: {  	_ = 	snop  }
0x7: {  	_ = 	snop  }
__scs_overlays_trampoline_lowered:
0x8: {  	[smem:$0x3FA3] =	sst s0  }
0x9: {  	[smem:$0x3FA4] =	sst s1  }
0xa: {  	[smem:$0x3FA5] =	sst s2  }
0xb: {  	[smem:$0x3FA6] =	sst s3  }
0xc: {  	[smem:$0x3FA7] =	sst s4  }
0xd: {  	[smem:$0x3FA8] =	sst s5  }
0xe: {  	[smem:$0x3FA9] =	sst s6  }
0xf: {  	[smem:$0x3FAA] =	sst s7  }
0x10: {  	[smem:$0x3FAB] =	sst s8  }
0x11: {  	[smem:$0x3FAC] =	sst s9;
	s0 =	simm.s32 @!p0 $0x0  }
0x12: {  	s1 =	sld [smem:$0x3F92];
	s0 =	simm.s32 @p0 $0x1  }
0x13: {  	[smem:$0x3FAD] =	sst s0;
	s0 =	simm.s32 @!p1 $0x0  }
0x14: {  	s2 =	sld [smem:$0x3F91];
	s0 =	simm.s32 @p1 $0x1  }
0x15: {  	[smem:$0x3FAE] =	sst s0;
	s0 =	simm.s32 @!p2 $0x0  }
0x16: {  	s3 =	sld [smem:$0x3FDB];
	s0 =	simm.s32 @p2 $0x1  }
0x17: {  	s4 =	simm.s32 $0x1BF5;
	[smem:$0x3FB0] =	sst s0  }
0x18: {  	s0 =	sld [smem:$0x3F93];
	_ =	swait.ge [sflag:s4], $0x0  }
0x19: {  	s7 =	sld [smem:$0x3F94]  }
0x1a: {  	s8 =	sadd.s32 $0xFFFFE003, lr  }
0x1b: {  	s9 =	sadd.s32 $0xFFFFFEF7, lr;
	s5 =	simm.s32 $0xFFFFFFFF;
	p2 =	slt.u32 s8, $0xFFFFF086  }
0x1c: {  	p1 =	slt.u32 s9, $0xF7A;
	s5 =	simm.s32 @!p2 $0x0  }
0x1d: {  	s5 =	simm.s32 @p1 $0x1;
	p0 =	seq.s32 s7, s2  }
0x1e: {  	s7 =	smul.u32 @!p0 $0xF7A, s2;
	p2 =	seq.s32 @!p0 s5, $0x0  }
0x1f: {  	s9 =	smul.u32 $0xF7A, s1;
	s8 =	simm.s32 @!p0 $0x1BF5;
	p2 =	por !p2, p0  }
0x20: {  	[sflag:s8] =	ssyncset.s32 @!p0 $0xFFFFF086;
	s6 =	sadd.s32 @!p0 s3, s7;
	s7 =	simm.s32 @!p0 $0x108  }
0x21: {  	s3 =	sadd.s32 s3, s9;
	s6 =	sadd.s32 @!p0 $0x88, s6;
	s7 =	simm.s32 @p2 $0x1082  }
0x22: {  	[simem:s7], [sflag:s8] =	dma.local @!p0 [hbm:s6], $0xF7A  }
0x23: {  	s9 =	sor.u32 $0xD0000000, s2;
	s6 =	simm.s32 $0x108;
	_ =	swait.ge @!p0 [sflag:s8], $0x0  }
0x24: {  	s3 =	sadd.s32 $0x88, s3;
	s6 =	simm.s32 @!p1 $0x1082;
	[sflag:s4] =	ssyncset.s32 $0xFFFFF086  }
0x25: {  	[simem:s6], [sflag:s4] =	dma.local [hbm:s3], $0xF7A  }
0x26: {  	[smem:$0x3F94] =	sst s1;
	(tag) =	ssettag s2;
	_ =	strace s9  }
0x27: {  	s1 =	sld [smem:$0x3FA4]  }
0x28: {  	s2 =	sld [smem:$0x3FA5]  }
0x29: {  	s4 =	sld [smem:$0x3FA7]  }
0x2a: {  	p0 =	seq.s32 s5, $0x0;
	s5 =	sld [smem:$0x3FA8]  }
0x2b: {  	s6 =	sld [smem:$0x3FA9]  }
0x2c: {  	s7 =	sld [smem:$0x3FAA]  }
0x2d: {  	s3 =	simm.s32 $0x108;
	s8 =	sld [smem:$0x3FAB]  }
0x2e: {  	s3 =	simm.s32 @!p0 $0x1082;
	s9 =	sld [smem:$0x3FAC]  }
0x2f: {  	lr =	sadd.s32 s0, s3;
	s0 =	sld [smem:$0x3FA3]  }
0x30: {  	s3 =	sld [smem:$0x3FA6]  }
0x31: {  	[smem:$0x3FAF] =	sst s10  }
0x32: {  	s10 =	sld [smem:$0x3FAD];
	_ =	sdelay $0x3  }
0x33: {  	p0 =	seq.s32 s10, $0x1;
	s10 =	sld [smem:$0x3FAF];
	_ =	sdelay $0x3  }
0x34: {  	[smem:$0x3FAF] =	sst s10  }
0x35: {  	s10 =	sld [smem:$0x3FAE];
	_ =	sdelay $0x3  }
0x36: {  	p1 =	seq.s32 s10, $0x1;
	s10 =	sld [smem:$0x3FAF];
	_ =	sdelay $0x3  }
0x37: {  	[smem:$0x3FAF] =	sst s10  }
0x38: {  	s10 =	sld [smem:$0x3FB0]  }
0x39: {  	_ = 	snop;
	(pc) =	sbr.ind lr, $3  }
0x3a: {  	_ = 	snop  }
0x3b: {  	_ = 	snop  }
0x3c: {  	p2 =	seq.s32 s10, $0x1;
	s10 =	sld [smem:$0x3FAF]  }
0x3d: {  	_ =	shalt  }
0x3e: {  	_ =	shalt  }
0x3f: {  	_ =	shalt  }
0x40: {  	_ =	shalt  }
0x41: {  	_ =	shalt  }
0x42: {  	_ =	shalt  }
0x43: {  	_ =	shalt  }
0x44: {  	_ =	shalt  }
0x45: {  	_ =	shalt  }
0x46: {  	_ =	shalt  }
0x47: {  	_ =	shalt  }
0x48: {  	_ =	shalt  }
0x49: {  	_ =	shalt  }
0x4a: {  	_ =	shalt  }
0x4b: {  	_ =	shalt  }
0x4c: {  	_ =	shalt  }
0x4d: {  	_ =	shalt  }
0x4e: {  	_ =	shalt  }
0x4f: {  	_ =	shalt  }
0x50: {  	_ =	shalt  }
0x51: {  	_ =	shalt  }
0x52: {  	_ =	shalt  }
0x53: {  	_ =	shalt  }
0x54: {  	_ =	shalt  }
0x55: {  	_ =	shalt  }
0x56: {  	_ =	shalt  }
0x57: {  	_ =	shalt  }
0x58: {  	_ =	shalt  }
0x59: {  	_ =	shalt  }
0x5a: {  	_ =	shalt  }
0x5b: {  	_ =	shalt  }
0x5c: {  	_ =	shalt  }
0x5d: {  	_ =	shalt  }
0x5e: {  	_ =	shalt  }
0x5f: {  	_ =	shalt  }
0x60: {  	_ =	shalt  }
0x61: {  	_ =	shalt  }
0x62: {  	_ =	shalt  }
0x63: {  	_ =	shalt  }
0x64: {  	_ =	shalt  }
0x65: {  	_ =	shalt  }
0x66: {  	_ =	shalt  }
0x67: {  	_ =	shalt  }
0x68: {  	_ =	shalt  }
0x69: {  	_ =	shalt  }
0x6a: {  	_ =	shalt  }
0x6b: {  	_ =	shalt  }
0x6c: {  	_ =	shalt  }
0x6d: {  	_ =	shalt  }
0x6e: {  	_ =	shalt  }
0x6f: {  	_ =	shalt  }
0x70: {  	_ =	shalt  }
0x71: {  	_ =	shalt  }
0x72: {  	_ =	shalt  }
0x73: {  	_ =	shalt  }
0x74: {  	_ =	shalt  }
0x75: {  	_ =	shalt  }
0x76: {  	_ =	shalt  }
0x77: {  	_ =	shalt  }
0x78: {  	_ =	shalt  }
0x79: {  	_ =	shalt  }
0x7a: {  	_ =	shalt  }
0x7b: {  	_ =	shalt  }
0x7c: {  	_ =	shalt  }
0x7d: {  	_ =	shalt  }
0x7e: {  	_ =	shalt  }
0x7f: {  	_ =	shalt  }
0x80: {  	_ =	shalt  }
0x81: {  	_ =	shalt  }
0x82: {  	_ =	shalt  }
0x83: {  	_ =	shalt  }
0x84: {  	_ =	shalt  }
0x85: {  	_ =	shalt  }
0x86: {  	_ =	shalt  }
0x87: {  	_ =	shalt  }
.Lfunc_end0:
.L_simem_size_0:
called_computation_lowered:
.L_overlay_start_0:
0x88: {  	s2 =	sld [smem:$0x3FD9]  }
0x89: {  	s3 =	sld [smem:$0x3FFE];
	_ =	sdelay $0x1  }
0x8a: {  	s1 =	srdreg.scid  }
0x8b: {  	s0 =	sand.u32 $0x1, s1  }
0x8c: {  	s17 =	sshll.u32 s0, $0xA;
	s2 =	sadd.s32 s3, s2  }
0x8d: {  	s2 =	sadd.s32 s2, s17  }
0x8e: {  	[smem:$0x3FBB] =	sst s2  }
0x8f: {  	_ = 	snop  }
0x90: {  	s2 =	sld [smem:$0x3FC9]  }
0x91: {  	s18 =	sld [smem:$0x3FC8]  }
0x92: {  	s4 =	sld [smem:$0x3FC7]  }
0x93: {  	s5 =	sld [smem:$0x3FC6]  }
0x94: {  	s6 =	sld [smem:$0x3FC5]  }
0x95: {  	s7 =	sld [smem:$0x3FC4];
	(tm) =	ssettm $0x1  }
0x96: {  	s8 =	sld [smem:$0x3FFB];
	_ =	sdelay $0x3  }
0x97: {  	_ =	strace s8  }
0x98: {  	s8 =	sld [smem:$0x3FFC];
	_ =	sdelay $0x3  }
0x99: {  	_ =	strace s8  }
0x9a: {  	s8 =	sld [smem:$0x3FFD];
	_ =	sdelay $0x3  }
0x9b: {  	_ =	strace s8  }
0x9c: {  	_ =	strace $0x8FFFFFFF  }
0x9d: {  	s19 =	sld [smem:$0x3FDB];
	_ =	sdelay $0x1  }
0x9e: {  	s9 =	simm.s32 $_scs_section_size  }
0x9f: {  	s10 =	simm.s32 $_size__tile_overlayer_lowered;
	s11 =	simm.s32 $_tile_overlayer_lowered  }
0xa0: {  	s22 =	simm.s32 $0x1BFF;
	s21 =	sshll.u32 s11, $0x1;
	s8 =	sadd.s32 s9, s19  }
0xa1: {  	s12 =	simm.s32 $0x0;
	s20 =	sshll.u32 s10, $0x1;
	s10 =	sadd.s32 s21, s8  }
0xa2: {  	[timem:s12], [sflag:s22] =	dma.local [hbm:s10], s20  }
0xa3: {  	_ =	swait.ge [sflag:s22], s20  }
0xa4: {  	s9 =	ssub.s32 $0x0, s20;
	[sflag:s22] =	ssyncset.done $0x0  }
0xa5: {  	[sflag:s22] =	ssyncadd.s32 s9;
	_ =	sdelay $0x1  }
0xa6: {  	s23 =	simm.s32 $0x1B8B  }
0xa7: {  	_ =	swait.ge [sflag:s23], $0x1  }
0xa8: {  	[sflag:s23] =	ssyncset.done $0x0  }
0xa9: {  	s25 =	simm.s32 $0x1B8E;
	s24 =	sld [smem:$0x3FFE];
	[sflag:s23] =	ssyncadd.s32 $0xFFFFFFFF  }
0xaa: {  	s26 =	simm.s32 $execute0_lowered;
	[smem:$0x3FD2] =	sst s25  }
0xab: {  	s10 =	sshll.u32 s26, $0x1;
	_ =	strace $0x80000046;
	[dreg:$0x1] =	wrdreg $0xFFFFFFFF  }
0xac: {  	s28 =	simm.s32 $_size_execute0_lowered;
	s8 =	sadd.s32 s8, s10;
	[dreg:$0x0] =	wrdreg $0x0  }
0xad: {  	s10 =	sshll.u32 s28, $0x1;
	[dreg:$0x2] =	wrdreg s8  }
0xae: {  	[dreg:$0x3] =	wrdreg s10  }
0xaf: {  	[dreg:$0x4] =	wrdreg $0xC0  }
0xb0: {  	_ =	task [dreg:s12], $0x5FFFF  }
0xb1: {  	[dreg:$0x1] =	wrdreg $0xFFFFFFFF  }
0xb2: {  	[dreg:$0x0] =	wrdreg $0x60  }
0xb3: {  	[dreg:$0x2] =	wrdreg s2  }
0xb4: {  	[dreg:$0x3] =	wrdreg s18  }
0xb5: {  	[dreg:$0x4] =	wrdreg s4  }
0xb6: {  	[dreg:$0x5] =	wrdreg s5  }
0xb7: {  	[dreg:$0x6] =	wrdreg s6  }
0xb8: {  	[dreg:$0x7] =	wrdreg s7  }
0xb9: {  	[dreg:$0x8] =	wrdreg s24  }
0xba: {  	[dreg:$0x9] =	wrdreg $0x9  }
0xbb: {  	_ =	task.clear_ibuf [dreg:s12], $0xAFFFF;
	_ =	strace $0x90000046  }
0xbc: {  	s29 =	simm.s32 $0x9;
	_ =	strace $0x80000048  }
0xbd: {  	_ =	swait.ge [sflag:s29], $0x1  }
0xbe: {  	[sflag:s29] =	ssyncadd.s32 $0xFFFFFFFF  }
0xbf: {  	_ =	strace $0x90000048  }
0xc0: {  	_ =	sfence  }
0xc1: {  	s30 =	sld [smem:$0x0];
	_ =	sdelay $0x2  }
0xc2: {  	s31 =	sshll.u32 s1, $0xD;
	s1 =	sshrl.u32 s1, $0x2  }
0xc3: {  	s3 =	sand.u32 $0x4000, s31;
	s1 =	sadd.s32 s1, s30  }
0xc4: {  	s0 =	sor.u32 s3, s0;
	s1 =	sshll.u32 s1, $0x11  }
0xc5: {  	s0 =	sor.u32 s1, s0  }
0xc6: {  	s0 =	sadd.s32 $0x8F2B, s0  }
0xc7: {  	[sflag:s0] =	ssyncadd.remote.s32 $0x1  }
0xc8: {  	_ =	sfence.sel $0xFFFF  }
0xc9: {  	[dreg:$0x0] =	wrdreg $0xFFFFFFFF;
	(pc) =	sbr.abs _section_cstart, $3  }
0xca: {  	[dreg:$0x1] =	wrdreg $0xFFFFFFFF  }
0xcb: {  	_ =	task.clear_ibuf [dreg:s12], $0x2FFFF;
	_ =	strace $0x9FFFFFFF  }
0xcc: {  	(tm) =	ssettm $0x7FFFFFFF  }
0xcd: {  	_ =	shalt  }
tec
execute0_lowered:
.L_overlay_start_1:
0x0: {  	(tag) =	ssettag $0x1  }
0x1: {  	s7 =	rddreg [dreg:$0x0]  }
0x2: {  	s1 =	rddreg [dreg:$0x1]  }
0x3: {  	s3 =	rddreg [dreg:$0x2]  }
0x4: {  	s0 =	srdreg.scid;
	s2 =	stileid.u32  }
0x5: {  	s4 =	rddreg [dreg:$0x3];
	s9 =	sand.u32 $0x1, s0;
	s23 =	sshll.u32 s2, $0x1  }
0x6: {  	s5 =	rddreg [dreg:$0x4];
	s0 =	sor.u32 s9, s23  }
0x7: {  	s6 =	rddreg [dreg:$0x5];
	s13 =	smul.u32 $0x180, s0  }
0x8: {  	s12 =	rddreg [dreg:$0x6];
	s2 =	simm.s32 $0x0;
	s0 =	smul.u32 $0x1800, s0  }
0x9: {  	s8 =	sadd.s32 $0x2A00, s12;
	[smem:$0x7FF] =	sst s2  }
0xa: {  	_ =	strace $0x80000047;
	s10 =	sshrl.u32 s13, $0x3;
	s26 =	sadd.s32 s8, s0  }
0xb: {  	s14 =	sor.u32 $0x40, s13;
	s11 =	sadd.s32 s7, s10;
	[dreg:$0xc] =	wrdreg s26  }
0xc: {  	s10 =	sadd.s32 s1, s10;
	s24 =	sshrl.u32 s14, $0x3;
	[dreg:$0x8] =	wrdreg s11  }
0xd: {  	[dreg:$0x9] =	wrdreg s10;
	s15 =	sadd.s32 s7, s24  }
0xe: {  	s14 =	sshll.u32 s14, $0x4;
	s25 =	sadd.s32 s1, s24;
	[dreg:$0xa] =	wrdreg s15  }
0xf: {  	s10 =	sadd.s32 $0x32A00, s12;
	s21 =	sadd.s32 s8, s14;
	[dreg:$0xb] =	wrdreg s25  }
0x10: {  	s11 =	sadd.s32 $0x62A00, s12;
	s16 =	sadd.s32 s10, s0;
	[dreg:$0x12] =	wrdreg s21  }
0x11: {  	s12 =	sadd.s32 $0x92A00, s12;
	s17 =	sadd.s32 s11, s0;
	[dreg:$0xd] =	wrdreg s16  }
0x12: {  	s0 =	sadd.s32 s12, s0;
	[dreg:$0xe] =	wrdreg s17  }
0x13: {  	s22 =	sadd.s32 s10, s14;
	[dreg:$0xf] =	wrdreg s0  }
0x14: {  	s28 =	simm.s32 $0x5;
	s23 =	sadd.s32 s11, s14;
	[dreg:$0x13] =	wrdreg s22  }
0x15: {  	s15 =	sadd.s32 $0xC0, s13;
	s24 =	sadd.s32 s12, s14;
	[dreg:$0x14] =	wrdreg s23  }
0x16: {  	s31 =	simm.s32 $0x80;
	s25 =	sshrl.u32 s15, $0x3;
	[dreg:$0x15] =	wrdreg s24  }
0x17: {  	s16 =	sadd.s32 $0x80, s13;
	s0 =	rddreg [dreg:$0x8];
	s26 =	sadd.s32 s7, s25  }
0x18: {  	s18 =	sshrl.u32 s16, $0x3;
	s14 =	sadd.s32 s1, s25;
	[dreg:$0x16] =	wrdreg s26  }
0x19: {  	s29 =	simm.s32 $0x8100;
	s19 =	sadd.s32 s7, s18;
	[dreg:$0x17] =	wrdreg s14  }
0x1a: {  	s17 =	sshll.u32 s16, $0x4;
	s20 =	sadd.s32 s1, s18;
	[dreg:$0x10] =	wrdreg s19  }
0x1b: {  	s30 =	simm.s32 $0x8180;
	s18 =	sadd.s32 s8, s17;
	[dreg:$0x11] =	wrdreg s20  }
0x1c: {  	s25 =	sshll.u32 s15, $0x4;
	s21 =	sadd.s32 s12, s17;
	[dreg:$0x18] =	wrdreg s18  }
0x1d: {  	p0 =	por $0x0, $0x0;
	s26 =	sadd.s32 s8, s25;
	[dreg:$0x1b] =	wrdreg s21  }
0x1e: {  	s9 =	ssub.s32 $0x2, s9;
	s15 =	sadd.s32 s10, s25;
	[dreg:$0x1e] =	wrdreg s26  }
0x1f: {  	s16 =	sadd.s32 $0x100, s13;
	s19 =	sadd.s32 s10, s17;
	[dreg:$0x1f] =	wrdreg s15  }
0x20: {  	s22 =	sshrl.u32 s16, $0x3;
	s20 =	sadd.s32 s11, s17;
	[dreg:$0x19] =	wrdreg s19  }
0x21: {  	s23 =	sadd.s32 s7, s22;
	s24 =	sadd.s32 s1, s22;
	[dreg:$0x1a] =	wrdreg s20  }
0x22: {  	s17 =	sadd.s32 s11, s25;
	s18 =	sadd.s32 $0x140, s13;
	[dreg:$0x1c] =	wrdreg s23  }
0x23: {  	s22 =	sshll.u32 s16, $0x4;
	s16 =	simm.s32 $0x8200;
	[dreg:$0x1d] =	wrdreg s24  }
0x24: {  	[smem:$0x7F9] =	sst s17;
	s19 =	sadd.s32 s12, s25;
	s13 =	sshrl.u32 s18, $0x3  }
0x25: {  	s23 =	sshrl.u32 s9, $0x1;
	s24 =	sadd.s32 s8, s22;
	s14 =	sadd.s32 s11, s22  }
0x26: {  	s25 =	sshll.u32 s18, $0x4;
	s15 =	sadd.s32 s12, s22;
	s17 =	simm.s32 $0xA200  }
0x27: {  	s18 =	simm.s32 $0xC200;
	[smem:$0x7FA] =	sst s19;
	s20 =	sadd.s32 s7, s13  }
0x28: {  	s21 =	sadd.s32 s1, s13;
	s7 =	ssub.s32 s9, s23;
	[smem:$0x7FD] =	sst s24  }
0x29: {  	s13 =	sadd.s32 s10, s22;
	s8 =	sadd.s32 s8, s25;
	s26 =	smax.u32 s7, $0x1  }
0x2a: {  	s9 =	sadd.s32 s10, s25;
	s10 =	sadd.s32 s11, s25;
	p1 =	sne.s32 s26, $0x1  }
.Ltmp0:
0x2b: {  	s11 =	sadd.s32 s12, s25;
	s25 =	simm.s32 $0x40;
	(pc) =	sbr.rel @!p1 .LBB2_3-.Ltmp0, $4  }
0x2c: {  	s22 =	simm.s32 $0x4100;
	s23 =	simm.s32 $0x6100;
	s19 =	simm.s32 $0xE200  }
0x2d: {  	s12 =	simm.s32 $0x3;
	s24 =	simm.s32 $0x2;
	[smem:$0x7FB] =	sst s20  }
0x2e: {  	[smem:$0x7FC] =	sst s21;
	s20 =	simm.s32 $0x100;
	s21 =	simm.s32 $0x2100  }
0x2f: {  	s7 =	simm.s32 $0x4;
	s1 =	sadd.s32 $0xFFFFFFFF, s26;
	s26 =	simm.s32 $0x1  }
0x30: {  	[tilespmem:s2], [sflag:$0x5] =	stream.linear.gather [hbm4b:s0+s2], $0x40, $0x38;
	[tilespmem:$0x10200] =	vst v63  }
0x31: {  	_ =	swait.ge [sflag:s28], $0x40  }
0x32: {  	[sflag:s28] =	ssyncset.done $0x0  }
0x33: {  	s0 =	rddreg [dreg:$0x9];
	[sflag:s28] =	ssyncadd.s32 $0xFFFFFFC0  }
0x34: {  	[tilespmem:s31], [sflag:$0x5] =	stream.linear.gather [hbm4b:s0+s2], $0x40, $0x38;
	[tilespmem:$0x10200] =	vst v63  }
0x35: {  	_ =	swait.ge [sflag:s28], $0x40  }
0x36: {  	[sflag:s28] =	ssyncset.done $0x0  }
0x37: {  	[sflag:s28] =	ssyncadd.s32 $0xFFFFFFC0  }
0x38: {  	[tilespmem:s20], [sflag:$0x1] =	stream.indirect.gather [hbm4b:s3+s25], $0x80, s2, s25, $0xb8;
	[tilespmem:$0x10200] =	vst v63  }
0x39: {  	_ = 	snop  }
0x3a: {  	[tilespmem:s21], [sflag:$0x1] =	stream.indirect.gather [hbm4b:s4+s25], $0x80, s31, s25, $0xb8;
	[tilespmem:$0x10200] =	vst v63  }
0x3b: {  	_ = 	snop  }
0x3c: {  	[tilespmem:s22], [sflag:$0x1] =	stream.indirect.gather [hbm4b:s5+s25], $0x80, s2, s25, $0xb8;
	[tilespmem:$0x10200] =	vst v63  }
0x3d: {  	_ = 	snop  }
0x3e: {  	[tilespmem:s23], [sflag:$0x1] =	stream.indirect.gather [hbm4b:s6+s25], $0x80, s31, s25, $0xb8;
	[tilespmem:$0x10200] =	vst v63  }
0x3f: {  	s0 =	rddreg [dreg:$0xa]  }
0x40: {  	[tilespmem:s29], [sflag:$0x5] =	stream.linear.gather [hbm4b:s0+s2], $0x40, $0x38;
	[tilespmem:$0x10200] =	vst v63  }
0x41: {  	_ =	swait.ge [sflag:s28], $0x40  }
0x42: {  	[sflag:s28] =	ssyncset.done $0x0  }
0x43: {  	s0 =	rddreg [dreg:$0xb];
	[sflag:s28] =	ssyncadd.s32 $0xFFFFFFC0  }
0x44: {  	[tilespmem:s30], [sflag:$0x5] =	stream.linear.gather [hbm4b:s0+s2], $0x40, $0x38;
	[tilespmem:$0x10200] =	vst v63  }
0x45: {  	_ =	swait.ge [sflag:s28], $0x40  }
0x46: {  	[sflag:s28] =	ssyncset.done $0x0  }
0x47: {  	[sflag:s28] =	ssyncadd.s32 $0xFFFFFFC0  }
0x48: {  	[tilespmem:s16], [sflag:$0x2] =	stream.indirect.gather [hbm4b:s3+s25], $0x80, s29, s25, $0xb8;
	[tilespmem:$0x10200] =	vst v63  }
0x49: {  	_ = 	snop  }
0x4a: {  	[tilespmem:s17], [sflag:$0x2] =	stream.indirect.gather [hbm4b:s4+s25], $0x80, s30, s25, $0xb8;
	[tilespmem:$0x10200] =	vst v63  }
0x4b: {  	_ = 	snop  }
0x4c: {  	[tilespmem:s18], [sflag:$0x2] =	stream.indirect.gather [hbm4b:s5+s25], $0x80, s29, s25, $0xb8;
	[tilespmem:$0x10200] =	vst v63  }
0x4d: {  	_ = 	snop  }
0x4e: {  	[tilespmem:s19], [sflag:$0x2] =	stream.indirect.gather [hbm4b:s6+s25], $0x80, s30, s25, $0xb8;
	[tilespmem:$0x10200] =	vst v63  }
0x4f: {  	_ =	swait.ge [sflag:s26], $0x2000  }
0x50: {  	[sflag:s26] =	ssyncset.done $0x0  }
0x51: {  	[sflag:s26] =	ssyncadd.s32 $0xFFFFE000  }
0x52: {  	_ =	swait.ge [sflag:s26], $0x2000  }
0x53: {  	[sflag:s26] =	ssyncset.done $0x0  }
0x54: {  	[sflag:s26] =	ssyncadd.s32 $0xFFFFE000  }
0x55: {  	_ =	swait.ge [sflag:s26], $0x2000  }
0x56: {  	[sflag:s26] =	ssyncset.done $0x0  }
0x57: {  	[sflag:s26] =	ssyncadd.s32 $0xFFFFE000  }
0x58: {  	_ =	swait.ge [sflag:s26], $0x2000  }
0x59: {  	s0 =	rddreg [dreg:$0xc];
	[sflag:s26] =	ssyncset.done $0x0  }
0x5a: {  	[smem:$0x7F8] =	sst s1;
	[sflag:s26] =	ssyncadd.s32 $0xFFFFE000  }
0x5b: {  	[hbm4b:s0+s2] =	stream.linear.scatter [tilespmem:s20], [sflag:$0x3], $0x2000, $0x38;
	[tilespmem:$0x10200] =	vst v63  }
0x5c: {  	s1 =	rddreg [dreg:$0xd]  }
0x5d: {  	[hbm4b:s1+s2] =	stream.linear.scatter [tilespmem:s21], [sflag:$0x3], $0x2000, $0x38;
	[tilespmem:$0x10200] =	vst v63  }
0x5e: {  	s0 =	rddreg [dreg:$0xe]  }
0x5f: {  	[hbm4b:s0+s2] =	stream.linear.scatter [tilespmem:s22], [sflag:$0x3], $0x2000, $0x38;
	[tilespmem:$0x10200] =	vst v63  }
0x60: {  	s1 =	rddreg [dreg:$0xf]  }
0x61: {  	[hbm4b:s1+s2] =	stream.linear.scatter [tilespmem:s23], [sflag:$0x3], $0x2000, $0x38;
	[tilespmem:$0x10200] =	vst v63  }
0x62: {  	_ =	swait.ge [sflag:s12], $0x2000  }
0x63: {  	[sflag:s12] =	ssyncset.done $0x0  }
0x64: {  	[sflag:s12] =	ssyncadd.s32 $0xFFFFE000  }
0x65: {  	_ =	swait.ge [sflag:s12], $0x2000  }
0x66: {  	[sflag:s12] =	ssyncset.done $0x0  }
0x67: {  	[sflag:s12] =	ssyncadd.s32 $0xFFFFE000  }
0x68: {  	_ =	swait.ge [sflag:s12], $0x2000  }
0x69: {  	[sflag:s12] =	ssyncset.done $0x0  }
0x6a: {  	[sflag:s12] =	ssyncadd.s32 $0xFFFFE000  }
0x6b: {  	_ =	swait.ge [sflag:s12], $0x2000  }
0x6c: {  	[sflag:s12] =	ssyncset.done $0x0  }
0x6d: {  	s1 =	rddreg [dreg:$0x10];
	[sflag:s12] =	ssyncadd.s32 $0xFFFFE000  }
0x6e: {  	[tilespmem:s2], [sflag:$0x5] =	stream.linear.gather [hbm4b:s1+s2], $0x40, $0x38;
	[tilespmem:$0x10200] =	vst v63  }
0x6f: {  	_ =	swait.ge [sflag:s28], $0x40  }
0x70: {  	[sflag:s28] =	ssyncset.done $0x0  }
0x71: {  	s1 =	rddreg [dreg:$0x11];
	[sflag:s28] =	ssyncadd.s32 $0xFFFFFFC0  }
0x72: {  	[tilespmem:s31], [sflag:$0x5] =	stream.linear.gather [hbm4b:s1+s2], $0x40, $0x38;
	[tilespmem:$0x10200] =	vst v63  }
0x73: {  	_ =	swait.ge [sflag:s28], $0x40  }
0x74: {  	[sflag:s28] =	ssyncset.done $0x0  }
0x75: {  	[sflag:s28] =	ssyncadd.s32 $0xFFFFFFC0  }
0x76: {  	[tilespmem:s20], [sflag:$0x1] =	stream.indirect.gather [hbm4b:s3+s25], $0x80, s2, s25, $0xb8;
	[tilespmem:$0x10200] =	vst v63  }
0x77: {  	_ = 	snop  }
0x78: {  	[tilespmem:s21], [sflag:$0x1] =	stream.indirect.gather [hbm4b:s4+s25], $0x80, s31, s25, $0xb8;
	[tilespmem:$0x10200] =	vst v63  }
0x79: {  	_ = 	snop  }
0x7a: {  	[tilespmem:s22], [sflag:$0x1] =	stream.indirect.gather [hbm4b:s5+s25], $0x80, s2, s25, $0xb8;
	[tilespmem:$0x10200] =	vst v63  }
0x7b: {  	_ = 	snop  }
0x7c: {  	[tilespmem:s23], [sflag:$0x1] =	stream.indirect.gather [hbm4b:s6+s25], $0x80, s31, s25, $0xb8;
	[tilespmem:$0x10200] =	vst v63  }
0x7d: {  	_ =	swait.ge [sflag:s24], $0x2000  }
0x7e: {  	[sflag:s24] =	ssyncset.done $0x0  }
0x7f: {  	[sflag:s24] =	ssyncadd.s32 $0xFFFFE000  }
0x80: {  	_ =	swait.ge [sflag:s24], $0x2000  }
0x81: {  	[sflag:s24] =	ssyncset.done $0x0  }
0x82: {  	[sflag:s24] =	ssyncadd.s32 $0xFFFFE000  }
0x83: {  	_ =	swait.ge [sflag:s24], $0x2000  }
0x84: {  	[sflag:s24] =	ssyncset.done $0x0  }
0x85: {  	[sflag:s24] =	ssyncadd.s32 $0xFFFFE000  }
0x86: {  	_ =	swait.ge [sflag:s24], $0x2000  }
0x87: {  	[sflag:s24] =	ssyncset.done $0x0  }
0x88: {  	s0 =	rddreg [dreg:$0x12];
	[sflag:s24] =	ssyncadd.s32 $0xFFFFE000  }
0x89: {  	[hbm4b:s0+s2] =	stream.linear.scatter [tilespmem:s16], [sflag:$0x4], $0x2000, $0x38;
	[tilespmem:$0x10200] =	vst v63  }
0x8a: {  	s1 =	rddreg [dreg:$0x13]  }
0x8b: {  	[hbm4b:s1+s2] =	stream.linear.scatter [tilespmem:s17], [sflag:$0x4], $0x2000, $0x38;
	[tilespmem:$0x10200] =	vst v63  }
0x8c: {  	s0 =	rddreg [dreg:$0x14]  }
0x8d: {  	[hbm4b:s0+s2] =	stream.linear.scatter [tilespmem:s18], [sflag:$0x4], $0x2000, $0x38;
	[tilespmem:$0x10200] =	vst v63  }
0x8e: {  	s1 =	rddreg [dreg:$0x15]  }
0x8f: {  	[hbm4b:s1+s2] =	stream.linear.scatter [tilespmem:s19], [sflag:$0x4], $0x2000, $0x38;
	[tilespmem:$0x10200] =	vst v63  }
0x90: {  	_ =	swait.ge [sflag:s7], $0x2000  }
0x91: {  	[sflag:s7] =	ssyncset.done $0x0  }
0x92: {  	[sflag:s7] =	ssyncadd.s32 $0xFFFFE000  }
0x93: {  	_ =	swait.ge [sflag:s7], $0x2000  }
0x94: {  	[sflag:s7] =	ssyncset.done $0x0  }
0x95: {  	[sflag:s7] =	ssyncadd.s32 $0xFFFFE000  }
0x96: {  	_ =	swait.ge [sflag:s7], $0x2000  }
0x97: {  	[sflag:s7] =	ssyncset.done $0x0  }
0x98: {  	[sflag:s7] =	ssyncadd.s32 $0xFFFFE000  }
0x99: {  	_ =	swait.ge [sflag:s7], $0x2000  }
0x9a: {  	[sflag:s7] =	ssyncset.done $0x0  }
0x9b: {  	s1 =	rddreg [dreg:$0x16];
	[sflag:s7] =	ssyncadd.s32 $0xFFFFE000  }
0x9c: {  	[tilespmem:s29], [sflag:$0x5] =	stream.linear.gather [hbm4b:s1+s2], $0x40, $0x38;
	[tilespmem:$0x10200] =	vst v63  }
0x9d: {  	_ =	swait.ge [sflag:s28], $0x40  }
0x9e: {  	[sflag:s28] =	ssyncset.done $0x0  }
0x9f: {  	s1 =	rddreg [dreg:$0x17];
	[sflag:s28] =	ssyncadd.s32 $0xFFFFFFC0  }
0xa0: {  	[tilespmem:s30], [sflag:$0x5] =	stream.linear.gather [hbm4b:s1+s2], $0x40, $0x38;
	[tilespmem:$0x10200] =	vst v63  }
0xa1: {  	_ =	swait.ge [sflag:s28], $0x40  }
0xa2: {  	[sflag:s28] =	ssyncset.done $0x0  }
0xa3: {  	[sflag:s28] =	ssyncadd.s32 $0xFFFFFFC0  }
0xa4: {  	[tilespmem:s16], [sflag:$0x2] =	stream.indirect.gather [hbm4b:s3+s25], $0x80, s29, s25, $0xb8;
	[tilespmem:$0x10200] =	vst v63  }
0xa5: {  	_ = 	snop  }
0xa6: {  	[tilespmem:s17], [sflag:$0x2] =	stream.indirect.gather [hbm4b:s4+s25], $0x80, s30, s25, $0xb8;
	[tilespmem:$0x10200] =	vst v63  }
0xa7: {  	_ = 	snop  }
0xa8: {  	[tilespmem:s18], [sflag:$0x2] =	stream.indirect.gather [hbm4b:s5+s25], $0x80, s29, s25, $0xb8;
	[tilespmem:$0x10200] =	vst v63  }
0xa9: {  	_ = 	snop  }
0xaa: {  	[tilespmem:s19], [sflag:$0x2] =	stream.indirect.gather [hbm4b:s6+s25], $0x80, s30, s25, $0xb8;
	[tilespmem:$0x10200] =	vst v63  }
0xab: {  	_ =	swait.ge [sflag:s26], $0x2000  }
0xac: {  	[sflag:s26] =	ssyncset.done $0x0  }
0xad: {  	[sflag:s26] =	ssyncadd.s32 $0xFFFFE000  }
0xae: {  	_ =	swait.ge [sflag:s26], $0x2000  }
0xaf: {  	[sflag:s26] =	ssyncset.done $0x0  }
0xb0: {  	[sflag:s26] =	ssyncadd.s32 $0xFFFFE000  }
0xb1: {  	_ =	swait.ge [sflag:s26], $0x2000  }
0xb2: {  	[sflag:s26] =	ssyncset.done $0x0  }
0xb3: {  	[sflag:s26] =	ssyncadd.s32 $0xFFFFE000  }
0xb4: {  	_ =	swait.ge [sflag:s26], $0x2000  }
0xb5: {  	[sflag:s26] =	ssyncset.done $0x0  }
0xb6: {  	s0 =	rddreg [dreg:$0x18];
	[sflag:s26] =	ssyncadd.s32 $0xFFFFE000  }
0xb7: {  	[hbm4b:s0+s2] =	stream.linear.scatter [tilespmem:s20], [sflag:$0x3], $0x2000, $0x38;
	[tilespmem:$0x10200] =	vst v63  }
0xb8: {  	s1 =	rddreg [dreg:$0x19]  }
0xb9: {  	[hbm4b:s1+s2] =	stream.linear.scatter [tilespmem:s21], [sflag:$0x3], $0x2000, $0x38;
	[tilespmem:$0x10200] =	vst v63  }
0xba: {  	s0 =	rddreg [dreg:$0x1a]  }
0xbb: {  	[hbm4b:s0+s2] =	stream.linear.scatter [tilespmem:s22], [sflag:$0x3], $0x2000, $0x38;
	[tilespmem:$0x10200] =	vst v63  }
0xbc: {  	s1 =	rddreg [dreg:$0x1b]  }
0xbd: {  	[hbm4b:s1+s2] =	stream.linear.scatter [tilespmem:s23], [sflag:$0x3], $0x2000, $0x38;
	[tilespmem:$0x10200] =	vst v63  }
0xbe: {  	_ =	swait.ge [sflag:s12], $0x2000  }
0xbf: {  	[sflag:s12] =	ssyncset.done $0x0  }
0xc0: {  	[sflag:s12] =	ssyncadd.s32 $0xFFFFE000  }
0xc1: {  	_ =	swait.ge [sflag:s12], $0x2000  }
0xc2: {  	[sflag:s12] =	ssyncset.done $0x0  }
0xc3: {  	[sflag:s12] =	ssyncadd.s32 $0xFFFFE000  }
0xc4: {  	_ =	swait.ge [sflag:s12], $0x2000  }
0xc5: {  	[sflag:s12] =	ssyncset.done $0x0  }
0xc6: {  	[sflag:s12] =	ssyncadd.s32 $0xFFFFE000  }
0xc7: {  	_ =	swait.ge [sflag:s12], $0x2000  }
0xc8: {  	[sflag:s12] =	ssyncset.done $0x0  }
0xc9: {  	s1 =	rddreg [dreg:$0x1c];
	[sflag:s12] =	ssyncadd.s32 $0xFFFFE000  }
0xca: {  	[tilespmem:s2], [sflag:$0x5] =	stream.linear.gather [hbm4b:s1+s2], $0x40, $0x38;
	[tilespmem:$0x10200] =	vst v63  }
0xcb: {  	_ =	swait.ge [sflag:s28], $0x40  }
0xcc: {  	[sflag:s28] =	ssyncset.done $0x0  }
0xcd: {  	s1 =	rddreg [dreg:$0x1d];
	[sflag:s28] =	ssyncadd.s32 $0xFFFFFFC0  }
0xce: {  	[tilespmem:s31], [sflag:$0x5] =	stream.linear.gather [hbm4b:s1+s2], $0x40, $0x38;
	[tilespmem:$0x10200] =	vst v63  }
0xcf: {  	_ =	swait.ge [sflag:s28], $0x40  }
0xd0: {  	[sflag:s28] =	ssyncset.done $0x0  }
0xd1: {  	[sflag:s28] =	ssyncadd.s32 $0xFFFFFFC0  }
0xd2: {  	[tilespmem:s20], [sflag:$0x1] =	stream.indirect.gather [hbm4b:s3+s25], $0x80, s2, s25, $0xb8;
	[tilespmem:$0x10200] =	vst v63  }
0xd3: {  	_ = 	snop  }
0xd4: {  	[tilespmem:s21], [sflag:$0x1] =	stream.indirect.gather [hbm4b:s4+s25], $0x80, s31, s25, $0xb8;
	[tilespmem:$0x10200] =	vst v63  }
0xd5: {  	_ = 	snop  }
0xd6: {  	[tilespmem:s22], [sflag:$0x1] =	stream.indirect.gather [hbm4b:s5+s25], $0x80, s2, s25, $0xb8;
	[tilespmem:$0x10200] =	vst v63  }
0xd7: {  	_ = 	snop  }
0xd8: {  	[tilespmem:s23], [sflag:$0x1] =	stream.indirect.gather [hbm4b:s6+s25], $0x80, s31, s25, $0xb8;
	[tilespmem:$0x10200] =	vst v63  }
0xd9: {  	_ =	swait.ge [sflag:s24], $0x2000  }
0xda: {  	[sflag:s24] =	ssyncset.done $0x0  }
0xdb: {  	[sflag:s24] =	ssyncadd.s32 $0xFFFFE000  }
0xdc: {  	_ =	swait.ge [sflag:s24], $0x2000  }
0xdd: {  	[sflag:s24] =	ssyncset.done $0x0  }
0xde: {  	[sflag:s24] =	ssyncadd.s32 $0xFFFFE000  }
0xdf: {  	_ =	swait.ge [sflag:s24], $0x2000  }
0xe0: {  	[sflag:s24] =	ssyncset.done $0x0  }
0xe1: {  	[sflag:s24] =	ssyncadd.s32 $0xFFFFE000  }
0xe2: {  	_ =	swait.ge [sflag:s24], $0x2000  }
0xe3: {  	s0 =	rddreg [dreg:$0x1e];
	[sflag:s24] =	ssyncset.done $0x0  }
0xe4: {  	s1 =	rddreg [dreg:$0x1f];
	[sflag:s24] =	ssyncadd.s32 $0xFFFFE000  }
0xe5: {  	[hbm4b:s0+s2] =	stream.linear.scatter [tilespmem:s16], [sflag:$0x4], $0x2000, $0x38;
	[tilespmem:$0x10200] =	vst v63  }
0xe6: {  	s0 =	sld [smem:$0x7F9]  }
0xe7: {  	[hbm4b:s1+s2] =	stream.linear.scatter [tilespmem:s17], [sflag:$0x4], $0x2000, $0x38;
	[tilespmem:$0x10200] =	vst v63  }
0xe8: {  	s1 =	sld [smem:$0x7FA]  }
0xe9: {  	[hbm4b:s0+s2] =	stream.linear.scatter [tilespmem:s18], [sflag:$0x4], $0x2000, $0x38;
	[tilespmem:$0x10200] =	vst v63  }
0xea: {  	_ = 	snop  }
0xeb: {  	[hbm4b:s1+s2] =	stream.linear.scatter [tilespmem:s19], [sflag:$0x4], $0x2000, $0x38;
	[tilespmem:$0x10200] =	vst v63  }
0xec: {  	_ =	swait.ge [sflag:s7], $0x2000  }
0xed: {  	[sflag:s7] =	ssyncset.done $0x0  }
0xee: {  	[sflag:s7] =	ssyncadd.s32 $0xFFFFE000  }
0xef: {  	_ =	swait.ge [sflag:s7], $0x2000  }
0xf0: {  	[sflag:s7] =	ssyncset.done $0x0  }
0xf1: {  	[sflag:s7] =	ssyncadd.s32 $0xFFFFE000  }
0xf2: {  	_ =	swait.ge [sflag:s7], $0x2000  }
0xf3: {  	[sflag:s7] =	ssyncset.done $0x0  }
0xf4: {  	[sflag:s7] =	ssyncadd.s32 $0xFFFFE000  }
0xf5: {  	_ =	swait.ge [sflag:s7], $0x2000  }
0xf6: {  	s1 =	sld [smem:$0x7FB]  }
0xf7: {  	[sflag:s7] =	ssyncset.done $0x0  }
0xf8: {  	[sflag:s7] =	ssyncadd.s32 $0xFFFFE000  }
0xf9: {  	[tilespmem:s29], [sflag:$0x5] =	stream.linear.gather [hbm4b:s1+s2], $0x40, $0x38;
	[tilespmem:$0x10200] =	vst v63  }
0xfa: {  	_ =	swait.ge [sflag:s28], $0x40  }
0xfb: {  	s1 =	sld [smem:$0x7FC]  }
0xfc: {  	[sflag:s28] =	ssyncset.done $0x0  }
0xfd: {  	[sflag:s28] =	ssyncadd.s32 $0xFFFFFFC0  }
0xfe: {  	[tilespmem:s30], [sflag:$0x5] =	stream.linear.gather [hbm4b:s1+s2], $0x40, $0x38;
	[tilespmem:$0x10200] =	vst v63  }
0xff: {  	_ =	swait.ge [sflag:s28], $0x40  }
0x100: {  	[sflag:s28] =	ssyncset.done $0x0  }
0x101: {  	[sflag:s28] =	ssyncadd.s32 $0xFFFFFFC0  }
0x102: {  	[tilespmem:s16], [sflag:$0x2] =	stream.indirect.gather [hbm4b:s3+s25], $0x80, s29, s25, $0xb8;
	[tilespmem:$0x10200] =	vst v63  }
0x103: {  	_ = 	snop  }
0x104: {  	[tilespmem:s17], [sflag:$0x2] =	stream.indirect.gather [hbm4b:s4+s25], $0x80, s30, s25, $0xb8;
	[tilespmem:$0x10200] =	vst v63  }
0x105: {  	_ = 	snop  }
0x106: {  	[tilespmem:s18], [sflag:$0x2] =	stream.indirect.gather [hbm4b:s5+s25], $0x80, s29, s25, $0xb8;
	[tilespmem:$0x10200] =	vst v63  }
0x107: {  	_ = 	snop  }
0x108: {  	[tilespmem:s19], [sflag:$0x2] =	stream.indirect.gather [hbm4b:s6+s25], $0x80, s30, s25, $0xb8;
	[tilespmem:$0x10200] =	vst v63  }
0x109: {  	_ =	swait.ge [sflag:s26], $0x2000  }
0x10a: {  	[sflag:s26] =	ssyncset.done $0x0  }
0x10b: {  	[sflag:s26] =	ssyncadd.s32 $0xFFFFE000  }
0x10c: {  	_ =	swait.ge [sflag:s26], $0x2000  }
0x10d: {  	[sflag:s26] =	ssyncset.done $0x0  }
0x10e: {  	[sflag:s26] =	ssyncadd.s32 $0xFFFFE000  }
0x10f: {  	_ =	swait.ge [sflag:s26], $0x2000  }
0x110: {  	[sflag:s26] =	ssyncset.done $0x0  }
0x111: {  	[sflag:s26] =	ssyncadd.s32 $0xFFFFE000  }
0x112: {  	_ =	swait.ge [sflag:s26], $0x2000  }
0x113: {  	s1 =	sld [smem:$0x7FD]  }
0x114: {  	[sflag:s26] =	ssyncset.done $0x0  }
0x115: {  	[sflag:s26] =	ssyncadd.s32 $0xFFFFE000  }
0x116: {  	[hbm4b:s1+s2] =	stream.linear.scatter [tilespmem:s20], [sflag:$0x3], $0x2000, $0x38;
	[tilespmem:$0x10200] =	vst v63  }
0x117: {  	_ = 	snop  }
0x118: {  	[hbm4b:s13+s2] =	stream.linear.scatter [tilespmem:s21], [sflag:$0x3], $0x2000, $0x38;
	[tilespmem:$0x10200] =	vst v63  }
0x119: {  	_ = 	snop  }
0x11a: {  	[hbm4b:s14+s2] =	stream.linear.scatter [tilespmem:s22], [sflag:$0x3], $0x2000, $0x38;
	[tilespmem:$0x10200] =	vst v63  }
0x11b: {  	_ = 	snop  }
0x11c: {  	[hbm4b:s15+s2] =	stream.linear.scatter [tilespmem:s23], [sflag:$0x3], $0x2000, $0x38;
	[tilespmem:$0x10200] =	vst v63  }
0x11d: {  	_ =	swait.ge [sflag:s24], $0x2000  }
0x11e: {  	[sflag:s24] =	ssyncset.done $0x0  }
0x11f: {  	[sflag:s24] =	ssyncadd.s32 $0xFFFFE000  }
0x120: {  	_ =	swait.ge [sflag:s24], $0x2000  }
0x121: {  	[sflag:s24] =	ssyncset.done $0x0  }
0x122: {  	[sflag:s24] =	ssyncadd.s32 $0xFFFFE000  }
0x123: {  	_ =	swait.ge [sflag:s24], $0x2000  }
0x124: {  	[sflag:s24] =	ssyncset.done $0x0  }
0x125: {  	[sflag:s24] =	ssyncadd.s32 $0xFFFFE000  }
0x126: {  	_ =	swait.ge [sflag:s24], $0x2000  }
0x127: {  	[sflag:s24] =	ssyncset.done $0x0  }
0x128: {  	[sflag:s24] =	ssyncadd.s32 $0xFFFFE000  }
0x129: {  	[hbm4b:s8+s2] =	stream.linear.scatter [tilespmem:s16], [sflag:$0x4], $0x2000, $0x38;
	[tilespmem:$0x10200] =	vst v63  }
0x12a: {  	_ = 	snop  }
0x12b: {  	[hbm4b:s9+s2] =	stream.linear.scatter [tilespmem:s17], [sflag:$0x4], $0x2000, $0x38;
	[tilespmem:$0x10200] =	vst v63  }
0x12c: {  	_ = 	snop  }
0x12d: {  	[hbm4b:s10+s2] =	stream.linear.scatter [tilespmem:s18], [sflag:$0x4], $0x2000, $0x38;
	[tilespmem:$0x10200] =	vst v63  }
0x12e: {  	_ = 	snop  }
0x12f: {  	[hbm4b:s11+s2] =	stream.linear.scatter [tilespmem:s19], [sflag:$0x4], $0x2000, $0x38;
	[tilespmem:$0x10200] =	vst v63  }
0x130: {  	_ =	swait.ge [sflag:s12], $0x2000  }
0x131: {  	[sflag:s12] =	ssyncset.done $0x0  }
0x132: {  	[sflag:s12] =	ssyncadd.s32 $0xFFFFE000  }
0x133: {  	_ =	swait.ge [sflag:s12], $0x2000  }
0x134: {  	[sflag:s12] =	ssyncset.done $0x0  }
0x135: {  	[sflag:s12] =	ssyncadd.s32 $0xFFFFE000  }
0x136: {  	_ =	swait.ge [sflag:s12], $0x2000  }
0x137: {  	[sflag:s12] =	ssyncset.done $0x0  }
0x138: {  	[sflag:s12] =	ssyncadd.s32 $0xFFFFE000  }
0x139: {  	_ =	swait.ge [sflag:s12], $0x2000  }
0x13a: {  	[sflag:s12] =	ssyncset.done $0x0  }
0x13b: {  	[sflag:s12] =	ssyncadd.s32 $0xFFFFE000  }
0x13c: {  	_ =	swait.ge [sflag:s7], $0x2000  }
0x13d: {  	[sflag:s7] =	ssyncset.done $0x0  }
0x13e: {  	[sflag:s7] =	ssyncadd.s32 $0xFFFFE000  }
0x13f: {  	_ =	swait.ge [sflag:s7], $0x2000  }
0x140: {  	[sflag:s7] =	ssyncset.done $0x0  }
0x141: {  	[sflag:s7] =	ssyncadd.s32 $0xFFFFE000  }
0x142: {  	_ =	swait.ge [sflag:s7], $0x2000  }
0x143: {  	s1 =	sld [smem:$0x7F8];
	_ =	sdelay $0x2  }
0x144: {  	p1 =	sne.s32 s1, $0x1  }
.Ltmp1:
0x145: {  	_ = 	snop;
	(pc) =	sbr.rel @!p1 .LBB2_3-.Ltmp1, $4  }
0x146: {  	[sflag:s7] =	ssyncset.done $0x0  }
0x147: {  	[sflag:s7] =	ssyncadd.s32 $0xFFFFE000  }
0x148: {  	p0 =	por $0x1, $0x1;
	_ =	swait.ge [sflag:s7], $0x2000  }
0x149: {  	s1 =	sadd.s32 $0xFFFFFFFF, s1;
	s0 =	rddreg [dreg:$0x8];
	[sflag:s7] =	ssyncset.done $0x0  }
.LBB2_2:
0x14a: {  	[sflag:s7] =	ssyncadd.s32 $0xFFFFE000  }
0x14b: {  	[tilespmem:s2], [sflag:$0x5] =	stream.linear.gather [hbm4b:s0+s2], $0x40, $0x38;
	[tilespmem:$0x10200] =	vst v63  }
0x14c: {  	_ =	swait.ge [sflag:s28], $0x40  }
0x14d: {  	[sflag:s28] =	ssyncset.done $0x0  }
0x14e: {  	s0 =	rddreg [dreg:$0x9];
	[sflag:s28] =	ssyncadd.s32 $0xFFFFFFC0  }
0x14f: {  	[tilespmem:s31], [sflag:$0x5] =	stream.linear.gather [hbm4b:s0+s2], $0x40, $0x38;
	[tilespmem:$0x10200] =	vst v63  }
0x150: {  	_ =	swait.ge [sflag:s28], $0x40  }
0x151: {  	[sflag:s28] =	ssyncset.done $0x0  }
0x152: {  	[sflag:s28] =	ssyncadd.s32 $0xFFFFFFC0  }
0x153: {  	[tilespmem:s20], [sflag:$0x1] =	stream.indirect.gather [hbm4b:s3+s25], $0x80, s2, s25, $0xb8;
	[tilespmem:$0x10200] =	vst v63  }
0x154: {  	_ = 	snop  }
0x155: {  	[tilespmem:s21], [sflag:$0x1] =	stream.indirect.gather [hbm4b:s4+s25], $0x80, s31, s25, $0xb8;
	[tilespmem:$0x10200] =	vst v63  }
0x156: {  	_ = 	snop  }
0x157: {  	[tilespmem:s22], [sflag:$0x1] =	stream.indirect.gather [hbm4b:s5+s25], $0x80, s2, s25, $0xb8;
	[tilespmem:$0x10200] =	vst v63  }
0x158: {  	_ = 	snop  }
0x159: {  	[tilespmem:s23], [sflag:$0x1] =	stream.indirect.gather [hbm4b:s6+s25], $0x80, s31, s25, $0xb8;
	[tilespmem:$0x10200] =	vst v63  }
0x15a: {  	s0 =	rddreg [dreg:$0xa]  }
0x15b: {  	[tilespmem:s29], [sflag:$0x5] =	stream.linear.gather [hbm4b:s0+s2], $0x40, $0x38;
	[tilespmem:$0x10200] =	vst v63  }
0x15c: {  	_ =	swait.ge [sflag:s28], $0x40  }
0x15d: {  	[sflag:s28] =	ssyncset.done $0x0  }
0x15e: {  	s0 =	rddreg [dreg:$0xb];
	[sflag:s28] =	ssyncadd.s32 $0xFFFFFFC0  }
0x15f: {  	[tilespmem:s30], [sflag:$0x5] =	stream.linear.gather [hbm4b:s0+s2], $0x40, $0x38;
	[tilespmem:$0x10200] =	vst v63  }
0x160: {  	_ =	swait.ge [sflag:s28], $0x40  }
0x161: {  	[sflag:s28] =	ssyncset.done $0x0  }
0x162: {  	[sflag:s28] =	ssyncadd.s32 $0xFFFFFFC0  }
0x163: {  	[tilespmem:s16], [sflag:$0x2] =	stream.indirect.gather [hbm4b:s3+s25], $0x80, s29, s25, $0xb8;
	[tilespmem:$0x10200] =	vst v63  }
0x164: {  	_ = 	snop  }
0x165: {  	[tilespmem:s17], [sflag:$0x2] =	stream.indirect.gather [hbm4b:s4+s25], $0x80, s30, s25, $0xb8;
	[tilespmem:$0x10200] =	vst v63  }
0x166: {  	_ = 	snop  }
0x167: {  	[tilespmem:s18], [sflag:$0x2] =	stream.indirect.gather [hbm4b:s5+s25], $0x80, s29, s25, $0xb8;
	[tilespmem:$0x10200] =	vst v63  }
0x168: {  	_ = 	snop  }
0x169: {  	[tilespmem:s19], [sflag:$0x2] =	stream.indirect.gather [hbm4b:s6+s25], $0x80, s30, s25, $0xb8;
	[tilespmem:$0x10200] =	vst v63  }
0x16a: {  	_ =	swait.ge [sflag:s26], $0x2000  }
0x16b: {  	[sflag:s26] =	ssyncset.done $0x0  }
0x16c: {  	[sflag:s26] =	ssyncadd.s32 $0xFFFFE000  }
0x16d: {  	_ =	swait.ge [sflag:s26], $0x2000  }
0x16e: {  	[sflag:s26] =	ssyncset.done $0x0  }
0x16f: {  	[sflag:s26] =	ssyncadd.s32 $0xFFFFE000  }
0x170: {  	_ =	swait.ge [sflag:s26], $0x2000  }
0x171: {  	[sflag:s26] =	ssyncset.done $0x0  }
0x172: {  	[sflag:s26] =	ssyncadd.s32 $0xFFFFE000  }
0x173: {  	s16 =	smov.u32 s15;
	s15 =	smov.u32 s14;
	_ =	swait.ge [sflag:s26], $0x2000  }
0x174: {  	s14 =	smov.u32 s13;
	s13 =	smov.u32 s11;
	[sflag:s26] =	ssyncset.done $0x0  }
0x175: {  	s11 =	smov.u32 s10;
	s0 =	rddreg [dreg:$0xc];
	[sflag:s26] =	ssyncadd.s32 $0xFFFFE000  }
0x176: {  	[hbm4b:s0+s2] =	stream.linear.scatter [tilespmem:s20], [sflag:$0x3], $0x2000, $0x38;
	[tilespmem:$0x10200] =	vst v63  }
0x177: {  	s10 =	smov.u32 s9;
	s9 =	smov.u32 s8;
	s8 =	rddreg [dreg:$0xd]  }
0x178: {  	[hbm4b:s8+s2] =	stream.linear.scatter [tilespmem:s21], [sflag:$0x3], $0x2000, $0x38;
	[tilespmem:$0x10200] =	vst v63  }
0x179: {  	s0 =	rddreg [dreg:$0xe]  }
0x17a: {  	[hbm4b:s0+s2] =	stream.linear.scatter [tilespmem:s22], [sflag:$0x3], $0x2000, $0x38;
	[tilespmem:$0x10200] =	vst v63  }
0x17b: {  	s8 =	rddreg [dreg:$0xf]  }
0x17c: {  	[hbm4b:s8+s2] =	stream.linear.scatter [tilespmem:s23], [sflag:$0x3], $0x2000, $0x38;
	[tilespmem:$0x10200] =	vst v63  }
0x17d: {  	_ =	swait.ge [sflag:s12], $0x2000  }
0x17e: {  	[sflag:s12] =	ssyncset.done $0x0  }
0x17f: {  	[sflag:s12] =	ssyncadd.s32 $0xFFFFE000  }
0x180: {  	_ =	swait.ge [sflag:s12], $0x2000  }
0x181: {  	[sflag:s12] =	ssyncset.done $0x0  }
0x182: {  	[sflag:s12] =	ssyncadd.s32 $0xFFFFE000  }
0x183: {  	_ =	swait.ge [sflag:s12], $0x2000  }
0x184: {  	[sflag:s12] =	ssyncset.done $0x0  }
0x185: {  	[sflag:s12] =	ssyncadd.s32 $0xFFFFE000  }
0x186: {  	_ =	swait.ge [sflag:s12], $0x2000  }
0x187: {  	[sflag:s12] =	ssyncset.done $0x0  }
0x188: {  	s8 =	rddreg [dreg:$0x10];
	[sflag:s12] =	ssyncadd.s32 $0xFFFFE000  }
0x189: {  	[tilespmem:s2], [sflag:$0x5] =	stream.linear.gather [hbm4b:s8+s2], $0x40, $0x38;
	[tilespmem:$0x10200] =	vst v63  }
0x18a: {  	_ =	swait.ge [sflag:s28], $0x40  }
0x18b: {  	[sflag:s28] =	ssyncset.done $0x0  }
0x18c: {  	s8 =	rddreg [dreg:$0x11];
	[sflag:s28] =	ssyncadd.s32 $0xFFFFFFC0  }
0x18d: {  	[tilespmem:s31], [sflag:$0x5] =	stream.linear.gather [hbm4b:s8+s2], $0x40, $0x38;
	[tilespmem:$0x10200] =	vst v63  }
0x18e: {  	_ =	swait.ge [sflag:s28], $0x40  }
0x18f: {  	[sflag:s28] =	ssyncset.done $0x0  }
0x190: {  	[sflag:s28] =	ssyncadd.s32 $0xFFFFFFC0  }
0x191: {  	[tilespmem:s20], [sflag:$0x1] =	stream.indirect.gather [hbm4b:s3+s25], $0x80, s2, s25, $0xb8;
	[tilespmem:$0x10200] =	vst v63  }
0x192: {  	_ = 	snop  }
0x193: {  	[tilespmem:s21], [sflag:$0x1] =	stream.indirect.gather [hbm4b:s4+s25], $0x80, s31, s25, $0xb8;
	[tilespmem:$0x10200] =	vst v63  }
0x194: {  	_ = 	snop  }
0x195: {  	[tilespmem:s22], [sflag:$0x1] =	stream.indirect.gather [hbm4b:s5+s25], $0x80, s2, s25, $0xb8;
	[tilespmem:$0x10200] =	vst v63  }
0x196: {  	_ = 	snop  }
0x197: {  	[tilespmem:s23], [sflag:$0x1] =	stream.indirect.gather [hbm4b:s6+s25], $0x80, s31, s25, $0xb8;
	[tilespmem:$0x10200] =	vst v63  }
0x198: {  	_ =	swait.ge [sflag:s24], $0x2000  }
0x199: {  	[sflag:s24] =	ssyncset.done $0x0  }
0x19a: {  	[sflag:s24] =	ssyncadd.s32 $0xFFFFE000  }
0x19b: {  	_ =	swait.ge [sflag:s24], $0x2000  }
0x19c: {  	[sflag:s24] =	ssyncset.done $0x0  }
0x19d: {  	[sflag:s24] =	ssyncadd.s32 $0xFFFFE000  }
0x19e: {  	_ =	swait.ge [sflag:s24], $0x2000  }
0x19f: {  	[sflag:s24] =	ssyncset.done $0x0  }
0x1a0: {  	[sflag:s24] =	ssyncadd.s32 $0xFFFFE000  }
0x1a1: {  	_ =	swait.ge [sflag:s24], $0x2000  }
0x1a2: {  	[sflag:s24] =	ssyncset.done $0x0  }
0x1a3: {  	s17 =	simm.s32 $0x8200;
	s0 =	rddreg [dreg:$0x12];
	[sflag:s24] =	ssyncadd.s32 $0xFFFFE000  }
0x1a4: {  	[hbm4b:s0+s2] =	stream.linear.scatter [tilespmem:s17], [sflag:$0x4], $0x2000, $0x38;
	[tilespmem:$0x10200] =	vst v63  }
0x1a5: {  	s18 =	simm.s32 $0xA200;
	s8 =	rddreg [dreg:$0x13]  }
0x1a6: {  	[hbm4b:s8+s2] =	stream.linear.scatter [tilespmem:s18], [sflag:$0x4], $0x2000, $0x38;
	[tilespmem:$0x10200] =	vst v63  }
0x1a7: {  	s19 =	simm.s32 $0xC200;
	s0 =	rddreg [dreg:$0x14]  }
0x1a8: {  	[hbm4b:s0+s2] =	stream.linear.scatter [tilespmem:s19], [sflag:$0x4], $0x2000, $0x38;
	[tilespmem:$0x10200] =	vst v63  }
0x1a9: {  	s8 =	rddreg [dreg:$0x15];
	s19 =	simm.s32 $0xE200  }
0x1aa: {  	[hbm4b:s8+s2] =	stream.linear.scatter [tilespmem:s19], [sflag:$0x4], $0x2000, $0x38;
	[tilespmem:$0x10200] =	vst v63  }
0x1ab: {  	_ =	swait.ge [sflag:s7], $0x2000  }
0x1ac: {  	[sflag:s7] =	ssyncset.done $0x0  }
0x1ad: {  	[sflag:s7] =	ssyncadd.s32 $0xFFFFE000  }
0x1ae: {  	_ =	swait.ge [sflag:s7], $0x2000  }
0x1af: {  	[sflag:s7] =	ssyncset.done $0x0  }
0x1b0: {  	[sflag:s7] =	ssyncadd.s32 $0xFFFFE000  }
0x1b1: {  	_ =	swait.ge [sflag:s7], $0x2000  }
0x1b2: {  	[sflag:s7] =	ssyncset.done $0x0  }
0x1b3: {  	[sflag:s7] =	ssyncadd.s32 $0xFFFFE000  }
0x1b4: {  	_ =	swait.ge [sflag:s7], $0x2000  }
0x1b5: {  	[sflag:s7] =	ssyncset.done $0x0  }
0x1b6: {  	s8 =	rddreg [dreg:$0x16];
	[sflag:s7] =	ssyncadd.s32 $0xFFFFE000  }
0x1b7: {  	[tilespmem:s29], [sflag:$0x5] =	stream.linear.gather [hbm4b:s8+s2], $0x40, $0x38;
	[tilespmem:$0x10200] =	vst v63  }
0x1b8: {  	_ =	swait.ge [sflag:s28], $0x40  }
0x1b9: {  	[sflag:s28] =	ssyncset.done $0x0  }
0x1ba: {  	s8 =	rddreg [dreg:$0x17];
	[sflag:s28] =	ssyncadd.s32 $0xFFFFFFC0  }
0x1bb: {  	[tilespmem:s30], [sflag:$0x5] =	stream.linear.gather [hbm4b:s8+s2], $0x40, $0x38;
	[tilespmem:$0x10200] =	vst v63  }
0x1bc: {  	_ =	swait.ge [sflag:s28], $0x40  }
0x1bd: {  	[sflag:s28] =	ssyncset.done $0x0  }
0x1be: {  	[sflag:s28] =	ssyncadd.s32 $0xFFFFFFC0  }
0x1bf: {  	[tilespmem:s17], [sflag:$0x2] =	stream.indirect.gather [hbm4b:s3+s25], $0x80, s29, s25, $0xb8;
	[tilespmem:$0x10200] =	vst v63  }
0x1c0: {  	_ = 	snop  }
0x1c1: {  	[tilespmem:s18], [sflag:$0x2] =	stream.indirect.gather [hbm4b:s4+s25], $0x80, s30, s25, $0xb8;
	[tilespmem:$0x10200] =	vst v63  }
0x1c2: {  	s18 =	simm.s32 $0xC200  }
0x1c3: {  	[tilespmem:s18], [sflag:$0x2] =	stream.indirect.gather [hbm4b:s5+s25], $0x80, s29, s25, $0xb8;
	[tilespmem:$0x10200] =	vst v63  }
0x1c4: {  	_ = 	snop  }
0x1c5: {  	[tilespmem:s19], [sflag:$0x2] =	stream.indirect.gather [hbm4b:s6+s25], $0x80, s30, s25, $0xb8;
	[tilespmem:$0x10200] =	vst v63  }
0x1c6: {  	_ =	swait.ge [sflag:s26], $0x2000  }
0x1c7: {  	[sflag:s26] =	ssyncset.done $0x0  }
0x1c8: {  	[sflag:s26] =	ssyncadd.s32 $0xFFFFE000  }
0x1c9: {  	_ =	swait.ge [sflag:s26], $0x2000  }
0x1ca: {  	[sflag:s26] =	ssyncset.done $0x0  }
0x1cb: {  	[sflag:s26] =	ssyncadd.s32 $0xFFFFE000  }
0x1cc: {  	_ =	swait.ge [sflag:s26], $0x2000  }
0x1cd: {  	[sflag:s26] =	ssyncset.done $0x0  }
0x1ce: {  	[sflag:s26] =	ssyncadd.s32 $0xFFFFE000  }
0x1cf: {  	_ =	swait.ge [sflag:s26], $0x2000  }
0x1d0: {  	[sflag:s26] =	ssyncset.done $0x0  }
0x1d1: {  	s0 =	rddreg [dreg:$0x18];
	[sflag:s26] =	ssyncadd.s32 $0xFFFFE000  }
0x1d2: {  	[hbm4b:s0+s2] =	stream.linear.scatter [tilespmem:s20], [sflag:$0x3], $0x2000, $0x38;
	[tilespmem:$0x10200] =	vst v63  }
0x1d3: {  	s8 =	rddreg [dreg:$0x19]  }
0x1d4: {  	[hbm4b:s8+s2] =	stream.linear.scatter [tilespmem:s21], [sflag:$0x3], $0x2000, $0x38;
	[tilespmem:$0x10200] =	vst v63  }
0x1d5: {  	s0 =	rddreg [dreg:$0x1a]  }
0x1d6: {  	[hbm4b:s0+s2] =	stream.linear.scatter [tilespmem:s22], [sflag:$0x3], $0x2000, $0x38;
	[tilespmem:$0x10200] =	vst v63  }
0x1d7: {  	s8 =	rddreg [dreg:$0x1b]  }
0x1d8: {  	[hbm4b:s8+s2] =	stream.linear.scatter [tilespmem:s23], [sflag:$0x3], $0x2000, $0x38;
	[tilespmem:$0x10200] =	vst v63  }
0x1d9: {  	_ =	swait.ge [sflag:s12], $0x2000  }
0x1da: {  	[sflag:s12] =	ssyncset.done $0x0  }
0x1db: {  	[sflag:s12] =	ssyncadd.s32 $0xFFFFE000  }
0x1dc: {  	_ =	swait.ge [sflag:s12], $0x2000  }
0x1dd: {  	[sflag:s12] =	ssyncset.done $0x0  }
0x1de: {  	[sflag:s12] =	ssyncadd.s32 $0xFFFFE000  }
0x1df: {  	_ =	swait.ge [sflag:s12], $0x2000  }
0x1e0: {  	[sflag:s12] =	ssyncset.done $0x0  }
0x1e1: {  	[sflag:s12] =	ssyncadd.s32 $0xFFFFE000  }
0x1e2: {  	_ =	swait.ge [sflag:s12], $0x2000  }
0x1e3: {  	[sflag:s12] =	ssyncset.done $0x0  }
0x1e4: {  	s8 =	rddreg [dreg:$0x1c];
	[sflag:s12] =	ssyncadd.s32 $0xFFFFE000  }
0x1e5: {  	[tilespmem:s2], [sflag:$0x5] =	stream.linear.gather [hbm4b:s8+s2], $0x40, $0x38;
	[tilespmem:$0x10200] =	vst v63  }
0x1e6: {  	_ =	swait.ge [sflag:s28], $0x40  }
0x1e7: {  	[sflag:s28] =	ssyncset.done $0x0  }
0x1e8: {  	s8 =	rddreg [dreg:$0x1d];
	[sflag:s28] =	ssyncadd.s32 $0xFFFFFFC0  }
0x1e9: {  	[tilespmem:s31], [sflag:$0x5] =	stream.linear.gather [hbm4b:s8+s2], $0x40, $0x38;
	[tilespmem:$0x10200] =	vst v63  }
0x1ea: {  	_ =	swait.ge [sflag:s28], $0x40  }
0x1eb: {  	[sflag:s28] =	ssyncset.done $0x0  }
0x1ec: {  	[sflag:s28] =	ssyncadd.s32 $0xFFFFFFC0  }
0x1ed: {  	[tilespmem:s20], [sflag:$0x1] =	stream.indirect.gather [hbm4b:s3+s25], $0x80, s2, s25, $0xb8;
	[tilespmem:$0x10200] =	vst v63  }
0x1ee: {  	_ = 	snop  }
0x1ef: {  	[tilespmem:s21], [sflag:$0x1] =	stream.indirect.gather [hbm4b:s4+s25], $0x80, s31, s25, $0xb8;
	[tilespmem:$0x10200] =	vst v63  }
0x1f0: {  	_ = 	snop  }
0x1f1: {  	[tilespmem:s22], [sflag:$0x1] =	stream.indirect.gather [hbm4b:s5+s25], $0x80, s2, s25, $0xb8;
	[tilespmem:$0x10200] =	vst v63  }
0x1f2: {  	_ = 	snop  }
0x1f3: {  	[tilespmem:s23], [sflag:$0x1] =	stream.indirect.gather [hbm4b:s6+s25], $0x80, s31, s25, $0xb8;
	[tilespmem:$0x10200] =	vst v63  }
0x1f4: {  	_ =	swait.ge [sflag:s24], $0x2000  }
0x1f5: {  	[sflag:s24] =	ssyncset.done $0x0  }
0x1f6: {  	[sflag:s24] =	ssyncadd.s32 $0xFFFFE000  }
0x1f7: {  	_ =	swait.ge [sflag:s24], $0x2000  }
0x1f8: {  	[sflag:s24] =	ssyncset.done $0x0  }
0x1f9: {  	[sflag:s24] =	ssyncadd.s32 $0xFFFFE000  }
0x1fa: {  	_ =	swait.ge [sflag:s24], $0x2000  }
0x1fb: {  	[sflag:s24] =	ssyncset.done $0x0  }
0x1fc: {  	[sflag:s24] =	ssyncadd.s32 $0xFFFFE000  }
0x1fd: {  	_ =	swait.ge [sflag:s24], $0x2000  }
0x1fe: {  	s0 =	rddreg [dreg:$0x1e];
	[sflag:s24] =	ssyncset.done $0x0  }
0x1ff: {  	s8 =	rddreg [dreg:$0x1f];
	[sflag:s24] =	ssyncadd.s32 $0xFFFFE000  }
0x200: {  	[hbm4b:s0+s2] =	stream.linear.scatter [tilespmem:s17], [sflag:$0x4], $0x2000, $0x38;
	[tilespmem:$0x10200] =	vst v63  }
0x201: {  	s17 =	simm.s32 $0xA200;
	s0 =	sld [smem:$0x7F9]  }
0x202: {  	[hbm4b:s8+s2] =	stream.linear.scatter [tilespmem:s17], [sflag:$0x4], $0x2000, $0x38;
	[tilespmem:$0x10200] =	vst v63  }
0x203: {  	s8 =	sld [smem:$0x7FA]  }
0x204: {  	[hbm4b:s0+s2] =	stream.linear.scatter [tilespmem:s18], [sflag:$0x4], $0x2000, $0x38;
	[tilespmem:$0x10200] =	vst v63  }
0x205: {  	_ = 	snop  }
0x206: {  	[hbm4b:s8+s2] =	stream.linear.scatter [tilespmem:s19], [sflag:$0x4], $0x2000, $0x38;
	[tilespmem:$0x10200] =	vst v63  }
0x207: {  	_ =	swait.ge [sflag:s7], $0x2000  }
0x208: {  	[sflag:s7] =	ssyncset.done $0x0  }
0x209: {  	[sflag:s7] =	ssyncadd.s32 $0xFFFFE000  }
0x20a: {  	_ =	swait.ge [sflag:s7], $0x2000  }
0x20b: {  	[sflag:s7] =	ssyncset.done $0x0  }
0x20c: {  	[sflag:s7] =	ssyncadd.s32 $0xFFFFE000  }
0x20d: {  	_ =	swait.ge [sflag:s7], $0x2000  }
0x20e: {  	[sflag:s7] =	ssyncset.done $0x0  }
0x20f: {  	[sflag:s7] =	ssyncadd.s32 $0xFFFFE000  }
0x210: {  	_ =	swait.ge [sflag:s7], $0x2000  }
0x211: {  	s0 =	sld [smem:$0x7FB]  }
0x212: {  	[sflag:s7] =	ssyncset.done $0x0  }
0x213: {  	[sflag:s7] =	ssyncadd.s32 $0xFFFFE000  }
0x214: {  	[tilespmem:s29], [sflag:$0x5] =	stream.linear.gather [hbm4b:s0+s2], $0x40, $0x38;
	[tilespmem:$0x10200] =	vst v63  }
0x215: {  	_ =	swait.ge [sflag:s28], $0x40  }
0x216: {  	s0 =	sld [smem:$0x7FC]  }
0x217: {  	[sflag:s28] =	ssyncset.done $0x0  }
0x218: {  	s8 =	smov.u32 s9;
	s9 =	smov.u32 s10;
	[sflag:s28] =	ssyncadd.s32 $0xFFFFFFC0  }
0x219: {  	[tilespmem:s30], [sflag:$0x5] =	stream.linear.gather [hbm4b:s0+s2], $0x40, $0x38;
	[tilespmem:$0x10200] =	vst v63  }
0x21a: {  	s10 =	smov.u32 s11;
	s11 =	smov.u32 s13;
	_ =	swait.ge [sflag:s28], $0x40  }
0x21b: {  	s13 =	smov.u32 s14;
	s14 =	smov.u32 s15;
	[sflag:s28] =	ssyncset.done $0x0  }
0x21c: {  	s15 =	smov.u32 s16;
	s16 =	simm.s32 $0x8200;
	[sflag:s28] =	ssyncadd.s32 $0xFFFFFFC0  }
0x21d: {  	[tilespmem:s16], [sflag:$0x2] =	stream.indirect.gather [hbm4b:s3+s25], $0x80, s29, s25, $0xb8;
	[tilespmem:$0x10200] =	vst v63  }
0x21e: {  	_ = 	snop  }
0x21f: {  	[tilespmem:s17], [sflag:$0x2] =	stream.indirect.gather [hbm4b:s4+s25], $0x80, s30, s25, $0xb8;
	[tilespmem:$0x10200] =	vst v63  }
0x220: {  	_ = 	snop  }
0x221: {  	[tilespmem:s18], [sflag:$0x2] =	stream.indirect.gather [hbm4b:s5+s25], $0x80, s29, s25, $0xb8;
	[tilespmem:$0x10200] =	vst v63  }
0x222: {  	_ = 	snop  }
0x223: {  	[tilespmem:s19], [sflag:$0x2] =	stream.indirect.gather [hbm4b:s6+s25], $0x80, s30, s25, $0xb8;
	[tilespmem:$0x10200] =	vst v63  }
0x224: {  	_ =	swait.ge [sflag:s26], $0x2000  }
0x225: {  	[sflag:s26] =	ssyncset.done $0x0  }
0x226: {  	[sflag:s26] =	ssyncadd.s32 $0xFFFFE000  }
0x227: {  	_ =	swait.ge [sflag:s26], $0x2000  }
0x228: {  	[sflag:s26] =	ssyncset.done $0x0  }
0x229: {  	[sflag:s26] =	ssyncadd.s32 $0xFFFFE000  }
0x22a: {  	_ =	swait.ge [sflag:s26], $0x2000  }
0x22b: {  	[sflag:s26] =	ssyncset.done $0x0  }
0x22c: {  	[sflag:s26] =	ssyncadd.s32 $0xFFFFE000  }
0x22d: {  	_ =	swait.ge [sflag:s26], $0x2000  }
0x22e: {  	s0 =	sld [smem:$0x7FD]  }
0x22f: {  	[sflag:s26] =	ssyncset.done $0x0  }
0x230: {  	[sflag:s26] =	ssyncadd.s32 $0xFFFFE000  }
0x231: {  	[hbm4b:s0+s2] =	stream.linear.scatter [tilespmem:s20], [sflag:$0x3], $0x2000, $0x38;
	[tilespmem:$0x10200] =	vst v63  }
0x232: {  	_ = 	snop  }
0x233: {  	[hbm4b:s13+s2] =	stream.linear.scatter [tilespmem:s21], [sflag:$0x3], $0x2000, $0x38;
	[tilespmem:$0x10200] =	vst v63  }
0x234: {  	_ = 	snop  }
0x235: {  	[hbm4b:s14+s2] =	stream.linear.scatter [tilespmem:s22], [sflag:$0x3], $0x2000, $0x38;
	[tilespmem:$0x10200] =	vst v63  }
0x236: {  	_ = 	snop  }
0x237: {  	[hbm4b:s15+s2] =	stream.linear.scatter [tilespmem:s23], [sflag:$0x3], $0x2000, $0x38;
	[tilespmem:$0x10200] =	vst v63  }
0x238: {  	_ =	swait.ge [sflag:s24], $0x2000  }
0x239: {  	[sflag:s24] =	ssyncset.done $0x0  }
0x23a: {  	[sflag:s24] =	ssyncadd.s32 $0xFFFFE000  }
0x23b: {  	_ =	swait.ge [sflag:s24], $0x2000  }
0x23c: {  	[sflag:s24] =	ssyncset.done $0x0  }
0x23d: {  	[sflag:s24] =	ssyncadd.s32 $0xFFFFE000  }
0x23e: {  	_ =	swait.ge [sflag:s24], $0x2000  }
0x23f: {  	[sflag:s24] =	ssyncset.done $0x0  }
0x240: {  	[sflag:s24] =	ssyncadd.s32 $0xFFFFE000  }
0x241: {  	_ =	swait.ge [sflag:s24], $0x2000  }
0x242: {  	[sflag:s24] =	ssyncset.done $0x0  }
0x243: {  	[sflag:s24] =	ssyncadd.s32 $0xFFFFE000  }
0x244: {  	[hbm4b:s8+s2] =	stream.linear.scatter [tilespmem:s16], [sflag:$0x4], $0x2000, $0x38;
	[tilespmem:$0x10200] =	vst v63  }
0x245: {  	_ = 	snop  }
0x246: {  	[hbm4b:s9+s2] =	stream.linear.scatter [tilespmem:s17], [sflag:$0x4], $0x2000, $0x38;
	[tilespmem:$0x10200] =	vst v63  }
0x247: {  	_ = 	snop  }
0x248: {  	[hbm4b:s10+s2] =	stream.linear.scatter [tilespmem:s18], [sflag:$0x4], $0x2000, $0x38;
	[tilespmem:$0x10200] =	vst v63  }
0x249: {  	_ = 	snop  }
0x24a: {  	[hbm4b:s11+s2] =	stream.linear.scatter [tilespmem:s19], [sflag:$0x4], $0x2000, $0x38;
	[tilespmem:$0x10200] =	vst v63  }
0x24b: {  	_ =	swait.ge [sflag:s12], $0x2000  }
0x24c: {  	[sflag:s12] =	ssyncset.done $0x0  }
0x24d: {  	[sflag:s12] =	ssyncadd.s32 $0xFFFFE000  }
0x24e: {  	_ =	swait.ge [sflag:s12], $0x2000  }
0x24f: {  	[sflag:s12] =	ssyncset.done $0x0  }
0x250: {  	[sflag:s12] =	ssyncadd.s32 $0xFFFFE000  }
0x251: {  	_ =	swait.ge [sflag:s12], $0x2000  }
0x252: {  	[sflag:s12] =	ssyncset.done $0x0  }
0x253: {  	[sflag:s12] =	ssyncadd.s32 $0xFFFFE000  }
0x254: {  	_ =	swait.ge [sflag:s12], $0x2000  }
0x255: {  	[sflag:s12] =	ssyncset.done $0x0  }
0x256: {  	[sflag:s12] =	ssyncadd.s32 $0xFFFFE000  }
0x257: {  	_ =	swait.ge [sflag:s7], $0x2000  }
0x258: {  	[sflag:s7] =	ssyncset.done $0x0  }
0x259: {  	[sflag:s7] =	ssyncadd.s32 $0xFFFFE000  }
0x25a: {  	_ =	swait.ge [sflag:s7], $0x2000  }
0x25b: {  	[sflag:s7] =	ssyncset.done $0x0  }
0x25c: {  	p1 =	sne.s32 s1, $0x1;
	[sflag:s7] =	ssyncadd.s32 $0xFFFFE000  }
.Ltmp2:
0x25d: {  	_ =	swait.ge [sflag:s7], $0x2000;
	(pc) =	sbr.rel @p1 .LBB2_2-.Ltmp2, $4  }
0x25e: {  	[sflag:s7] =	ssyncset.done $0x0  }
0x25f: {  	[sflag:s7] =	ssyncadd.s32 $0xFFFFE000  }
0x260: {  	_ =	swait.ge [sflag:s7], $0x2000  }
0x261: {  	s1 =	sadd.s32 $0xFFFFFFFF, s1;
	s0 =	rddreg [dreg:$0x8];
	[sflag:s7] =	ssyncset.done $0x0  }
.LBB2_3:
0x262: {  	[sflag:s7] =	ssyncadd.s32 @p0 $0xFFFFE000  }
0x263: {  	[tilespmem:s2], [sflag:$0x5] =	stream.linear.gather [hbm4b:s0+s2], $0x40, $0x38;
	[tilespmem:$0x10200] =	vst v63  }
0x264: {  	_ =	swait.ge [sflag:s28], $0x40  }
0x265: {  	[sflag:s28] =	ssyncset.done $0x0  }
0x266: {  	s1 =	rddreg [dreg:$0x9];
	[sflag:s28] =	ssyncadd.s32 $0xFFFFFFC0  }
0x267: {  	[tilespmem:s31], [sflag:$0x5] =	stream.linear.gather [hbm4b:s1+s2], $0x40, $0x38;
	[tilespmem:$0x10200] =	vst v63  }
0x268: {  	_ =	swait.ge [sflag:s28], $0x40  }
0x269: {  	[sflag:s28] =	ssyncset.done $0x0  }
0x26a: {  	[sflag:s28] =	ssyncadd.s32 $0xFFFFFFC0  }
0x26b: {  	[tilespmem:s20], [sflag:$0x1] =	stream.indirect.gather [hbm4b:s3+s25], $0x80, s2, s25, $0xb8;
	[tilespmem:$0x10200] =	vst v63  }
0x26c: {  	_ = 	snop  }
0x26d: {  	[tilespmem:s21], [sflag:$0x1] =	stream.indirect.gather [hbm4b:s4+s25], $0x80, s31, s25, $0xb8;
	[tilespmem:$0x10200] =	vst v63  }
0x26e: {  	_ = 	snop  }
0x26f: {  	[tilespmem:s22], [sflag:$0x1] =	stream.indirect.gather [hbm4b:s5+s25], $0x80, s2, s25, $0xb8;
	[tilespmem:$0x10200] =	vst v63  }
0x270: {  	_ = 	snop  }
0x271: {  	[tilespmem:s23], [sflag:$0x1] =	stream.indirect.gather [hbm4b:s6+s25], $0x80, s31, s25, $0xb8;
	[tilespmem:$0x10200] =	vst v63  }
0x272: {  	s1 =	rddreg [dreg:$0xa]  }
0x273: {  	[tilespmem:s29], [sflag:$0x5] =	stream.linear.gather [hbm4b:s1+s2], $0x40, $0x38;
	[tilespmem:$0x10200] =	vst v63  }
0x274: {  	_ =	swait.ge [sflag:s28], $0x40  }
0x275: {  	[sflag:s28] =	ssyncset.done $0x0  }
0x276: {  	s1 =	rddreg [dreg:$0xb];
	[sflag:s28] =	ssyncadd.s32 $0xFFFFFFC0  }
0x277: {  	[tilespmem:s30], [sflag:$0x5] =	stream.linear.gather [hbm4b:s1+s2], $0x40, $0x38;
	[tilespmem:$0x10200] =	vst v63  }
0x278: {  	_ =	swait.ge [sflag:s28], $0x40  }
0x279: {  	[sflag:s28] =	ssyncset.done $0x0  }
0x27a: {  	[sflag:s28] =	ssyncadd.s32 $0xFFFFFFC0  }
0x27b: {  	[tilespmem:s16], [sflag:$0x2] =	stream.indirect.gather [hbm4b:s3+s25], $0x80, s29, s25, $0xb8;
	[tilespmem:$0x10200] =	vst v63  }
0x27c: {  	_ = 	snop  }
0x27d: {  	[tilespmem:s17], [sflag:$0x2] =	stream.indirect.gather [hbm4b:s4+s25], $0x80, s30, s25, $0xb8;
	[tilespmem:$0x10200] =	vst v63  }
0x27e: {  	_ = 	snop  }
0x27f: {  	[tilespmem:s18], [sflag:$0x2] =	stream.indirect.gather [hbm4b:s5+s25], $0x80, s29, s25, $0xb8;
	[tilespmem:$0x10200] =	vst v63  }
0x280: {  	_ = 	snop  }
0x281: {  	[tilespmem:s19], [sflag:$0x2] =	stream.indirect.gather [hbm4b:s6+s25], $0x80, s30, s25, $0xb8;
	[tilespmem:$0x10200] =	vst v63  }
0x282: {  	_ =	swait.ge [sflag:s26], $0x2000  }
0x283: {  	[sflag:s26] =	ssyncset.done $0x0  }
0x284: {  	[sflag:s26] =	ssyncadd.s32 $0xFFFFE000  }
0x285: {  	_ =	swait.ge [sflag:s26], $0x2000  }
0x286: {  	[sflag:s26] =	ssyncset.done $0x0  }
0x287: {  	[sflag:s26] =	ssyncadd.s32 $0xFFFFE000  }
0x288: {  	_ =	swait.ge [sflag:s26], $0x2000  }
0x289: {  	[sflag:s26] =	ssyncset.done $0x0  }
0x28a: {  	[sflag:s26] =	ssyncadd.s32 $0xFFFFE000  }
0x28b: {  	_ =	swait.ge [sflag:s26], $0x2000  }
0x28c: {  	[sflag:s26] =	ssyncset.done $0x0  }
0x28d: {  	s0 =	rddreg [dreg:$0xc];
	[sflag:s26] =	ssyncadd.s32 $0xFFFFE000  }
0x28e: {  	[hbm4b:s0+s2] =	stream.linear.scatter [tilespmem:s20], [sflag:$0x3], $0x2000, $0x38;
	[tilespmem:$0x10200] =	vst v63  }
0x28f: {  	s1 =	rddreg [dreg:$0xd]  }
0x290: {  	[hbm4b:s1+s2] =	stream.linear.scatter [tilespmem:s21], [sflag:$0x3], $0x2000, $0x38;
	[tilespmem:$0x10200] =	vst v63  }
0x291: {  	s0 =	rddreg [dreg:$0xe]  }
0x292: {  	[hbm4b:s0+s2] =	stream.linear.scatter [tilespmem:s22], [sflag:$0x3], $0x2000, $0x38;
	[tilespmem:$0x10200] =	vst v63  }
0x293: {  	s1 =	rddreg [dreg:$0xf]  }
0x294: {  	[hbm4b:s1+s2] =	stream.linear.scatter [tilespmem:s23], [sflag:$0x3], $0x2000, $0x38;
	[tilespmem:$0x10200] =	vst v63  }
0x295: {  	_ =	swait.ge [sflag:s12], $0x2000  }
0x296: {  	[sflag:s12] =	ssyncset.done $0x0  }
0x297: {  	[sflag:s12] =	ssyncadd.s32 $0xFFFFE000  }
0x298: {  	_ =	swait.ge [sflag:s12], $0x2000  }
0x299: {  	[sflag:s12] =	ssyncset.done $0x0  }
0x29a: {  	[sflag:s12] =	ssyncadd.s32 $0xFFFFE000  }
0x29b: {  	_ =	swait.ge [sflag:s12], $0x2000  }
0x29c: {  	[sflag:s12] =	ssyncset.done $0x0  }
0x29d: {  	[sflag:s12] =	ssyncadd.s32 $0xFFFFE000  }
0x29e: {  	_ =	swait.ge [sflag:s12], $0x2000  }
0x29f: {  	[sflag:s12] =	ssyncset.done $0x0  }
0x2a0: {  	s1 =	rddreg [dreg:$0x10];
	[sflag:s12] =	ssyncadd.s32 $0xFFFFE000  }
0x2a1: {  	[tilespmem:s2], [sflag:$0x5] =	stream.linear.gather [hbm4b:s1+s2], $0x40, $0x38;
	[tilespmem:$0x10200] =	vst v63  }
0x2a2: {  	_ =	swait.ge [sflag:s28], $0x40  }
0x2a3: {  	[sflag:s28] =	ssyncset.done $0x0  }
0x2a4: {  	s1 =	rddreg [dreg:$0x11];
	[sflag:s28] =	ssyncadd.s32 $0xFFFFFFC0  }
0x2a5: {  	[tilespmem:s31], [sflag:$0x5] =	stream.linear.gather [hbm4b:s1+s2], $0x40, $0x38;
	[tilespmem:$0x10200] =	vst v63  }
0x2a6: {  	_ =	swait.ge [sflag:s28], $0x40  }
0x2a7: {  	[sflag:s28] =	ssyncset.done $0x0  }
0x2a8: {  	[sflag:s28] =	ssyncadd.s32 $0xFFFFFFC0  }
0x2a9: {  	[tilespmem:s20], [sflag:$0x1] =	stream.indirect.gather [hbm4b:s3+s25], $0x80, s2, s25, $0xb8;
	[tilespmem:$0x10200] =	vst v63  }
0x2aa: {  	_ = 	snop  }
0x2ab: {  	[tilespmem:s21], [sflag:$0x1] =	stream.indirect.gather [hbm4b:s4+s25], $0x80, s31, s25, $0xb8;
	[tilespmem:$0x10200] =	vst v63  }
0x2ac: {  	_ = 	snop  }
0x2ad: {  	[tilespmem:s22], [sflag:$0x1] =	stream.indirect.gather [hbm4b:s5+s25], $0x80, s2, s25, $0xb8;
	[tilespmem:$0x10200] =	vst v63  }
0x2ae: {  	_ = 	snop  }
0x2af: {  	[tilespmem:s23], [sflag:$0x1] =	stream.indirect.gather [hbm4b:s6+s25], $0x80, s31, s25, $0xb8;
	[tilespmem:$0x10200] =	vst v63  }
0x2b0: {  	_ =	swait.ge [sflag:s24], $0x2000  }
0x2b1: {  	[sflag:s24] =	ssyncset.done $0x0  }
0x2b2: {  	[sflag:s24] =	ssyncadd.s32 $0xFFFFE000  }
0x2b3: {  	_ =	swait.ge [sflag:s24], $0x2000  }
0x2b4: {  	[sflag:s24] =	ssyncset.done $0x0  }
0x2b5: {  	[sflag:s24] =	ssyncadd.s32 $0xFFFFE000  }
0x2b6: {  	_ =	swait.ge [sflag:s24], $0x2000  }
0x2b7: {  	[sflag:s24] =	ssyncset.done $0x0  }
0x2b8: {  	[sflag:s24] =	ssyncadd.s32 $0xFFFFE000  }
0x2b9: {  	_ =	swait.ge [sflag:s24], $0x2000  }
0x2ba: {  	[sflag:s24] =	ssyncset.done $0x0  }
0x2bb: {  	s0 =	rddreg [dreg:$0x12];
	[sflag:s24] =	ssyncadd.s32 $0xFFFFE000  }
0x2bc: {  	[hbm4b:s0+s2] =	stream.linear.scatter [tilespmem:s16], [sflag:$0x4], $0x2000, $0x38;
	[tilespmem:$0x10200] =	vst v63  }
0x2bd: {  	s1 =	rddreg [dreg:$0x13]  }
0x2be: {  	[hbm4b:s1+s2] =	stream.linear.scatter [tilespmem:s17], [sflag:$0x4], $0x2000, $0x38;
	[tilespmem:$0x10200] =	vst v63  }
0x2bf: {  	s0 =	rddreg [dreg:$0x14]  }
0x2c0: {  	[hbm4b:s0+s2] =	stream.linear.scatter [tilespmem:s18], [sflag:$0x4], $0x2000, $0x38;
	[tilespmem:$0x10200] =	vst v63  }
0x2c1: {  	s1 =	rddreg [dreg:$0x15]  }
0x2c2: {  	[hbm4b:s1+s2] =	stream.linear.scatter [tilespmem:s19], [sflag:$0x4], $0x2000, $0x38;
	[tilespmem:$0x10200] =	vst v63  }
0x2c3: {  	_ =	swait.ge [sflag:s7], $0x2000  }
0x2c4: {  	[sflag:s7] =	ssyncset.done $0x0  }
0x2c5: {  	[sflag:s7] =	ssyncadd.s32 $0xFFFFE000  }
0x2c6: {  	_ =	swait.ge [sflag:s7], $0x2000  }
0x2c7: {  	[sflag:s7] =	ssyncset.done $0x0  }
0x2c8: {  	[sflag:s7] =	ssyncadd.s32 $0xFFFFE000  }
0x2c9: {  	_ =	swait.ge [sflag:s7], $0x2000  }
0x2ca: {  	[sflag:s7] =	ssyncset.done $0x0  }
0x2cb: {  	[sflag:s7] =	ssyncadd.s32 $0xFFFFE000  }
0x2cc: {  	_ =	swait.ge [sflag:s7], $0x2000  }
0x2cd: {  	[sflag:s7] =	ssyncset.done $0x0  }
0x2ce: {  	s1 =	rddreg [dreg:$0x16];
	[sflag:s7] =	ssyncadd.s32 $0xFFFFE000  }
0x2cf: {  	[tilespmem:s29], [sflag:$0x5] =	stream.linear.gather [hbm4b:s1+s2], $0x40, $0x38;
	[tilespmem:$0x10200] =	vst v63  }
0x2d0: {  	_ =	swait.ge [sflag:s28], $0x40  }
0x2d1: {  	[sflag:s28] =	ssyncset.done $0x0  }
0x2d2: {  	s1 =	rddreg [dreg:$0x17];
	[sflag:s28] =	ssyncadd.s32 $0xFFFFFFC0  }
0x2d3: {  	[tilespmem:s30], [sflag:$0x5] =	stream.linear.gather [hbm4b:s1+s2], $0x40, $0x38;
	[tilespmem:$0x10200] =	vst v63  }
0x2d4: {  	_ =	swait.ge [sflag:s28], $0x40  }
0x2d5: {  	[sflag:s28] =	ssyncset.done $0x0  }
0x2d6: {  	[sflag:s28] =	ssyncadd.s32 $0xFFFFFFC0  }
0x2d7: {  	[tilespmem:s16], [sflag:$0x2] =	stream.indirect.gather [hbm4b:s3+s25], $0x80, s29, s25, $0xb8;
	[tilespmem:$0x10200] =	vst v63  }
0x2d8: {  	_ = 	snop  }
0x2d9: {  	[tilespmem:s17], [sflag:$0x2] =	stream.indirect.gather [hbm4b:s4+s25], $0x80, s30, s25, $0xb8;
	[tilespmem:$0x10200] =	vst v63  }
0x2da: {  	_ = 	snop  }
0x2db: {  	[tilespmem:s18], [sflag:$0x2] =	stream.indirect.gather [hbm4b:s5+s25], $0x80, s29, s25, $0xb8;
	[tilespmem:$0x10200] =	vst v63  }
0x2dc: {  	_ = 	snop  }
0x2dd: {  	[tilespmem:s19], [sflag:$0x2] =	stream.indirect.gather [hbm4b:s6+s25], $0x80, s30, s25, $0xb8;
	[tilespmem:$0x10200] =	vst v63  }
0x2de: {  	_ =	swait.ge [sflag:s26], $0x2000  }
0x2df: {  	[sflag:s26] =	ssyncset.done $0x0  }
0x2e0: {  	[sflag:s26] =	ssyncadd.s32 $0xFFFFE000  }
0x2e1: {  	_ =	swait.ge [sflag:s26], $0x2000  }
0x2e2: {  	[sflag:s26] =	ssyncset.done $0x0  }
0x2e3: {  	[sflag:s26] =	ssyncadd.s32 $0xFFFFE000  }
0x2e4: {  	_ =	swait.ge [sflag:s26], $0x2000  }
0x2e5: {  	[sflag:s26] =	ssyncset.done $0x0  }
0x2e6: {  	[sflag:s26] =	ssyncadd.s32 $0xFFFFE000  }
0x2e7: {  	_ =	swait.ge [sflag:s26], $0x2000  }
0x2e8: {  	[sflag:s26] =	ssyncset.done $0x0  }
0x2e9: {  	s0 =	rddreg [dreg:$0x18];
	[sflag:s26] =	ssyncadd.s32 $0xFFFFE000  }
0x2ea: {  	[hbm4b:s0+s2] =	stream.linear.scatter [tilespmem:s20], [sflag:$0x3], $0x2000, $0x38;
	[tilespmem:$0x10200] =	vst v63  }
0x2eb: {  	s1 =	rddreg [dreg:$0x19]  }
0x2ec: {  	[hbm4b:s1+s2] =	stream.linear.scatter [tilespmem:s21], [sflag:$0x3], $0x2000, $0x38;
	[tilespmem:$0x10200] =	vst v63  }
0x2ed: {  	s0 =	rddreg [dreg:$0x1a]  }
0x2ee: {  	[hbm4b:s0+s2] =	stream.linear.scatter [tilespmem:s22], [sflag:$0x3], $0x2000, $0x38;
	[tilespmem:$0x10200] =	vst v63  }
0x2ef: {  	s1 =	rddreg [dreg:$0x1b]  }
0x2f0: {  	[hbm4b:s1+s2] =	stream.linear.scatter [tilespmem:s23], [sflag:$0x3], $0x2000, $0x38;
	[tilespmem:$0x10200] =	vst v63  }
0x2f1: {  	_ =	swait.ge [sflag:s12], $0x2000  }
0x2f2: {  	[sflag:s12] =	ssyncset.done $0x0  }
0x2f3: {  	[sflag:s12] =	ssyncadd.s32 $0xFFFFE000  }
0x2f4: {  	_ =	swait.ge [sflag:s12], $0x2000  }
0x2f5: {  	[sflag:s12] =	ssyncset.done $0x0  }
0x2f6: {  	[sflag:s12] =	ssyncadd.s32 $0xFFFFE000  }
0x2f7: {  	_ =	swait.ge [sflag:s12], $0x2000  }
0x2f8: {  	[sflag:s12] =	ssyncset.done $0x0  }
0x2f9: {  	[sflag:s12] =	ssyncadd.s32 $0xFFFFE000  }
0x2fa: {  	_ =	swait.ge [sflag:s12], $0x2000  }
0x2fb: {  	[sflag:s12] =	ssyncset.done $0x0  }
0x2fc: {  	s1 =	rddreg [dreg:$0x1c];
	[sflag:s12] =	ssyncadd.s32 $0xFFFFE000  }
0x2fd: {  	[tilespmem:s2], [sflag:$0x5] =	stream.linear.gather [hbm4b:s1+s2], $0x40, $0x38;
	[tilespmem:$0x10200] =	vst v63  }
0x2fe: {  	_ =	swait.ge [sflag:s28], $0x40  }
0x2ff: {  	[sflag:s28] =	ssyncset.done $0x0  }
0x300: {  	s1 =	rddreg [dreg:$0x1d];
	[sflag:s28] =	ssyncadd.s32 $0xFFFFFFC0  }
0x301: {  	[tilespmem:s31], [sflag:$0x5] =	stream.linear.gather [hbm4b:s1+s2], $0x40, $0x38;
	[tilespmem:$0x10200] =	vst v63  }
0x302: {  	_ =	swait.ge [sflag:s28], $0x40  }
0x303: {  	[sflag:s28] =	ssyncset.done $0x0  }
0x304: {  	[sflag:s28] =	ssyncadd.s32 $0xFFFFFFC0  }
0x305: {  	[tilespmem:s20], [sflag:$0x1] =	stream.indirect.gather [hbm4b:s3+s25], $0x80, s2, s25, $0xb8;
	[tilespmem:$0x10200] =	vst v63  }
0x306: {  	_ = 	snop  }
0x307: {  	[tilespmem:s21], [sflag:$0x1] =	stream.indirect.gather [hbm4b:s4+s25], $0x80, s31, s25, $0xb8;
	[tilespmem:$0x10200] =	vst v63  }
0x308: {  	_ = 	snop  }
0x309: {  	[tilespmem:s22], [sflag:$0x1] =	stream.indirect.gather [hbm4b:s5+s25], $0x80, s2, s25, $0xb8;
	[tilespmem:$0x10200] =	vst v63  }
0x30a: {  	_ = 	snop  }
0x30b: {  	[tilespmem:s23], [sflag:$0x1] =	stream.indirect.gather [hbm4b:s6+s25], $0x80, s31, s25, $0xb8;
	[tilespmem:$0x10200] =	vst v63  }
0x30c: {  	_ =	swait.ge [sflag:s24], $0x2000  }
0x30d: {  	[sflag:s24] =	ssyncset.done $0x0  }
0x30e: {  	[sflag:s24] =	ssyncadd.s32 $0xFFFFE000  }
0x30f: {  	_ =	swait.ge [sflag:s24], $0x2000  }
0x310: {  	[sflag:s24] =	ssyncset.done $0x0  }
0x311: {  	[sflag:s24] =	ssyncadd.s32 $0xFFFFE000  }
0x312: {  	_ =	swait.ge [sflag:s24], $0x2000  }
0x313: {  	[sflag:s24] =	ssyncset.done $0x0  }
0x314: {  	[sflag:s24] =	ssyncadd.s32 $0xFFFFE000  }
0x315: {  	_ =	swait.ge [sflag:s24], $0x2000  }
0x316: {  	s1 =	rddreg [dreg:$0x1e];
	[sflag:s24] =	ssyncset.done $0x0  }
0x317: {  	s31 =	rddreg [dreg:$0x1f];
	[sflag:s24] =	ssyncadd.s32 $0xFFFFE000  }
0x318: {  	[hbm4b:s1+s2] =	stream.linear.scatter [tilespmem:s16], [sflag:$0x4], $0x2000, $0x38;
	[tilespmem:$0x10200] =	vst v63  }
0x319: {  	s0 =	sld [smem:$0x7F9]  }
0x31a: {  	[hbm4b:s31+s2] =	stream.linear.scatter [tilespmem:s17], [sflag:$0x4], $0x2000, $0x38;
	[tilespmem:$0x10200] =	vst v63  }
0x31b: {  	s31 =	sld [smem:$0x7FA]  }
0x31c: {  	[hbm4b:s0+s2] =	stream.linear.scatter [tilespmem:s18], [sflag:$0x4], $0x2000, $0x38;
	[tilespmem:$0x10200] =	vst v63  }
0x31d: {  	_ = 	snop  }
0x31e: {  	[hbm4b:s31+s2] =	stream.linear.scatter [tilespmem:s19], [sflag:$0x4], $0x2000, $0x38;
	[tilespmem:$0x10200] =	vst v63  }
0x31f: {  	_ =	swait.ge [sflag:s7], $0x2000  }
0x320: {  	[sflag:s7] =	ssyncset.done $0x0  }
0x321: {  	[sflag:s7] =	ssyncadd.s32 $0xFFFFE000  }
0x322: {  	_ =	swait.ge [sflag:s7], $0x2000  }
0x323: {  	[sflag:s7] =	ssyncset.done $0x0  }
0x324: {  	[sflag:s7] =	ssyncadd.s32 $0xFFFFE000  }
0x325: {  	_ =	swait.ge [sflag:s7], $0x2000  }
0x326: {  	[sflag:s7] =	ssyncset.done $0x0  }
0x327: {  	[sflag:s7] =	ssyncadd.s32 $0xFFFFE000  }
0x328: {  	_ =	swait.ge [sflag:s7], $0x2000  }
0x329: {  	s31 =	sld [smem:$0x7FB]  }
0x32a: {  	[sflag:s7] =	ssyncset.done $0x0  }
0x32b: {  	[sflag:s7] =	ssyncadd.s32 $0xFFFFE000  }
0x32c: {  	[tilespmem:s29], [sflag:$0x5] =	stream.linear.gather [hbm4b:s31+s2], $0x40, $0x38;
	[tilespmem:$0x10200] =	vst v63  }
0x32d: {  	_ =	swait.ge [sflag:s28], $0x40  }
0x32e: {  	s1 =	sld [smem:$0x7FC]  }
0x32f: {  	[sflag:s28] =	ssyncset.done $0x0  }
0x330: {  	[sflag:s28] =	ssyncadd.s32 $0xFFFFFFC0  }
0x331: {  	[tilespmem:s30], [sflag:$0x5] =	stream.linear.gather [hbm4b:s1+s2], $0x40, $0x38;
	[tilespmem:$0x10200] =	vst v63  }
0x332: {  	_ =	swait.ge [sflag:s28], $0x40  }
0x333: {  	[sflag:s28] =	ssyncset.done $0x0  }
0x334: {  	[sflag:s28] =	ssyncadd.s32 $0xFFFFFFC0  }
0x335: {  	[tilespmem:s16], [sflag:$0x2] =	stream.indirect.gather [hbm4b:s3+s25], $0x80, s29, s25, $0xb8;
	[tilespmem:$0x10200] =	vst v63  }
0x336: {  	_ = 	snop  }
0x337: {  	[tilespmem:s17], [sflag:$0x2] =	stream.indirect.gather [hbm4b:s4+s25], $0x80, s30, s25, $0xb8;
	[tilespmem:$0x10200] =	vst v63  }
0x338: {  	_ = 	snop  }
0x339: {  	[tilespmem:s18], [sflag:$0x2] =	stream.indirect.gather [hbm4b:s5+s25], $0x80, s29, s25, $0xb8;
	[tilespmem:$0x10200] =	vst v63  }
0x33a: {  	_ = 	snop  }
0x33b: {  	[tilespmem:s19], [sflag:$0x2] =	stream.indirect.gather [hbm4b:s6+s25], $0x80, s30, s25, $0xb8;
	[tilespmem:$0x10200] =	vst v63  }
0x33c: {  	_ =	swait.ge [sflag:s26], $0x2000  }
0x33d: {  	[sflag:s26] =	ssyncset.done $0x0  }
0x33e: {  	[sflag:s26] =	ssyncadd.s32 $0xFFFFE000  }
0x33f: {  	_ =	swait.ge [sflag:s26], $0x2000  }
0x340: {  	[sflag:s26] =	ssyncset.done $0x0  }
0x341: {  	[sflag:s26] =	ssyncadd.s32 $0xFFFFE000  }
0x342: {  	_ =	swait.ge [sflag:s26], $0x2000  }
0x343: {  	[sflag:s26] =	ssyncset.done $0x0  }
0x344: {  	[sflag:s26] =	ssyncadd.s32 $0xFFFFE000  }
0x345: {  	_ =	swait.ge [sflag:s26], $0x2000  }
0x346: {  	s30 =	sld [smem:$0x7FD]  }
0x347: {  	[sflag:s26] =	ssyncset.done $0x0  }
0x348: {  	[sflag:s26] =	ssyncadd.s32 $0xFFFFE000  }
0x349: {  	[hbm4b:s30+s2] =	stream.linear.scatter [tilespmem:s20], [sflag:$0x3], $0x2000, $0x38;
	[tilespmem:$0x10200] =	vst v63  }
0x34a: {  	_ = 	snop  }
0x34b: {  	[hbm4b:s13+s2] =	stream.linear.scatter [tilespmem:s21], [sflag:$0x3], $0x2000, $0x38;
	[tilespmem:$0x10200] =	vst v63  }
0x34c: {  	_ = 	snop  }
0x34d: {  	[hbm4b:s14+s2] =	stream.linear.scatter [tilespmem:s22], [sflag:$0x3], $0x2000, $0x38;
	[tilespmem:$0x10200] =	vst v63  }
0x34e: {  	_ = 	snop  }
0x34f: {  	[hbm4b:s15+s2] =	stream.linear.scatter [tilespmem:s23], [sflag:$0x3], $0x2000, $0x38;
	[tilespmem:$0x10200] =	vst v63  }
0x350: {  	_ =	swait.ge [sflag:s24], $0x2000  }
0x351: {  	[sflag:s24] =	ssyncset.done $0x0  }
0x352: {  	[sflag:s24] =	ssyncadd.s32 $0xFFFFE000  }
0x353: {  	_ =	swait.ge [sflag:s24], $0x2000  }
0x354: {  	[sflag:s24] =	ssyncset.done $0x0  }
0x355: {  	[sflag:s24] =	ssyncadd.s32 $0xFFFFE000  }
0x356: {  	_ =	swait.ge [sflag:s24], $0x2000  }
0x357: {  	[sflag:s24] =	ssyncset.done $0x0  }
0x358: {  	[sflag:s24] =	ssyncadd.s32 $0xFFFFE000  }
0x359: {  	_ =	swait.ge [sflag:s24], $0x2000  }
0x35a: {  	[sflag:s24] =	ssyncset.done $0x0  }
0x35b: {  	[sflag:s24] =	ssyncadd.s32 $0xFFFFE000  }
0x35c: {  	[hbm4b:s8+s2] =	stream.linear.scatter [tilespmem:s16], [sflag:$0x4], $0x2000, $0x38;
	[tilespmem:$0x10200] =	vst v63  }
0x35d: {  	_ = 	snop  }
0x35e: {  	[hbm4b:s9+s2] =	stream.linear.scatter [tilespmem:s17], [sflag:$0x4], $0x2000, $0x38;
	[tilespmem:$0x10200] =	vst v63  }
0x35f: {  	_ = 	snop  }
0x360: {  	[hbm4b:s10+s2] =	stream.linear.scatter [tilespmem:s18], [sflag:$0x4], $0x2000, $0x38;
	[tilespmem:$0x10200] =	vst v63  }
0x361: {  	_ = 	snop  }
0x362: {  	[hbm4b:s11+s2] =	stream.linear.scatter [tilespmem:s19], [sflag:$0x4], $0x2000, $0x38;
	[tilespmem:$0x10200] =	vst v63  }
0x363: {  	_ =	swait.ge [sflag:s12], $0x2000  }
0x364: {  	[sflag:s12] =	ssyncset.done $0x0  }
0x365: {  	[sflag:s12] =	ssyncadd.s32 $0xFFFFE000  }
0x366: {  	_ =	swait.ge [sflag:s12], $0x2000  }
0x367: {  	[sflag:s12] =	ssyncset.done $0x0  }
0x368: {  	[sflag:s12] =	ssyncadd.s32 $0xFFFFE000  }
0x369: {  	_ =	swait.ge [sflag:s12], $0x2000  }
0x36a: {  	[sflag:s12] =	ssyncset.done $0x0  }
0x36b: {  	[sflag:s12] =	ssyncadd.s32 $0xFFFFE000  }
0x36c: {  	_ =	swait.ge [sflag:s12], $0x2000  }
0x36d: {  	[sflag:s12] =	ssyncset.done $0x0  }
0x36e: {  	[sflag:s12] =	ssyncadd.s32 $0xFFFFE000  }
0x36f: {  	_ =	swait.ge [sflag:s7], $0x2000  }
0x370: {  	[sflag:s7] =	ssyncset.done $0x0  }
0x371: {  	[sflag:s7] =	ssyncadd.s32 $0xFFFFE000  }
0x372: {  	_ =	swait.ge [sflag:s7], $0x2000  }
0x373: {  	[sflag:s7] =	ssyncset.done $0x0  }
0x374: {  	[sflag:s7] =	ssyncadd.s32 $0xFFFFE000  }
0x375: {  	_ =	swait.ge [sflag:s7], $0x2000  }
0x376: {  	[sflag:s7] =	ssyncset.done $0x0  }
0x377: {  	[sflag:s7] =	ssyncadd.s32 $0xFFFFE000  }
0x378: {  	_ =	swait.ge [sflag:s7], $0x2000  }
0x379: {  	[sflag:s7] =	ssyncset.done $0x0  }
0x37a: {  	[sflag:s7] =	ssyncadd.s32 $0xFFFFE000  }
0x37b: {  	_ =	sfence.sel $0x180000  }
0x37c: {  	[bflag:$0x0] =	sbarrier.arrive $0xFFFF  }
0x37d: {  	_ =	strace $0x90000047  }
0x37e: {  	s31 =	stileid.u32;
	[bflag:$0x2] =	sbarrier.arrive $0xFFFF  }
0x37f: {  	p0 =	sne.s32 s31, $0x0;
	s0 =	rddreg [dreg:$0x7]  }
0x380: {  	s0 =	sadd.s32 @!p0 $0x100000, s0  }
0x381: {  	[sflag:s0] =	ssyncadd.tile.s32 @!p0 $0x1;
	_ =	shalt  }
.Lfunc_end2:
_tile_overlayer_lowered:
.L_overlay_start_2:
0x382: {  	(tag) =	ssettag $0x2  }
0x383: {  	s0 =	rddreg [dreg:$0x0];
	s2 =	stileid.u32  }
0x384: {  	s1 =	rddreg [dreg:$0x1];
	p0 =	sne.s32 s2, $0x0  }
0x385: {  	s3 =	rddreg [dreg:$0x2];
	[bflag:$0x3] =	sbarrier.arrive $0xFFFF;
	s2 =	simm.s32 @!p0 $0x1C05  }
0x386: {  	[timem:s3], [sflag:s2] =	dma.local @!p0 [hbm:s0], s1  }
0x387: {  	s0 =	simm.s32 @!p0 $0x5  }
0x388: {  	_ =	swait.ge @!p0 [sflag:s0], s1  }
0x389: {  	s1 =	ssub.s32 @!p0 $0x0, s1;
	[sflag:s0] =	ssyncset.done @!p0 $0x0  }
0x38a: {  	[sflag:s0] =	ssyncadd.s32 @!p0 s1  }
0x38b: {  	[bflag:$0x3] =	sbarrier.arrive $0xFFFF  }
0x38c: {  	_ =	shalt  }

// kernel: kernel.9.cloned.1.call-start
scs
__scs_entry_jumppad:
0x0: {  	(pc) =	sbr.rel $0x88, $3  }
0x1: {  	(tag) =	ssettag $0x0;
	lr =	simm.s32 $0x1  }
0x2: {  	[smem:$0x3F94] =	sst lr;
	_ =	strace $0xD0000000  }
0x3: {  	_ = 	snop  }
0x4: {  	_ = 	snop  }
0x5: {  	_ = 	snop  }
0x6: {  	_ = 	snop  }
0x7: {  	_ = 	snop  }
__scs_overlays_trampoline_lowered:
0x8: {  	[smem:$0x3FA3] =	sst s0  }
0x9: {  	[smem:$0x3FA4] =	sst s1  }
0xa: {  	[smem:$0x3FA5] =	sst s2  }
0xb: {  	[smem:$0x3FA6] =	sst s3  }
0xc: {  	[smem:$0x3FA7] =	sst s4  }
0xd: {  	[smem:$0x3FA8] =	sst s5  }
0xe: {  	[smem:$0x3FA9] =	sst s6  }
0xf: {  	[smem:$0x3FAA] =	sst s7  }
0x10: {  	[smem:$0x3FAB] =	sst s8  }
0x11: {  	[smem:$0x3FAC] =	sst s9;
	s0 =	simm.s32 @!p0 $0x0  }
0x12: {  	s1 =	sld [smem:$0x3F92];
	s0 =	simm.s32 @p0 $0x1  }
0x13: {  	[smem:$0x3FAD] =	sst s0;
	s0 =	simm.s32 @!p1 $0x0  }
0x14: {  	s2 =	sld [smem:$0x3F91];
	s0 =	simm.s32 @p1 $0x1  }
0x15: {  	[smem:$0x3FAE] =	sst s0;
	s0 =	simm.s32 @!p2 $0x0  }
0x16: {  	s3 =	sld [smem:$0x3FDB];
	s0 =	simm.s32 @p2 $0x1  }
0x17: {  	s4 =	simm.s32 $0x1BF5;
	[smem:$0x3FB0] =	sst s0  }
0x18: {  	s0 =	sld [smem:$0x3F93];
	_ =	swait.ge [sflag:s4], $0x0  }
0x19: {  	s7 =	sld [smem:$0x3F94]  }
0x1a: {  	s8 =	sadd.s32 $0xFFFFE003, lr  }
0x1b: {  	s9 =	sadd.s32 $0xFFFFFEF7, lr;
	s5 =	simm.s32 $0xFFFFFFFF;
	p2 =	slt.u32 s8, $0xFFFFF086  }
0x1c: {  	p1 =	slt.u32 s9, $0xF7A;
	s5 =	simm.s32 @!p2 $0x0  }
0x1d: {  	s5 =	simm.s32 @p1 $0x1;
	p0 =	seq.s32 s7, s2  }
0x1e: {  	s7 =	smul.u32 @!p0 $0xF7A, s2;
	p2 =	seq.s32 @!p0 s5, $0x0  }
0x1f: {  	s9 =	smul.u32 $0xF7A, s1;
	s8 =	simm.s32 @!p0 $0x1BF5;
	p2 =	por !p2, p0  }
0x20: {  	[sflag:s8] =	ssyncset.s32 @!p0 $0xFFFFF086;
	s6 =	sadd.s32 @!p0 s3, s7;
	s7 =	simm.s32 @!p0 $0x108  }
0x21: {  	s3 =	sadd.s32 s3, s9;
	s6 =	sadd.s32 @!p0 $0x88, s6;
	s7 =	simm.s32 @p2 $0x1082  }
0x22: {  	[simem:s7], [sflag:s8] =	dma.local @!p0 [hbm:s6], $0xF7A  }
0x23: {  	s9 =	sor.u32 $0xD0000000, s2;
	s6 =	simm.s32 $0x108;
	_ =	swait.ge @!p0 [sflag:s8], $0x0  }
0x24: {  	s3 =	sadd.s32 $0x88, s3;
	s6 =	simm.s32 @!p1 $0x1082;
	[sflag:s4] =	ssyncset.s32 $0xFFFFF086  }
0x25: {  	[simem:s6], [sflag:s4] =	dma.local [hbm:s3], $0xF7A  }
0x26: {  	[smem:$0x3F94] =	sst s1;
	(tag) =	ssettag s2;
	_ =	strace s9  }
0x27: {  	s1 =	sld [smem:$0x3FA4]  }
0x28: {  	s2 =	sld [smem:$0x3FA5]  }
0x29: {  	s4 =	sld [smem:$0x3FA7]  }
0x2a: {  	p0 =	seq.s32 s5, $0x0;
	s5 =	sld [smem:$0x3FA8]  }
0x2b: {  	s6 =	sld [smem:$0x3FA9]  }
0x2c: {  	s7 =	sld [smem:$0x3FAA]  }
0x2d: {  	s3 =	simm.s32 $0x108;
	s8 =	sld [smem:$0x3FAB]  }
0x2e: {  	s3 =	simm.s32 @!p0 $0x1082;
	s9 =	sld [smem:$0x3FAC]  }
0x2f: {  	lr =	sadd.s32 s0, s3;
	s0 =	sld [smem:$0x3FA3]  }
0x30: {  	s3 =	sld [smem:$0x3FA6]  }
0x31: {  	[smem:$0x3FAF] =	sst s10  }
0x32: {  	s10 =	sld [smem:$0x3FAD];
	_ =	sdelay $0x3  }
0x33: {  	p0 =	seq.s32 s10, $0x1;
	s10 =	sld [smem:$0x3FAF];
	_ =	sdelay $0x3  }
0x34: {  	[smem:$0x3FAF] =	sst s10  }
0x35: {  	s10 =	sld [smem:$0x3FAE];
	_ =	sdelay $0x3  }
0x36: {  	p1 =	seq.s32 s10, $0x1;
	s10 =	sld [smem:$0x3FAF];
	_ =	sdelay $0x3  }
0x37: {  	[smem:$0x3FAF] =	sst s10  }
0x38: {  	s10 =	sld [smem:$0x3FB0]  }
0x39: {  	_ = 	snop;
	(pc) =	sbr.ind lr, $3  }
0x3a: {  	_ = 	snop  }
0x3b: {  	_ = 	snop  }
0x3c: {  	p2 =	seq.s32 s10, $0x1;
	s10 =	sld [smem:$0x3FAF]  }
0x3d: {  	_ =	shalt  }
0x3e: {  	_ =	shalt  }
0x3f: {  	_ =	shalt  }
0x40: {  	_ =	shalt  }
0x41: {  	_ =	shalt  }
0x42: {  	_ =	shalt  }
0x43: {  	_ =	shalt  }
0x44: {  	_ =	shalt  }
0x45: {  	_ =	shalt  }
0x46: {  	_ =	shalt  }
0x47: {  	_ =	shalt  }
0x48: {  	_ =	shalt  }
0x49: {  	_ =	shalt  }
0x4a: {  	_ =	shalt  }
0x4b: {  	_ =	shalt  }
0x4c: {  	_ =	shalt  }
0x4d: {  	_ =	shalt  }
0x4e: {  	_ =	shalt  }
0x4f: {  	_ =	shalt  }
0x50: {  	_ =	shalt  }
0x51: {  	_ =	shalt  }
0x52: {  	_ =	shalt  }
0x53: {  	_ =	shalt  }
0x54: {  	_ =	shalt  }
0x55: {  	_ =	shalt  }
0x56: {  	_ =	shalt  }
0x57: {  	_ =	shalt  }
0x58: {  	_ =	shalt  }
0x59: {  	_ =	shalt  }
0x5a: {  	_ =	shalt  }
0x5b: {  	_ =	shalt  }
0x5c: {  	_ =	shalt  }
0x5d: {  	_ =	shalt  }
0x5e: {  	_ =	shalt  }
0x5f: {  	_ =	shalt  }
0x60: {  	_ =	shalt  }
0x61: {  	_ =	shalt  }
0x62: {  	_ =	shalt  }
0x63: {  	_ =	shalt  }
0x64: {  	_ =	shalt  }
0x65: {  	_ =	shalt  }
0x66: {  	_ =	shalt  }
0x67: {  	_ =	shalt  }
0x68: {  	_ =	shalt  }
0x69: {  	_ =	shalt  }
0x6a: {  	_ =	shalt  }
0x6b: {  	_ =	shalt  }
0x6c: {  	_ =	shalt  }
0x6d: {  	_ =	shalt  }
0x6e: {  	_ =	shalt  }
0x6f: {  	_ =	shalt  }
0x70: {  	_ =	shalt  }
0x71: {  	_ =	shalt  }
0x72: {  	_ =	shalt  }
0x73: {  	_ =	shalt  }
0x74: {  	_ =	shalt  }
0x75: {  	_ =	shalt  }
0x76: {  	_ =	shalt  }
0x77: {  	_ =	shalt  }
0x78: {  	_ =	shalt  }
0x79: {  	_ =	shalt  }
0x7a: {  	_ =	shalt  }
0x7b: {  	_ =	shalt  }
0x7c: {  	_ =	shalt  }
0x7d: {  	_ =	shalt  }
0x7e: {  	_ =	shalt  }
0x7f: {  	_ =	shalt  }
0x80: {  	_ =	shalt  }
0x81: {  	_ =	shalt  }
0x82: {  	_ =	shalt  }
0x83: {  	_ =	shalt  }
0x84: {  	_ =	shalt  }
0x85: {  	_ =	shalt  }
0x86: {  	_ =	shalt  }
0x87: {  	_ =	shalt  }
.Lfunc_end0:
.L_simem_size_0:
called_computation.1_lowered:
.L_overlay_start_0:
0x88: {  	s2 =	sld [smem:$0x3FD9]  }
0x89: {  	s3 =	sld [smem:$0x3FFE];
	_ =	sdelay $0x1  }
0x8a: {  	s1 =	srdreg.scid  }
0x8b: {  	s0 =	sand.u32 $0x1, s1  }
0x8c: {  	s17 =	sshll.u32 s0, $0xA;
	s2 =	sadd.s32 s3, s2  }
0x8d: {  	s2 =	sadd.s32 s2, s17  }
0x8e: {  	[smem:$0x3FBB] =	sst s2  }
0x8f: {  	_ = 	snop  }
0x90: {  	s18 =	sld [smem:$0x3FC9]  }
0x91: {  	s4 =	sld [smem:$0x3FC8]  }
0x92: {  	s5 =	sld [smem:$0x3FC7]  }
0x93: {  	s6 =	sld [smem:$0x3FC6]  }
0x94: {  	s7 =	sld [smem:$0x3FC5]  }
0x95: {  	s8 =	sld [smem:$0x3FC4];
	(tm) =	ssettm $0x1  }
0x96: {  	s19 =	sld [smem:$0x3FFB];
	_ =	sdelay $0x3  }
0x97: {  	_ =	strace s19  }
0x98: {  	s2 =	sld [smem:$0x3FFC];
	_ =	sdelay $0x3  }
0x99: {  	_ =	strace s2  }
0x9a: {  	s2 =	sld [smem:$0x3FFD];
	_ =	sdelay $0x3  }
0x9b: {  	_ =	strace s2  }
0x9c: {  	_ =	strace $0x8FFFFFFF  }
0x9d: {  	s20 =	sld [smem:$0x3FDB];
	_ =	sdelay $0x1  }
0x9e: {  	s9 =	simm.s32 $_scs_section_size  }
0x9f: {  	s10 =	simm.s32 $_size__tile_overlayer_lowered;
	s11 =	simm.s32 $_tile_overlayer_lowered  }
0xa0: {  	s12 =	simm.s32 $0x1BFF;
	s21 =	sshll.u32 s11, $0x1;
	s9 =	sadd.s32 s9, s20  }
0xa1: {  	s22 =	simm.s32 $0x0;
	s10 =	sshll.u32 s10, $0x1;
	s11 =	sadd.s32 s21, s9  }
0xa2: {  	[timem:s22], [sflag:s12] =	dma.local [hbm:s11], s10  }
0xa3: {  	_ =	swait.ge [sflag:s12], s10  }
0xa4: {  	s10 =	ssub.s32 $0x0, s10;
	[sflag:s12] =	ssyncset.done $0x0  }
0xa5: {  	[sflag:s12] =	ssyncadd.s32 s10;
	_ =	sdelay $0x1  }
0xa6: {  	s23 =	simm.s32 $0x1B8B  }
0xa7: {  	_ =	swait.ge [sflag:s23], $0x1  }
0xa8: {  	[sflag:s23] =	ssyncset.done $0x0  }
0xa9: {  	[sflag:s23] =	ssyncadd.s32 $0xFFFFFFFF  }
0xaa: {  	s10 =	sld [smem:$0x0]  }
0xab: {  	s11 =	sand.u32 $0xFFFFFFFE, s1  }
0xac: {  	p0 =	sne.s32 s1, s11  }
0xad: {  	s11 =	sshll.u32 @p0 s11, $0xE  }
0xae: {  	s11 =	sadd.s32 @p0 $0x11B8D, s11;
	s12 =	sshll.u32 @p0 s10, $0x11  }
0xaf: {  	s11 =	sor.u32 @p0 s12, s11  }
0xb0: {  	[sflag:s11] =	ssyncadd.remote.s32 @p0 $0x1;
	_ =	sdelay $0x1  }
0xb1: {  	s11 =	simm.s32 @p0 $0x1B8D  }
0xb2: {  	_ =	swait.eq @p0 [sflag:s11], $0x1  }
0xb3: {  	[sflag:s11] =	ssyncadd.s32 @p0 $0xFFFFFFFF  }
0xb4: {  	s12 =	sshll.u32 @!p0 s1, $0xE  }
0xb5: {  	s12 =	sor.u32 @!p0 $0x4000, s12;
	s11 =	simm.s32 @!p0 $0x1B8D  }
0xb6: {  	s10 =	sshll.u32 @!p0 s10, $0x11;
	s12 =	sadd.s32 @!p0 $0x11B8D, s12;
	_ =	swait.eq @!p0 [sflag:s11], $0x1  }
0xb7: {  	s10 =	sor.u32 @!p0 s10, s12;
	[sflag:s11] =	ssyncadd.s32 @!p0 $0xFFFFFFFF  }
0xb8: {  	s25 =	simm.s32 $0x1B8E;
	s24 =	sld [smem:$0x3FFE];
	[sflag:s10] =	ssyncadd.remote.s32 @!p0 $0x1  }
0xb9: {  	s26 =	simm.s32 $execute0_lowered;
	[smem:$0x3FD2] =	sst s25  }
0xba: {  	s11 =	sshll.u32 s26, $0x1;
	_ =	strace $0x80000049;
	[dreg:$0x1] =	wrdreg $0xFFFFFFFF  }
0xbb: {  	s28 =	simm.s32 $_size_execute0_lowered;
	s9 =	sadd.s32 s9, s11;
	[dreg:$0x0] =	wrdreg $0x0  }
0xbc: {  	s11 =	sshll.u32 s28, $0x1;
	[dreg:$0x2] =	wrdreg s9  }
0xbd: {  	[dreg:$0x3] =	wrdreg s11  }
0xbe: {  	[dreg:$0x4] =	wrdreg $0xC0  }
0xbf: {  	_ =	task [dreg:s22], $0x5FFFF  }
0xc0: {  	[dreg:$0x1] =	wrdreg $0xFFFFFFFF  }
0xc1: {  	[dreg:$0x0] =	wrdreg $0x60  }
0xc2: {  	[dreg:$0x2] =	wrdreg s18  }
0xc3: {  	[dreg:$0x3] =	wrdreg s4  }
0xc4: {  	[dreg:$0x4] =	wrdreg s5  }
0xc5: {  	[dreg:$0x5] =	wrdreg s6  }
0xc6: {  	[dreg:$0x6] =	wrdreg s7  }
0xc7: {  	[dreg:$0x7] =	wrdreg s8  }
0xc8: {  	[dreg:$0x8] =	wrdreg s24  }
0xc9: {  	[dreg:$0x9] =	wrdreg $0xA  }
0xca: {  	_ =	task.clear_ibuf [dreg:s22], $0xAFFFF;
	_ =	strace $0x90000049  }
0xcb: {  	s29 =	simm.s32 $0xA;
	_ =	strace $0x8000004B  }
0xcc: {  	_ =	swait.ge [sflag:s29], $0x1  }
0xcd: {  	[sflag:s29] =	ssyncadd.s32 $0xFFFFFFFF  }
0xce: {  	_ =	strace $0x9000004B  }
0xcf: {  	_ =	sfence  }
0xd0: {  	s30 =	sld [smem:$0x0];
	_ =	sdelay $0x2  }
0xd1: {  	s31 =	sshll.u32 s1, $0xD;
	s1 =	sshrl.u32 s1, $0x2  }
0xd2: {  	s4 =	sand.u32 $0x4000, s31;
	s1 =	sadd.s32 s1, s30  }
0xd3: {  	s0 =	sor.u32 s4, s0;
	s1 =	sshll.u32 s1, $0x11  }
0xd4: {  	s0 =	sor.u32 s1, s0  }
0xd5: {  	s0 =	sadd.s32 $0x8F2B, s0  }
0xd6: {  	[sflag:s0] =	ssyncadd.remote.s32 $0x1  }
0xd7: {  	_ =	sfence.sel $0xFFFF  }
0xd8: {  	[dreg:$0x0] =	wrdreg $0xFFFFFFFF;
	(pc) =	sbr.abs _section_cstart, $3  }
0xd9: {  	[dreg:$0x1] =	wrdreg $0xFFFFFFFF  }
0xda: {  	_ =	task.clear_ibuf [dreg:s22], $0x2FFFF;
	_ =	strace $0x9FFFFFFF  }
0xdb: {  	(tm) =	ssettm $0x7FFFFFFF  }
tec
execute0_lowered:
.L_overlay_start_1:
0x0: {  	(tag) =	ssettag $0x1  }
0x1: {  	s0 =	rddreg [dreg:$0x0]  }
0x2: {  	s1 =	rddreg [dreg:$0x1]  }
0x3: {  	s3 =	rddreg [dreg:$0x2]  }
0x4: {  	s4 =	rddreg [dreg:$0x3]  }
0x5: {  	s5 =	rddreg [dreg:$0x4];
	s2 =	srdreg.scid  }
0x6: {  	s6 =	rddreg [dreg:$0x5];
	s9 =	stileid.u32  }
0x7: {  	s8 =	rddreg [dreg:$0x6];
	s28 =	simm.s32 $0x5;
	s31 =	simm.s32 $0x80  }
0x8: {  	s29 =	simm.s32 $0x8100;
	s30 =	simm.s32 $0x8180;
	p0 =	por $0x0, $0x0  }
0x9: {  	s18 =	simm.s32 $0xC200;
	s19 =	simm.s32 $0xE200;
	s7 =	sand.u32 $0x1, s2  }
0xa: {  	s9 =	sshll.u32 s9, $0x8;
	s2 =	simm.s32 $0x0;
	s11 =	sadd.s32 $0xC2A00, s8  }
0xb: {  	s16 =	sadd.s32 $0xD2A00, s8;
	s17 =	sadd.s32 $0xE2A00, s8;
	s24 =	sadd.s32 $0xF2A00, s8  }
0xc: {  	s10 =	sshll.u32 s7, $0x7;
	[smem:$0x7FF] =	sst s2;
	s7 =	ssub.s32 $0x2, s7  }
0xd: {  	s9 =	sor.u32 s10, s9;
	_ =	strace $0x8000004A;
	s22 =	sshrl.u32 s7, $0x1  }
0xe: {  	s10 =	sshrl.u32 s9, $0x3;
	s21 =	sshll.u32 s9, $0x4;
	s7 =	ssub.s32 s7, s22  }
0xf: {  	s22 =	simm.s32 $0x2100;
	s12 =	sor.u32 $0x600, s10;
	s10 =	sor.u32 $0x608, s10  }
0x10: {  	s23 =	sadd.s32 s11, s21;
	s14 =	sadd.s32 s17, s21;
	s25 =	sor.u32 $0x400, s21  }
0x11: {  	s15 =	sadd.s32 s24, s21;
	s26 =	smax.u32 s7, $0x1;
	s7 =	simm.s32 $0x4  }
0x12: {  	s13 =	sadd.s32 s0, s12;
	s12 =	sadd.s32 s1, s12;
	s0 =	sadd.s32 s0, s10  }
0x13: {  	s20 =	sadd.s32 s1, s10;
	[dreg:$0xc] =	wrdreg s23;
	s8 =	sadd.s32 s11, s25  }
0x14: {  	s9 =	sadd.s32 s16, s25;
	s10 =	sadd.s32 s17, s25;
	s11 =	sadd.s32 s24, s25  }
0x15: {  	s25 =	simm.s32 $0x40;
	p1 =	sne.s32 s26, $0x1;
	[dreg:$0x8] =	wrdreg s13  }
.Ltmp0:
0x16: {  	s23 =	simm.s32 $0x4100;
	[dreg:$0x9] =	wrdreg s12;
	(pc) =	sbr.rel @!p1 .LBB2_3-.Ltmp0, $4  }
0x17: {  	s24 =	simm.s32 $0x6100;
	s17 =	simm.s32 $0xA200;
	[dreg:$0xa] =	wrdreg s0  }
0x18: {  	s1 =	sadd.s32 $0xFFFFFFFF, s26;
	s26 =	simm.s32 $0x1;
	[dreg:$0xb] =	wrdreg s20  }
0x19: {  	s13 =	sadd.s32 s16, s21;
	s21 =	simm.s32 $0x100;
	s16 =	simm.s32 $0x8200  }
0x1a: {  	s20 =	simm.s32 $0x2;
	s12 =	simm.s32 $0x3;
	s0 =	rddreg [dreg:$0x8]  }
0x1b: {  	[tilespmem:s2], [sflag:$0x5] =	stream.linear.gather [hbm4b:s0+s2], $0x40, $0x38;
	[tilespmem:$0x10200] =	vst v63  }
0x1c: {  	_ =	swait.ge [sflag:s28], $0x40  }
0x1d: {  	[sflag:s28] =	ssyncset.done $0x0  }
0x1e: {  	s0 =	rddreg [dreg:$0x9];
	[sflag:s28] =	ssyncadd.s32 $0xFFFFFFC0  }
0x1f: {  	[tilespmem:s31], [sflag:$0x5] =	stream.linear.gather [hbm4b:s0+s2], $0x40, $0x38;
	[tilespmem:$0x10200] =	vst v63  }
0x20: {  	_ =	swait.ge [sflag:s28], $0x40  }
0x21: {  	[sflag:s28] =	ssyncset.done $0x0  }
0x22: {  	[sflag:s28] =	ssyncadd.s32 $0xFFFFFFC0  }
0x23: {  	[tilespmem:s21], [sflag:$0x1] =	stream.indirect.gather [hbm4b:s3+s25], $0x80, s2, s25, $0xb8;
	[tilespmem:$0x10200] =	vst v63  }
0x24: {  	_ = 	snop  }
0x25: {  	[tilespmem:s22], [sflag:$0x1] =	stream.indirect.gather [hbm4b:s4+s25], $0x80, s31, s25, $0xb8;
	[tilespmem:$0x10200] =	vst v63  }
0x26: {  	_ = 	snop  }
0x27: {  	[tilespmem:s23], [sflag:$0x1] =	stream.indirect.gather [hbm4b:s5+s25], $0x80, s2, s25, $0xb8;
	[tilespmem:$0x10200] =	vst v63  }
0x28: {  	_ = 	snop  }
0x29: {  	[tilespmem:s24], [sflag:$0x1] =	stream.indirect.gather [hbm4b:s6+s25], $0x80, s31, s25, $0xb8;
	[tilespmem:$0x10200] =	vst v63  }
0x2a: {  	s0 =	rddreg [dreg:$0xa]  }
0x2b: {  	[tilespmem:s29], [sflag:$0x5] =	stream.linear.gather [hbm4b:s0+s2], $0x40, $0x38;
	[tilespmem:$0x10200] =	vst v63  }
0x2c: {  	_ =	swait.ge [sflag:s28], $0x40  }
0x2d: {  	[sflag:s28] =	ssyncset.done $0x0  }
0x2e: {  	s0 =	rddreg [dreg:$0xb];
	[sflag:s28] =	ssyncadd.s32 $0xFFFFFFC0  }
0x2f: {  	[tilespmem:s30], [sflag:$0x5] =	stream.linear.gather [hbm4b:s0+s2], $0x40, $0x38;
	[tilespmem:$0x10200] =	vst v63  }
0x30: {  	_ =	swait.ge [sflag:s28], $0x40  }
0x31: {  	[sflag:s28] =	ssyncset.done $0x0  }
0x32: {  	[sflag:s28] =	ssyncadd.s32 $0xFFFFFFC0  }
0x33: {  	[tilespmem:s16], [sflag:$0x2] =	stream.indirect.gather [hbm4b:s3+s25], $0x80, s29, s25, $0xb8;
	[tilespmem:$0x10200] =	vst v63  }
0x34: {  	_ = 	snop  }
0x35: {  	[tilespmem:s17], [sflag:$0x2] =	stream.indirect.gather [hbm4b:s4+s25], $0x80, s30, s25, $0xb8;
	[tilespmem:$0x10200] =	vst v63  }
0x36: {  	_ = 	snop  }
0x37: {  	[tilespmem:s18], [sflag:$0x2] =	stream.indirect.gather [hbm4b:s5+s25], $0x80, s29, s25, $0xb8;
	[tilespmem:$0x10200] =	vst v63  }
0x38: {  	_ = 	snop  }
0x39: {  	[tilespmem:s19], [sflag:$0x2] =	stream.indirect.gather [hbm4b:s6+s25], $0x80, s30, s25, $0xb8;
	[tilespmem:$0x10200] =	vst v63  }
0x3a: {  	_ =	swait.ge [sflag:s26], $0x2000  }
0x3b: {  	[sflag:s26] =	ssyncset.done $0x0  }
0x3c: {  	[sflag:s26] =	ssyncadd.s32 $0xFFFFE000  }
0x3d: {  	_ =	swait.ge [sflag:s26], $0x2000  }
0x3e: {  	[sflag:s26] =	ssyncset.done $0x0  }
0x3f: {  	[sflag:s26] =	ssyncadd.s32 $0xFFFFE000  }
0x40: {  	_ =	swait.ge [sflag:s26], $0x2000  }
0x41: {  	[sflag:s26] =	ssyncset.done $0x0  }
0x42: {  	[sflag:s26] =	ssyncadd.s32 $0xFFFFE000  }
0x43: {  	_ =	swait.ge [sflag:s26], $0x2000  }
0x44: {  	[sflag:s26] =	ssyncset.done $0x0  }
0x45: {  	s0 =	rddreg [dreg:$0xc];
	[sflag:s26] =	ssyncadd.s32 $0xFFFFE000  }
0x46: {  	[hbm4b:s0+s2] =	stream.linear.scatter [tilespmem:s21], [sflag:$0x3], $0x2000, $0x38;
	[tilespmem:$0x10200] =	vst v63  }
0x47: {  	_ = 	snop  }
0x48: {  	[hbm4b:s13+s2] =	stream.linear.scatter [tilespmem:s22], [sflag:$0x3], $0x2000, $0x38;
	[tilespmem:$0x10200] =	vst v63  }
0x49: {  	_ = 	snop  }
0x4a: {  	[hbm4b:s14+s2] =	stream.linear.scatter [tilespmem:s23], [sflag:$0x3], $0x2000, $0x38;
	[tilespmem:$0x10200] =	vst v63  }
0x4b: {  	_ = 	snop  }
0x4c: {  	[hbm4b:s15+s2] =	stream.linear.scatter [tilespmem:s24], [sflag:$0x3], $0x2000, $0x38;
	[tilespmem:$0x10200] =	vst v63  }
0x4d: {  	_ =	swait.ge [sflag:s20], $0x2000  }
0x4e: {  	[sflag:s20] =	ssyncset.done $0x0  }
0x4f: {  	[sflag:s20] =	ssyncadd.s32 $0xFFFFE000  }
0x50: {  	_ =	swait.ge [sflag:s20], $0x2000  }
0x51: {  	[sflag:s20] =	ssyncset.done $0x0  }
0x52: {  	[sflag:s20] =	ssyncadd.s32 $0xFFFFE000  }
0x53: {  	_ =	swait.ge [sflag:s20], $0x2000  }
0x54: {  	[sflag:s20] =	ssyncset.done $0x0  }
0x55: {  	[sflag:s20] =	ssyncadd.s32 $0xFFFFE000  }
0x56: {  	_ =	swait.ge [sflag:s20], $0x2000  }
0x57: {  	[sflag:s20] =	ssyncset.done $0x0  }
0x58: {  	[sflag:s20] =	ssyncadd.s32 $0xFFFFE000  }
0x59: {  	[hbm4b:s8+s2] =	stream.linear.scatter [tilespmem:s16], [sflag:$0x4], $0x2000, $0x38;
	[tilespmem:$0x10200] =	vst v63  }
0x5a: {  	_ = 	snop  }
0x5b: {  	[hbm4b:s9+s2] =	stream.linear.scatter [tilespmem:s17], [sflag:$0x4], $0x2000, $0x38;
	[tilespmem:$0x10200] =	vst v63  }
0x5c: {  	_ = 	snop  }
0x5d: {  	[hbm4b:s10+s2] =	stream.linear.scatter [tilespmem:s18], [sflag:$0x4], $0x2000, $0x38;
	[tilespmem:$0x10200] =	vst v63  }
0x5e: {  	_ = 	snop  }
0x5f: {  	[hbm4b:s11+s2] =	stream.linear.scatter [tilespmem:s19], [sflag:$0x4], $0x2000, $0x38;
	[tilespmem:$0x10200] =	vst v63  }
0x60: {  	_ =	swait.ge [sflag:s12], $0x2000  }
0x61: {  	[sflag:s12] =	ssyncset.done $0x0  }
0x62: {  	[sflag:s12] =	ssyncadd.s32 $0xFFFFE000  }
0x63: {  	_ =	swait.ge [sflag:s12], $0x2000  }
0x64: {  	[sflag:s12] =	ssyncset.done $0x0  }
0x65: {  	[sflag:s12] =	ssyncadd.s32 $0xFFFFE000  }
0x66: {  	_ =	swait.ge [sflag:s12], $0x2000  }
0x67: {  	[sflag:s12] =	ssyncset.done $0x0  }
0x68: {  	[sflag:s12] =	ssyncadd.s32 $0xFFFFE000  }
0x69: {  	_ =	swait.ge [sflag:s12], $0x2000  }
0x6a: {  	[sflag:s12] =	ssyncset.done $0x0  }
0x6b: {  	[sflag:s12] =	ssyncadd.s32 $0xFFFFE000  }
0x6c: {  	_ =	swait.ge [sflag:s7], $0x2000  }
0x6d: {  	[sflag:s7] =	ssyncset.done $0x0  }
0x6e: {  	[sflag:s7] =	ssyncadd.s32 $0xFFFFE000  }
0x6f: {  	_ =	swait.ge [sflag:s7], $0x2000  }
0x70: {  	[sflag:s7] =	ssyncset.done $0x0  }
0x71: {  	p1 =	sne.s32 s1, $0x1;
	[sflag:s7] =	ssyncadd.s32 $0xFFFFE000  }
.Ltmp1:
0x72: {  	_ =	swait.ge [sflag:s7], $0x2000;
	(pc) =	sbr.rel @!p1 .LBB2_3-.Ltmp1, $4  }
0x73: {  	[sflag:s7] =	ssyncset.done $0x0  }
0x74: {  	[sflag:s7] =	ssyncadd.s32 $0xFFFFE000  }
0x75: {  	s1 =	sadd.s32 $0xFFFFFFFF, s1;
	_ =	swait.ge [sflag:s7], $0x2000  }
0x76: {  	p0 =	por $0x1, $0x1;
	s0 =	rddreg [dreg:$0x8];
	[sflag:s7] =	ssyncset.done $0x0  }
.LBB2_2:
0x77: {  	[sflag:s7] =	ssyncadd.s32 $0xFFFFE000  }
0x78: {  	[tilespmem:s2], [sflag:$0x5] =	stream.linear.gather [hbm4b:s0+s2], $0x40, $0x38;
	[tilespmem:$0x10200] =	vst v63  }
0x79: {  	_ =	swait.ge [sflag:s28], $0x40  }
0x7a: {  	[sflag:s28] =	ssyncset.done $0x0  }
0x7b: {  	s0 =	rddreg [dreg:$0x9];
	[sflag:s28] =	ssyncadd.s32 $0xFFFFFFC0  }
0x7c: {  	[tilespmem:s31], [sflag:$0x5] =	stream.linear.gather [hbm4b:s0+s2], $0x40, $0x38;
	[tilespmem:$0x10200] =	vst v63  }
0x7d: {  	_ =	swait.ge [sflag:s28], $0x40  }
0x7e: {  	[sflag:s28] =	ssyncset.done $0x0  }
0x7f: {  	[sflag:s28] =	ssyncadd.s32 $0xFFFFFFC0  }
0x80: {  	[tilespmem:s21], [sflag:$0x1] =	stream.indirect.gather [hbm4b:s3+s25], $0x80, s2, s25, $0xb8;
	[tilespmem:$0x10200] =	vst v63  }
0x81: {  	_ = 	snop  }
0x82: {  	[tilespmem:s22], [sflag:$0x1] =	stream.indirect.gather [hbm4b:s4+s25], $0x80, s31, s25, $0xb8;
	[tilespmem:$0x10200] =	vst v63  }
0x83: {  	_ = 	snop  }
0x84: {  	[tilespmem:s23], [sflag:$0x1] =	stream.indirect.gather [hbm4b:s5+s25], $0x80, s2, s25, $0xb8;
	[tilespmem:$0x10200] =	vst v63  }
0x85: {  	_ = 	snop  }
0x86: {  	[tilespmem:s24], [sflag:$0x1] =	stream.indirect.gather [hbm4b:s6+s25], $0x80, s31, s25, $0xb8;
	[tilespmem:$0x10200] =	vst v63  }
0x87: {  	s0 =	rddreg [dreg:$0xa]  }
0x88: {  	[tilespmem:s29], [sflag:$0x5] =	stream.linear.gather [hbm4b:s0+s2], $0x40, $0x38;
	[tilespmem:$0x10200] =	vst v63  }
0x89: {  	_ =	swait.ge [sflag:s28], $0x40  }
0x8a: {  	[sflag:s28] =	ssyncset.done $0x0  }
0x8b: {  	s0 =	rddreg [dreg:$0xb];
	[sflag:s28] =	ssyncadd.s32 $0xFFFFFFC0  }
0x8c: {  	[tilespmem:s30], [sflag:$0x5] =	stream.linear.gather [hbm4b:s0+s2], $0x40, $0x38;
	[tilespmem:$0x10200] =	vst v63  }
0x8d: {  	_ =	swait.ge [sflag:s28], $0x40  }
0x8e: {  	[sflag:s28] =	ssyncset.done $0x0  }
0x8f: {  	[sflag:s28] =	ssyncadd.s32 $0xFFFFFFC0  }
0x90: {  	[tilespmem:s16], [sflag:$0x2] =	stream.indirect.gather [hbm4b:s3+s25], $0x80, s29, s25, $0xb8;
	[tilespmem:$0x10200] =	vst v63  }
0x91: {  	_ = 	snop  }
0x92: {  	[tilespmem:s17], [sflag:$0x2] =	stream.indirect.gather [hbm4b:s4+s25], $0x80, s30, s25, $0xb8;
	[tilespmem:$0x10200] =	vst v63  }
0x93: {  	_ = 	snop  }
0x94: {  	[tilespmem:s18], [sflag:$0x2] =	stream.indirect.gather [hbm4b:s5+s25], $0x80, s29, s25, $0xb8;
	[tilespmem:$0x10200] =	vst v63  }
0x95: {  	_ = 	snop  }
0x96: {  	[tilespmem:s19], [sflag:$0x2] =	stream.indirect.gather [hbm4b:s6+s25], $0x80, s30, s25, $0xb8;
	[tilespmem:$0x10200] =	vst v63  }
0x97: {  	_ =	swait.ge [sflag:s26], $0x2000  }
0x98: {  	[sflag:s26] =	ssyncset.done $0x0  }
0x99: {  	[sflag:s26] =	ssyncadd.s32 $0xFFFFE000  }
0x9a: {  	_ =	swait.ge [sflag:s26], $0x2000  }
0x9b: {  	[sflag:s26] =	ssyncset.done $0x0  }
0x9c: {  	[sflag:s26] =	ssyncadd.s32 $0xFFFFE000  }
0x9d: {  	_ =	swait.ge [sflag:s26], $0x2000  }
0x9e: {  	[sflag:s26] =	ssyncset.done $0x0  }
0x9f: {  	[sflag:s26] =	ssyncadd.s32 $0xFFFFE000  }
0xa0: {  	_ =	swait.ge [sflag:s26], $0x2000  }
0xa1: {  	[sflag:s26] =	ssyncset.done $0x0  }
0xa2: {  	s0 =	rddreg [dreg:$0xc];
	[sflag:s26] =	ssyncadd.s32 $0xFFFFE000  }
0xa3: {  	[hbm4b:s0+s2] =	stream.linear.scatter [tilespmem:s21], [sflag:$0x3], $0x2000, $0x38;
	[tilespmem:$0x10200] =	vst v63  }
0xa4: {  	_ = 	snop  }
0xa5: {  	[hbm4b:s13+s2] =	stream.linear.scatter [tilespmem:s22], [sflag:$0x3], $0x2000, $0x38;
	[tilespmem:$0x10200] =	vst v63  }
0xa6: {  	_ = 	snop  }
0xa7: {  	[hbm4b:s14+s2] =	stream.linear.scatter [tilespmem:s23], [sflag:$0x3], $0x2000, $0x38;
	[tilespmem:$0x10200] =	vst v63  }
0xa8: {  	_ = 	snop  }
0xa9: {  	[hbm4b:s15+s2] =	stream.linear.scatter [tilespmem:s24], [sflag:$0x3], $0x2000, $0x38;
	[tilespmem:$0x10200] =	vst v63  }
0xaa: {  	_ =	swait.ge [sflag:s20], $0x2000  }
0xab: {  	[sflag:s20] =	ssyncset.done $0x0  }
0xac: {  	[sflag:s20] =	ssyncadd.s32 $0xFFFFE000  }
0xad: {  	_ =	swait.ge [sflag:s20], $0x2000  }
0xae: {  	[sflag:s20] =	ssyncset.done $0x0  }
0xaf: {  	[sflag:s20] =	ssyncadd.s32 $0xFFFFE000  }
0xb0: {  	_ =	swait.ge [sflag:s20], $0x2000  }
0xb1: {  	[sflag:s20] =	ssyncset.done $0x0  }
0xb2: {  	[sflag:s20] =	ssyncadd.s32 $0xFFFFE000  }
0xb3: {  	_ =	swait.ge [sflag:s20], $0x2000  }
0xb4: {  	[sflag:s20] =	ssyncset.done $0x0  }
0xb5: {  	[sflag:s20] =	ssyncadd.s32 $0xFFFFE000  }
0xb6: {  	[hbm4b:s8+s2] =	stream.linear.scatter [tilespmem:s16], [sflag:$0x4], $0x2000, $0x38;
	[tilespmem:$0x10200] =	vst v63  }
0xb7: {  	_ = 	snop  }
0xb8: {  	[hbm4b:s9+s2] =	stream.linear.scatter [tilespmem:s17], [sflag:$0x4], $0x2000, $0x38;
	[tilespmem:$0x10200] =	vst v63  }
0xb9: {  	_ = 	snop  }
0xba: {  	[hbm4b:s10+s2] =	stream.linear.scatter [tilespmem:s18], [sflag:$0x4], $0x2000, $0x38;
	[tilespmem:$0x10200] =	vst v63  }
0xbb: {  	_ = 	snop  }
0xbc: {  	[hbm4b:s11+s2] =	stream.linear.scatter [tilespmem:s19], [sflag:$0x4], $0x2000, $0x38;
	[tilespmem:$0x10200] =	vst v63  }
0xbd: {  	_ =	swait.ge [sflag:s12], $0x2000  }
0xbe: {  	[sflag:s12] =	ssyncset.done $0x0  }
0xbf: {  	[sflag:s12] =	ssyncadd.s32 $0xFFFFE000  }
0xc0: {  	_ =	swait.ge [sflag:s12], $0x2000  }
0xc1: {  	[sflag:s12] =	ssyncset.done $0x0  }
0xc2: {  	[sflag:s12] =	ssyncadd.s32 $0xFFFFE000  }
0xc3: {  	_ =	swait.ge [sflag:s12], $0x2000  }
0xc4: {  	[sflag:s12] =	ssyncset.done $0x0  }
0xc5: {  	[sflag:s12] =	ssyncadd.s32 $0xFFFFE000  }
0xc6: {  	_ =	swait.ge [sflag:s12], $0x2000  }
0xc7: {  	[sflag:s12] =	ssyncset.done $0x0  }
0xc8: {  	[sflag:s12] =	ssyncadd.s32 $0xFFFFE000  }
0xc9: {  	_ =	swait.ge [sflag:s7], $0x2000  }
0xca: {  	[sflag:s7] =	ssyncset.done $0x0  }
0xcb: {  	[sflag:s7] =	ssyncadd.s32 $0xFFFFE000  }
0xcc: {  	_ =	swait.ge [sflag:s7], $0x2000  }
0xcd: {  	[sflag:s7] =	ssyncset.done $0x0  }
0xce: {  	p1 =	sne.s32 s1, $0x1;
	[sflag:s7] =	ssyncadd.s32 $0xFFFFE000  }
.Ltmp2:
0xcf: {  	_ =	swait.ge [sflag:s7], $0x2000;
	(pc) =	sbr.rel @p1 .LBB2_2-.Ltmp2, $4  }
0xd0: {  	[sflag:s7] =	ssyncset.done $0x0  }
0xd1: {  	[sflag:s7] =	ssyncadd.s32 $0xFFFFE000  }
0xd2: {  	_ =	swait.ge [sflag:s7], $0x2000  }
0xd3: {  	s1 =	sadd.s32 $0xFFFFFFFF, s1;
	s0 =	rddreg [dreg:$0x8];
	[sflag:s7] =	ssyncset.done $0x0  }
.LBB2_3:
0xd4: {  	[sflag:s7] =	ssyncadd.s32 @p0 $0xFFFFE000  }
0xd5: {  	[tilespmem:s2], [sflag:$0x5] =	stream.linear.gather [hbm4b:s0+s2], $0x40, $0x38;
	[tilespmem:$0x10200] =	vst v63  }
0xd6: {  	_ =	swait.ge [sflag:s28], $0x40  }
0xd7: {  	[sflag:s28] =	ssyncset.done $0x0  }
0xd8: {  	s1 =	rddreg [dreg:$0x9];
	[sflag:s28] =	ssyncadd.s32 $0xFFFFFFC0  }
0xd9: {  	[tilespmem:s31], [sflag:$0x5] =	stream.linear.gather [hbm4b:s1+s2], $0x40, $0x38;
	[tilespmem:$0x10200] =	vst v63  }
0xda: {  	_ =	swait.ge [sflag:s28], $0x40  }
0xdb: {  	[sflag:s28] =	ssyncset.done $0x0  }
0xdc: {  	[sflag:s28] =	ssyncadd.s32 $0xFFFFFFC0  }
0xdd: {  	[tilespmem:s21], [sflag:$0x1] =	stream.indirect.gather [hbm4b:s3+s25], $0x80, s2, s25, $0xb8;
	[tilespmem:$0x10200] =	vst v63  }
0xde: {  	_ = 	snop  }
0xdf: {  	[tilespmem:s22], [sflag:$0x1] =	stream.indirect.gather [hbm4b:s4+s25], $0x80, s31, s25, $0xb8;
	[tilespmem:$0x10200] =	vst v63  }
0xe0: {  	_ = 	snop  }
0xe1: {  	[tilespmem:s23], [sflag:$0x1] =	stream.indirect.gather [hbm4b:s5+s25], $0x80, s2, s25, $0xb8;
	[tilespmem:$0x10200] =	vst v63  }
0xe2: {  	_ = 	snop  }
0xe3: {  	[tilespmem:s24], [sflag:$0x1] =	stream.indirect.gather [hbm4b:s6+s25], $0x80, s31, s25, $0xb8;
	[tilespmem:$0x10200] =	vst v63  }
0xe4: {  	s1 =	rddreg [dreg:$0xa]  }
0xe5: {  	[tilespmem:s29], [sflag:$0x5] =	stream.linear.gather [hbm4b:s1+s2], $0x40, $0x38;
	[tilespmem:$0x10200] =	vst v63  }
0xe6: {  	_ =	swait.ge [sflag:s28], $0x40  }
0xe7: {  	[sflag:s28] =	ssyncset.done $0x0  }
0xe8: {  	s1 =	rddreg [dreg:$0xb];
	[sflag:s28] =	ssyncadd.s32 $0xFFFFFFC0  }
0xe9: {  	[tilespmem:s30], [sflag:$0x5] =	stream.linear.gather [hbm4b:s1+s2], $0x40, $0x38;
	[tilespmem:$0x10200] =	vst v63  }
0xea: {  	_ =	swait.ge [sflag:s28], $0x40  }
0xeb: {  	[sflag:s28] =	ssyncset.done $0x0  }
0xec: {  	[sflag:s28] =	ssyncadd.s32 $0xFFFFFFC0  }
0xed: {  	[tilespmem:s16], [sflag:$0x2] =	stream.indirect.gather [hbm4b:s3+s25], $0x80, s29, s25, $0xb8;
	[tilespmem:$0x10200] =	vst v63  }
0xee: {  	_ = 	snop  }
0xef: {  	[tilespmem:s17], [sflag:$0x2] =	stream.indirect.gather [hbm4b:s4+s25], $0x80, s30, s25, $0xb8;
	[tilespmem:$0x10200] =	vst v63  }
0xf0: {  	_ = 	snop  }
0xf1: {  	[tilespmem:s18], [sflag:$0x2] =	stream.indirect.gather [hbm4b:s5+s25], $0x80, s29, s25, $0xb8;
	[tilespmem:$0x10200] =	vst v63  }
0xf2: {  	_ = 	snop  }
0xf3: {  	[tilespmem:s19], [sflag:$0x2] =	stream.indirect.gather [hbm4b:s6+s25], $0x80, s30, s25, $0xb8;
	[tilespmem:$0x10200] =	vst v63  }
0xf4: {  	_ =	swait.ge [sflag:s26], $0x2000  }
0xf5: {  	[sflag:s26] =	ssyncset.done $0x0  }
0xf6: {  	[sflag:s26] =	ssyncadd.s32 $0xFFFFE000  }
0xf7: {  	_ =	swait.ge [sflag:s26], $0x2000  }
0xf8: {  	[sflag:s26] =	ssyncset.done $0x0  }
0xf9: {  	[sflag:s26] =	ssyncadd.s32 $0xFFFFE000  }
0xfa: {  	_ =	swait.ge [sflag:s26], $0x2000  }
0xfb: {  	[sflag:s26] =	ssyncset.done $0x0  }
0xfc: {  	[sflag:s26] =	ssyncadd.s32 $0xFFFFE000  }
0xfd: {  	_ =	swait.ge [sflag:s26], $0x2000  }
0xfe: {  	[sflag:s26] =	ssyncset.done $0x0  }
0xff: {  	s30 =	rddreg [dreg:$0xc];
	[sflag:s26] =	ssyncadd.s32 $0xFFFFE000  }
0x100: {  	[hbm4b:s30+s2] =	stream.linear.scatter [tilespmem:s21], [sflag:$0x3], $0x2000, $0x38;
	[tilespmem:$0x10200] =	vst v63  }
0x101: {  	_ = 	snop  }
0x102: {  	[hbm4b:s13+s2] =	stream.linear.scatter [tilespmem:s22], [sflag:$0x3], $0x2000, $0x38;
	[tilespmem:$0x10200] =	vst v63  }
0x103: {  	_ = 	snop  }
0x104: {  	[hbm4b:s14+s2] =	stream.linear.scatter [tilespmem:s23], [sflag:$0x3], $0x2000, $0x38;
	[tilespmem:$0x10200] =	vst v63  }
0x105: {  	_ = 	snop  }
0x106: {  	[hbm4b:s15+s2] =	stream.linear.scatter [tilespmem:s24], [sflag:$0x3], $0x2000, $0x38;
	[tilespmem:$0x10200] =	vst v63  }
0x107: {  	_ =	swait.ge [sflag:s20], $0x2000  }
0x108: {  	[sflag:s20] =	ssyncset.done $0x0  }
0x109: {  	[sflag:s20] =	ssyncadd.s32 $0xFFFFE000  }
0x10a: {  	_ =	swait.ge [sflag:s20], $0x2000  }
0x10b: {  	[sflag:s20] =	ssyncset.done $0x0  }
0x10c: {  	[sflag:s20] =	ssyncadd.s32 $0xFFFFE000  }
0x10d: {  	_ =	swait.ge [sflag:s20], $0x2000  }
0x10e: {  	[sflag:s20] =	ssyncset.done $0x0  }
0x10f: {  	[sflag:s20] =	ssyncadd.s32 $0xFFFFE000  }
0x110: {  	_ =	swait.ge [sflag:s20], $0x2000  }
0x111: {  	[sflag:s20] =	ssyncset.done $0x0  }
0x112: {  	[sflag:s20] =	ssyncadd.s32 $0xFFFFE000  }
0x113: {  	[hbm4b:s8+s2] =	stream.linear.scatter [tilespmem:s16], [sflag:$0x4], $0x2000, $0x38;
	[tilespmem:$0x10200] =	vst v63  }
0x114: {  	_ = 	snop  }
0x115: {  	[hbm4b:s9+s2] =	stream.linear.scatter [tilespmem:s17], [sflag:$0x4], $0x2000, $0x38;
	[tilespmem:$0x10200] =	vst v63  }
0x116: {  	_ = 	snop  }
0x117: {  	[hbm4b:s10+s2] =	stream.linear.scatter [tilespmem:s18], [sflag:$0x4], $0x2000, $0x38;
	[tilespmem:$0x10200] =	vst v63  }
0x118: {  	_ = 	snop  }
0x119: {  	[hbm4b:s11+s2] =	stream.linear.scatter [tilespmem:s19], [sflag:$0x4], $0x2000, $0x38;
	[tilespmem:$0x10200] =	vst v63  }
0x11a: {  	_ =	swait.ge [sflag:s12], $0x2000  }
0x11b: {  	[sflag:s12] =	ssyncset.done $0x0  }
0x11c: {  	[sflag:s12] =	ssyncadd.s32 $0xFFFFE000  }
0x11d: {  	_ =	swait.ge [sflag:s12], $0x2000  }
0x11e: {  	[sflag:s12] =	ssyncset.done $0x0  }
0x11f: {  	[sflag:s12] =	ssyncadd.s32 $0xFFFFE000  }
0x120: {  	_ =	swait.ge [sflag:s12], $0x2000  }
0x121: {  	[sflag:s12] =	ssyncset.done $0x0  }
0x122: {  	[sflag:s12] =	ssyncadd.s32 $0xFFFFE000  }
0x123: {  	_ =	swait.ge [sflag:s12], $0x2000  }
0x124: {  	[sflag:s12] =	ssyncset.done $0x0  }
0x125: {  	[sflag:s12] =	ssyncadd.s32 $0xFFFFE000  }
0x126: {  	_ =	swait.ge [sflag:s7], $0x2000  }
0x127: {  	[sflag:s7] =	ssyncset.done $0x0  }
0x128: {  	[sflag:s7] =	ssyncadd.s32 $0xFFFFE000  }
0x129: {  	_ =	swait.ge [sflag:s7], $0x2000  }
0x12a: {  	[sflag:s7] =	ssyncset.done $0x0  }
0x12b: {  	[sflag:s7] =	ssyncadd.s32 $0xFFFFE000  }
0x12c: {  	_ =	swait.ge [sflag:s7], $0x2000  }
0x12d: {  	[sflag:s7] =	ssyncset.done $0x0  }
0x12e: {  	[sflag:s7] =	ssyncadd.s32 $0xFFFFE000  }
0x12f: {  	_ =	swait.ge [sflag:s7], $0x2000  }
0x130: {  	[sflag:s7] =	ssyncset.done $0x0  }
0x131: {  	[sflag:s7] =	ssyncadd.s32 $0xFFFFE000  }
0x132: {  	_ =	sfence.sel $0x180000  }
0x133: {  	[bflag:$0x0] =	sbarrier.arrive $0xFFFF  }
0x134: {  	_ =	strace $0x9000004A  }
0x135: {  	s31 =	stileid.u32;
	[bflag:$0x2] =	sbarrier.arrive $0xFFFF  }
0x136: {  	p0 =	sne.s32 s31, $0x0;
	s0 =	rddreg [dreg:$0x7]  }
0x137: {  	s0 =	sadd.s32 @!p0 $0x100000, s0  }
0x138: {  	[sflag:s0] =	ssyncadd.tile.s32 @!p0 $0x1;
	_ =	shalt  }
.Lfunc_end2:
_tile_overlayer_lowered:
.L_overlay_start_2:
0x139: {  	(tag) =	ssettag $0x2  }
0x13a: {  	s0 =	rddreg [dreg:$0x0];
	s2 =	stileid.u32  }
0x13b: {  	s1 =	rddreg [dreg:$0x1];
	p0 =	sne.s32 s2, $0x0  }
0x13c: {  	s3 =	rddreg [dreg:$0x2];
	[bflag:$0x3] =	sbarrier.arrive $0xFFFF;
	s2 =	simm.s32 @!p0 $0x1C05  }
0x13d: {  	[timem:s3], [sflag:s2] =	dma.local @!p0 [hbm:s0], s1  }
0x13e: {  	s0 =	simm.s32 @!p0 $0x5  }
0x13f: {  	_ =	swait.ge @!p0 [sflag:s0], s1  }
0x140: {  	s1 =	ssub.s32 @!p0 $0x0, s1;
	[sflag:s0] =	ssyncset.done @!p0 $0x0  }
0x141: {  	[sflag:s0] =	ssyncadd.s32 @!p0 s1  }
0x142: {  	[bflag:$0x3] =	sbarrier.arrive $0xFFFF  }
0x143: {  	_ =	shalt  }

</sc_bundles>
